<compile_context>
chip_gen: v7x
topology: tpu7x:2x2x1
jax: 0.10.2.dev20260603
libtpu: 0.0.44.dev20260713+nightly
codegen_flags: <defaults>
</compile_context>

<pallas_src>
import functools

import jax
import jax.numpy as jnp
from jax import lax
from jax.experimental import pallas as pl
from jax.experimental.pallas import tpu as pltpu
from jax.experimental.pallas import tpu_sc as plsc

VOCAB = 1_000_000
D = 64
BATCH = 16384
HIST = 50
B_FLAT = BATCH * HIST

NC, NS, L = 2, 16, 16
NW = NC * NS
NB_W = BATCH // NW
G = 16
GI = G * HIST
NG = NB_W // G
SCALE = 8.0

_SLICES = [(o, 128) for o in range(0, 768, 128)] + [(768, 32)]
assert sum(n for _, n in _SLICES) == GI


def _do_group(x_hbm, tab_hbm, idx_v, rows_v, sem, wid, g):
    base = wid * (NB_W * HIST) + g * GI
    pltpu.sync_copy(x_hbm.at[pl.ds(base, GI)], idx_v)
    return [
        pltpu.async_copy(
            tab_hbm.at[idx_v.at[pl.ds(off, n)]],
            rows_v.at[pl.ds(off, n)],
            sem,
        )
        for off, n in _SLICES
    ]


def _scale_group(rows_v):
    def body(k, c2):
        for u in range(4):
            for c in range(D // L):
                rows_v[4 * k + u, pl.ds(c * L, L)] = (
                    rows_v[4 * k + u, pl.ds(c * L, L)] * SCALE
                )
        return c2

    lax.fori_loop(0, GI // 4, body, 0)


def _write_group(out_hbm, rows_v, sem, wid, g):
    b0 = wid * NB_W + g * G
    return [
        pltpu.async_copy(
            rows_v.at[pl.ds(j * HIST, HIST)],
            out_hbm.at[b0 + j],
            sem,
        )
        for j in range(G)
    ]


def _emb_body(x_hbm, tab_hbm, out_hbm, idx_a, rows_a, idx_b, rows_b, sem_a, sem_b, sem_o):
    wid = lax.axis_index("s") * NC + lax.axis_index("c")

    def pair_body(k, carry):
        cps_a = _do_group(x_hbm, tab_hbm, idx_a, rows_a, sem_a, wid, 2 * k)
        cps_b = _do_group(x_hbm, tab_hbm, idx_b, rows_b, sem_b, wid, 2 * k + 1)
        for cp in cps_a:
            cp.wait()
        _scale_group(rows_a)
        out_a = _write_group(out_hbm, rows_a, sem_o, wid, 2 * k)
        for cp in cps_b:
            cp.wait()
        _scale_group(rows_b)
        out_b = _write_group(out_hbm, rows_b, sem_o, wid, 2 * k + 1)
        for cp in out_a + out_b:
            cp.wait()
        return carry

    lax.fori_loop(0, NG // 2, pair_body, 0)


@functools.partial(
    pl.kernel,
    out_type=jax.ShapeDtypeStruct((BATCH, HIST, D), jnp.float32),
    mesh=plsc.VectorSubcoreMesh(core_axis_name="c", subcore_axis_name="s"),
    scratch_types=[
        pltpu.VMEM((GI,), jnp.int32),
        pltpu.VMEM((GI, D), jnp.float32),
        pltpu.VMEM((GI,), jnp.int32),
        pltpu.VMEM((GI, D), jnp.float32),
        pltpu.SemaphoreType.DMA,
        pltpu.SemaphoreType.DMA,
        pltpu.SemaphoreType.DMA,
    ],
    compiler_params=pltpu.CompilerParams(use_tc_tiling_on_sc=False),
)
def _emb(x_hbm, tab_hbm, out_hbm, idx_a, rows_a, idx_b, rows_b, sem_a, sem_b, sem_o):
    _emb_body(x_hbm, tab_hbm, out_hbm, idx_a, rows_a, idx_b, rows_b, sem_a, sem_b, sem_o)


def kernel(x, embedding_table):
    xf = x.reshape(B_FLAT)
    return _emb(xf, embedding_table)

# --- scband reference (transcript-rebuilt; emitter-appended) ---
"""Pipeline reference for scband-embedder-45681272160682 (READ-ONLY COPY).

The authoritative reference and input builder live on the scoring server;
editing this copy changes nothing except your own understanding.
"""

import jax, jax.numpy as jnp
import numpy as np

VOCAB_SIZE = 1000000
EMBED_DIM = 64
BATCH = 16384
HIST_LEN = 50

def setup_inputs(seed: int = 0) -> dict:
    key = jax.random.key(seed)
    k_idx, k_tab = jax.random.split(key)
    x = jax.random.randint(k_idx, (BATCH, HIST_LEN), 0, VOCAB_SIZE, dtype=jnp.int64 if jax.config.jax_enable_x64 else jnp.int32)
    embedding_table = jax.random.normal(k_tab, (VOCAB_SIZE, EMBED_DIM), dtype=jnp.float32) * 0.02
    return {"x": x, "embedding_table": embedding_table}

def reference(x, embedding_table):
    # Embedder.encode: gather rows from the table, then scale by sqrt(embed_dim).
    # (sharding constraint is a no-op numerically and omitted here)
    out = jnp.take(embedding_table, x, axis=0)
    out = out * jnp.sqrt(jnp.asarray(EMBED_DIM, dtype=out.dtype))
    return out

if __name__ == "__main__":
    import jax
    _d = setup_inputs()
    print(jax.jit(kernel)(*tuple(_d.values())))

</pallas_src>

<mosaic_0001>
#map = affine_map<(d0, d1) -> (0)>
#map1 = affine_map<(d0, d1) -> (0, 0)>
#map2 = affine_map<(d0, d1) -> (0, 0, 0)>
module attributes {stable_mosaic.version = 14 : i64} {
  func.func @_emb(%arg0: i32, %arg1: i32, %arg2: memref<819200xi32, #tpu.memory_space<hbm>>, %arg3: memref<1000000x64xf32, #tpu.memory_space<hbm>>, %arg4: memref<16384x50x64xf32, #tpu.memory_space<hbm>>, %arg5: memref<800xi32, #tpu.memory_space<vmem>>, %arg6: memref<800x64xf32, #tpu.memory_space<vmem>>, %arg7: memref<800xi32, #tpu.memory_space<vmem>>, %arg8: memref<800x64xf32, #tpu.memory_space<vmem>>, %arg9: memref<!tpu.dma_semaphore, #tpu.memory_space<semaphore_mem>>, %arg10: memref<!tpu.dma_semaphore, #tpu.memory_space<semaphore_mem>>, %arg11: memref<!tpu.dma_semaphore, #tpu.memory_space<semaphore_mem>>) attributes {dimension_semantics = [#tpu.dimension_semantics<core_parallel>, #tpu.dimension_semantics<subcore_parallel>], iteration_bounds = array<i64: 2, 16>, scalar_prefetch = 0 : i64, scratch_operands = 7 : i64, tpu.core_type = #tpu.core_type<sc_vector_subcore>, window_params = [{transform_indices = #map}, {transform_indices = #map1}, {transform_indices = #map2}]} {
    %mul3A = arith.constant 2 : i32
    %mul3A_0 = arith.muli %arg1, %mul3A : i32
    %add3A = arith.addi %mul3A_0, %arg0 : i32
    %scan3A = arith.constant 0 : i32
    %scan3A_1 = arith.constant 0 : i32
    %scan3A_2 = arith.constant 16 : i32
    %scan3A_3 = arith.addi %scan3A_1, %scan3A_2 : i32
    %scan3A_4 = arith.constant 1 : i32
    scf.for %scan3A_6 = %scan3A_1 to %scan3A_3 step %scan3A_4  : i32 {
      %mul3A_7 = arith.constant 2 : i32
      %mul3A_8 = arith.muli %mul3A_7, %scan3A_6 : i32
      %mul3A_9 = arith.constant 25600 : i32
      %mul3A_10 = arith.muli %add3A, %mul3A_9 : i32
      %mul3A_11 = arith.constant 800 : i32
      %mul3A_12 = arith.muli %mul3A_8, %mul3A_11 : i32
      %add3A_13 = arith.addi %mul3A_10, %mul3A_12 : i32
      "tpu.region"() ({
        %run_scoped3A = tpu.sem_alloc : memref<!tpu.dma_semaphore, #tpu.memory_space<semaphore_mem>>
        %dma_start3A_1233 = tpu.memref_slice %arg2[%add3A_13] : memref<819200xi32, #tpu.memory_space<hbm>> -> memref<800xi32, #tpu.memory_space<hbm>>
        %dma_start3A_1234 = tpu.memref_slice %arg2[%add3A_13] : memref<819200xi32, #tpu.memory_space<hbm>> -> memref<800xi32, #tpu.memory_space<hbm>>
        tpu.enqueue_dma source(%dma_start3A_1234 : memref<800xi32, #tpu.memory_space<hbm>>) target(%arg5 : memref<800xi32, #tpu.memory_space<vmem>>) target_semaphore(%run_scoped3A : memref<!tpu.dma_semaphore, #tpu.memory_space<semaphore_mem>>)
        %dma_wait3A_1235 = tpu.memref_slice %arg2[%add3A_13] : memref<819200xi32, #tpu.memory_space<hbm>> -> memref<800xi32, #tpu.memory_space<hbm>>
        %dma_wait3A_1236 = tpu.memref_slice %arg2[%add3A_13] : memref<819200xi32, #tpu.memory_space<hbm>> -> memref<800xi32, #tpu.memory_space<hbm>>
        tpu.wait_dma2 semaphore(%run_scoped3A : memref<!tpu.dma_semaphore, #tpu.memory_space<semaphore_mem>>) src(%dma_wait3A_1236 : memref<800xi32, #tpu.memory_space<hbm>>) dst(%arg5 : memref<800xi32, #tpu.memory_space<vmem>>)
        tpu.yield
      }) : () -> ()
      %dma_start3A = arith.constant 0 : i32
      %dma_start3A_14 = arith.constant 0 : i32
      %dma_start3A_15 = tpu.memref_slice %arg6[%dma_start3A, %dma_start3A_14] : memref<800x64xf32, #tpu.memory_space<vmem>> -> memref<128x64xf32, #tpu.memory_space<vmem>>
      %dma_start3A_16 = arith.constant 0 : i32
      %dma_start3A_17 = tpu.memref_slice %arg5[%dma_start3A_16] : memref<800xi32, #tpu.memory_space<vmem>> -> memref<128xi32, #tpu.memory_space<vmem>>
      %dma_start3A_18 = arith.constant 0 : i32
      %dma_start3A_19 = arith.constant 0 : i32
      %dma_start3A_20 = tpu.memref_slice %arg3[%dma_start3A_18, %dma_start3A_19] : memref<1000000x64xf32, #tpu.memory_space<hbm>> -> memref<1000000x64xf32, #tpu.memory_space<hbm>>
      tpu.enqueue_indirect_dma source(%dma_start3A_20 : memref<1000000x64xf32, #tpu.memory_space<hbm>>) target(%dma_start3A_15 : memref<128x64xf32, #tpu.memory_space<vmem>>) offsets(%dma_start3A_17 : memref<128xi32, #tpu.memory_space<vmem>>) semaphore(%arg9 : memref<!tpu.dma_semaphore, #tpu.memory_space<semaphore_mem>>)
      %dma_start3A_21 = arith.constant 128 : i32
      %dma_start3A_22 = arith.constant 0 : i32
      %dma_start3A_23 = tpu.memref_slice %arg6[%dma_start3A_21, %dma_start3A_22] : memref<800x64xf32, #tpu.memory_space<vmem>> -> memref<128x64xf32, #tpu.memory_space<vmem>>
      %dma_start3A_24 = arith.constant 128 : i32
      %dma_start3A_25 = tpu.memref_slice %arg5[%dma_start3A_24] : memref<800xi32, #tpu.memory_space<vmem>> -> memref<128xi32, #tpu.memory_space<vmem>>
      %dma_start3A_26 = arith.constant 0 : i32
      %dma_start3A_27 = arith.constant 0 : i32
      %dma_start3A_28 = tpu.memref_slice %arg3[%dma_start3A_26, %dma_start3A_27] : memref<1000000x64xf32, #tpu.memory_space<hbm>> -> memref<1000000x64xf32, #tpu.memory_space<hbm>>
      tpu.enqueue_indirect_dma source(%dma_start3A_28 : memref<1000000x64xf32, #tpu.memory_space<hbm>>) target(%dma_start3A_23 : memref<128x64xf32, #tpu.memory_space<vmem>>) offsets(%dma_start3A_25 : memref<128xi32, #tpu.memory_space<vmem>>) semaphore(%arg9 : memref<!tpu.dma_semaphore, #tpu.memory_space<semaphore_mem>>)
      %dma_start3A_29 = arith.constant 256 : i32
      %dma_start3A_30 = arith.constant 0 : i32
      %dma_start3A_31 = tpu.memref_slice %arg6[%dma_start3A_29, %dma_start3A_30] : memref<800x64xf32, #tpu.memory_space<vmem>> -> memref<128x64xf32, #tpu.memory_space<vmem>>
      %dma_start3A_32 = arith.constant 256 : i32
      %dma_start3A_33 = tpu.memref_slice %arg5[%dma_start3A_32] : memref<800xi32, #tpu.memory_space<vmem>> -> memref<128xi32, #tpu.memory_space<vmem>>
      %dma_start3A_34 = arith.constant 0 : i32
      %dma_start3A_35 = arith.constant 0 : i32
      %dma_start3A_36 = tpu.memref_slice %arg3[%dma_start3A_34, %dma_start3A_35] : memref<1000000x64xf32, #tpu.memory_space<hbm>> -> memref<1000000x64xf32, #tpu.memory_space<hbm>>
      tpu.enqueue_indirect_dma source(%dma_start3A_36 : memref<1000000x64xf32, #tpu.memory_space<hbm>>) target(%dma_start3A_31 : memref<128x64xf32, #tpu.memory_space<vmem>>) offsets(%dma_start3A_33 : memref<128xi32, #tpu.memory_space<vmem>>) semaphore(%arg9 : memref<!tpu.dma_semaphore, #tpu.memory_space<semaphore_mem>>)
      %dma_start3A_37 = arith.constant 384 : i32
      %dma_start3A_38 = arith.constant 0 : i32
      %dma_start3A_39 = tpu.memref_slice %arg6[%dma_start3A_37, %dma_start3A_38] : memref<800x64xf32, #tpu.memory_space<vmem>> -> memref<128x64xf32, #tpu.memory_space<vmem>>
      %dma_start3A_40 = arith.constant 384 : i32
      %dma_start3A_41 = tpu.memref_slice %arg5[%dma_start3A_40] : memref<800xi32, #tpu.memory_space<vmem>> -> memref<128xi32, #tpu.memory_space<vmem>>
      %dma_start3A_42 = arith.constant 0 : i32
      %dma_start3A_43 = arith.constant 0 : i32
      %dma_start3A_44 = tpu.memref_slice %arg3[%dma_start3A_42, %dma_start3A_43] : memref<1000000x64xf32, #tpu.memory_space<hbm>> -> memref<1000000x64xf32, #tpu.memory_space<hbm>>
      tpu.enqueue_indirect_dma source(%dma_start3A_44 : memref<1000000x64xf32, #tpu.memory_space<hbm>>) target(%dma_start3A_39 : memref<128x64xf32, #tpu.memory_space<vmem>>) offsets(%dma_start3A_41 : memref<128xi32, #tpu.memory_space<vmem>>) semaphore(%arg9 : memref<!tpu.dma_semaphore, #tpu.memory_space<semaphore_mem>>)
      %dma_start3A_45 = arith.constant 512 : i32
      %dma_start3A_46 = arith.constant 0 : i32
      %dma_start3A_47 = tpu.memref_slice %arg6[%dma_start3A_45, %dma_start3A_46] : memref<800x64xf32, #tpu.memory_space<vmem>> -> memref<128x64xf32, #tpu.memory_space<vmem>>
      %dma_start3A_48 = arith.constant 512 : i32
      %dma_start3A_49 = tpu.memref_slice %arg5[%dma_start3A_48] : memref<800xi32, #tpu.memory_space<vmem>> -> memref<128xi32, #tpu.memory_space<vmem>>
      %dma_start3A_50 = arith.constant 0 : i32
      %dma_start3A_51 = arith.constant 0 : i32
      %dma_start3A_52 = tpu.memref_slice %arg3[%dma_start3A_50, %dma_start3A_51] : memref<1000000x64xf32, #tpu.memory_space<hbm>> -> memref<1000000x64xf32, #tpu.memory_space<hbm>>
      tpu.enqueue_indirect_dma source(%dma_start3A_52 : memref<1000000x64xf32, #tpu.memory_space<hbm>>) target(%dma_start3A_47 : memref<128x64xf32, #tpu.memory_space<vmem>>) offsets(%dma_start3A_49 : memref<128xi32, #tpu.memory_space<vmem>>) semaphore(%arg9 : memref<!tpu.dma_semaphore, #tpu.memory_space<semaphore_mem>>)
      %dma_start3A_53 = arith.constant 640 : i32
      %dma_start3A_54 = arith.constant 0 : i32
      %dma_start3A_55 = tpu.memref_slice %arg6[%dma_start3A_53, %dma_start3A_54] : memref<800x64xf32, #tpu.memory_space<vmem>> -> memref<128x64xf32, #tpu.memory_space<vmem>>
      %dma_start3A_56 = arith.constant 640 : i32
      %dma_start3A_57 = tpu.memref_slice %arg5[%dma_start3A_56] : memref<800xi32, #tpu.memory_space<vmem>> -> memref<128xi32, #tpu.memory_space<vmem>>
      %dma_start3A_58 = arith.constant 0 : i32
      %dma_start3A_59 = arith.constant 0 : i32
      %dma_start3A_60 = tpu.memref_slice %arg3[%dma_start3A_58, %dma_start3A_59] : memref<1000000x64xf32, #tpu.memory_space<hbm>> -> memref<1000000x64xf32, #tpu.memory_space<hbm>>
      tpu.enqueue_indirect_dma source(%dma_start3A_60 : memref<1000000x64xf32, #tpu.memory_space<hbm>>) target(%dma_start3A_55 : memref<128x64xf32, #tpu.memory_space<vmem>>) offsets(%dma_start3A_57 : memref<128xi32, #tpu.memory_space<vmem>>) semaphore(%arg9 : memref<!tpu.dma_semaphore, #tpu.memory_space<semaphore_mem>>)
      %dma_start3A_61 = arith.constant 768 : i32
      %dma_start3A_62 = arith.constant 0 : i32
      %dma_start3A_63 = tpu.memref_slice %arg6[%dma_start3A_61, %dma_start3A_62] : memref<800x64xf32, #tpu.memory_space<vmem>> -> memref<32x64xf32, #tpu.memory_space<vmem>>
      %dma_start3A_64 = arith.constant 768 : i32
      %dma_start3A_65 = tpu.memref_slice %arg5[%dma_start3A_64] : memref<800xi32, #tpu.memory_space<vmem>> -> memref<32xi32, #tpu.memory_space<vmem>>
      %dma_start3A_66 = arith.constant 0 : i32
      %dma_start3A_67 = arith.constant 0 : i32
      %dma_start3A_68 = tpu.memref_slice %arg3[%dma_start3A_66, %dma_start3A_67] : memref<1000000x64xf32, #tpu.memory_space<hbm>> -> memref<1000000x64xf32, #tpu.memory_space<hbm>>
      tpu.enqueue_indirect_dma source(%dma_start3A_68 : memref<1000000x64xf32, #tpu.memory_space<hbm>>) target(%dma_start3A_63 : memref<32x64xf32, #tpu.memory_space<vmem>>) offsets(%dma_start3A_65 : memref<32xi32, #tpu.memory_space<vmem>>) semaphore(%arg9 : memref<!tpu.dma_semaphore, #tpu.memory_space<semaphore_mem>>)
      %mul3A_69 = arith.constant 2 : i32
      %mul3A_70 = arith.muli %mul3A_69, %scan3A_6 : i32
      %add3A_71 = arith.constant 1 : i32
      %add3A_72 = arith.addi %mul3A_70, %add3A_71 : i32
      %mul3A_73 = arith.constant 25600 : i32
      %mul3A_74 = arith.muli %add3A, %mul3A_73 : i32
      %mul3A_75 = arith.constant 800 : i32
      %mul3A_76 = arith.muli %add3A_72, %mul3A_75 : i32
      %add3A_77 = arith.addi %mul3A_74, %mul3A_76 : i32
      "tpu.region"() ({
        %run_scoped3A = tpu.sem_alloc : memref<!tpu.dma_semaphore, #tpu.memory_space<semaphore_mem>>
        %dma_start3A_1233 = tpu.memref_slice %arg2[%add3A_77] : memref<819200xi32, #tpu.memory_space<hbm>> -> memref<800xi32, #tpu.memory_space<hbm>>
        %dma_start3A_1234 = tpu.memref_slice %arg2[%add3A_77] : memref<819200xi32, #tpu.memory_space<hbm>> -> memref<800xi32, #tpu.memory_space<hbm>>
        tpu.enqueue_dma source(%dma_start3A_1234 : memref<800xi32, #tpu.memory_space<hbm>>) target(%arg7 : memref<800xi32, #tpu.memory_space<vmem>>) target_semaphore(%run_scoped3A : memref<!tpu.dma_semaphore, #tpu.memory_space<semaphore_mem>>)
        %dma_wait3A_1235 = tpu.memref_slice %arg2[%add3A_77] : memref<819200xi32, #tpu.memory_space<hbm>> -> memref<800xi32, #tpu.memory_space<hbm>>
        %dma_wait3A_1236 = tpu.memref_slice %arg2[%add3A_77] : memref<819200xi32, #tpu.memory_space<hbm>> -> memref<800xi32, #tpu.memory_space<hbm>>
        tpu.wait_dma2 semaphore(%run_scoped3A : memref<!tpu.dma_semaphore, #tpu.memory_space<semaphore_mem>>) src(%dma_wait3A_1236 : memref<800xi32, #tpu.memory_space<hbm>>) dst(%arg7 : memref<800xi32, #tpu.memory_space<vmem>>)
        tpu.yield
      }) : () -> ()
      %dma_start3A_78 = arith.constant 0 : i32
      %dma_start3A_79 = arith.constant 0 : i32
      %dma_start3A_80 = tpu.memref_slice %arg8[%dma_start3A_78, %dma_start3A_79] : memref<800x64xf32, #tpu.memory_space<vmem>> -> memref<128x64xf32, #tpu.memory_space<vmem>>
      %dma_start3A_81 = arith.constant 0 : i32
      %dma_start3A_82 = tpu.memref_slice %arg7[%dma_start3A_81] : memref<800xi32, #tpu.memory_space<vmem>> -> memref<128xi32, #tpu.memory_space<vmem>>
      %dma_start3A_83 = arith.constant 0 : i32
      %dma_start3A_84 = arith.constant 0 : i32
      %dma_start3A_85 = tpu.memref_slice %arg3[%dma_start3A_83, %dma_start3A_84] : memref<1000000x64xf32, #tpu.memory_space<hbm>> -> memref<1000000x64xf32, #tpu.memory_space<hbm>>
      tpu.enqueue_indirect_dma source(%dma_start3A_85 : memref<1000000x64xf32, #tpu.memory_space<hbm>>) target(%dma_start3A_80 : memref<128x64xf32, #tpu.memory_space<vmem>>) offsets(%dma_start3A_82 : memref<128xi32, #tpu.memory_space<vmem>>) semaphore(%arg10 : memref<!tpu.dma_semaphore, #tpu.memory_space<semaphore_mem>>)
      %dma_start3A_86 = arith.constant 128 : i32
      %dma_start3A_87 = arith.constant 0 : i32
      %dma_start3A_88 = tpu.memref_slice %arg8[%dma_start3A_86, %dma_start3A_87] : memref<800x64xf32, #tpu.memory_space<vmem>> -> memref<128x64xf32, #tpu.memory_space<vmem>>
      %dma_start3A_89 = arith.constant 128 : i32
      %dma_start3A_90 = tpu.memref_slice %arg7[%dma_start3A_89] : memref<800xi32, #tpu.memory_space<vmem>> -> memref<128xi32, #tpu.memory_space<vmem>>
      %dma_start3A_91 = arith.constant 0 : i32
      %dma_start3A_92 = arith.constant 0 : i32
      %dma_start3A_93 = tpu.memref_slice %arg3[%dma_start3A_91, %dma_start3A_92] : memref<1000000x64xf32, #tpu.memory_space<hbm>> -> memref<1000000x64xf32, #tpu.memory_space<hbm>>
      tpu.enqueue_indirect_dma source(%dma_start3A_93 : memref<1000000x64xf32, #tpu.memory_space<hbm>>) target(%dma_start3A_88 : memref<128x64xf32, #tpu.memory_space<vmem>>) offsets(%dma_start3A_90 : memref<128xi32, #tpu.memory_space<vmem>>) semaphore(%arg10 : memref<!tpu.dma_semaphore, #tpu.memory_space<semaphore_mem>>)
      %dma_start3A_94 = arith.constant 256 : i32
      %dma_start3A_95 = arith.constant 0 : i32
      %dma_start3A_96 = tpu.memref_slice %arg8[%dma_start3A_94, %dma_start3A_95] : memref<800x64xf32, #tpu.memory_space<vmem>> -> memref<128x64xf32, #tpu.memory_space<vmem>>
      %dma_start3A_97 = arith.constant 256 : i32
      %dma_start3A_98 = tpu.memref_slice %arg7[%dma_start3A_97] : memref<800xi32, #tpu.memory_space<vmem>> -> memref<128xi32, #tpu.memory_space<vmem>>
      %dma_start3A_99 = arith.constant 0 : i32
      %dma_start3A_100 = arith.constant 0 : i32
      %dma_start3A_101 = tpu.memref_slice %arg3[%dma_start3A_99, %dma_start3A_100] : memref<1000000x64xf32, #tpu.memory_space<hbm>> -> memref<1000000x64xf32, #tpu.memory_space<hbm>>
      tpu.enqueue_indirect_dma source(%dma_start3A_101 : memref<1000000x64xf32, #tpu.memory_space<hbm>>) target(%dma_start3A_96 : memref<128x64xf32, #tpu.memory_space<vmem>>) offsets(%dma_start3A_98 : memref<128xi32, #tpu.memory_space<vmem>>) semaphore(%arg10 : memref<!tpu.dma_semaphore, #tpu.memory_space<semaphore_mem>>)
      %dma_start3A_102 = arith.constant 384 : i32
      %dma_start3A_103 = arith.constant 0 : i32
      %dma_start3A_104 = tpu.memref_slice %arg8[%dma_start3A_102, %dma_start3A_103] : memref<800x64xf32, #tpu.memory_space<vmem>> -> memref<128x64xf32, #tpu.memory_space<vmem>>
      %dma_start3A_105 = arith.constant 384 : i32
      %dma_start3A_106 = tpu.memref_slice %arg7[%dma_start3A_105] : memref<800xi32, #tpu.memory_space<vmem>> -> memref<128xi32, #tpu.memory_space<vmem>>
      %dma_start3A_107 = arith.constant 0 : i32
      %dma_start3A_108 = arith.constant 0 : i32
      %dma_start3A_109 = tpu.memref_slice %arg3[%dma_start3A_107, %dma_start3A_108] : memref<1000000x64xf32, #tpu.memory_space<hbm>> -> memref<1000000x64xf32, #tpu.memory_space<hbm>>
      tpu.enqueue_indirect_dma source(%dma_start3A_109 : memref<1000000x64xf32, #tpu.memory_space<hbm>>) target(%dma_start3A_104 : memref<128x64xf32, #tpu.memory_space<vmem>>) offsets(%dma_start3A_106 : memref<128xi32, #tpu.memory_space<vmem>>) semaphore(%arg10 : memref<!tpu.dma_semaphore, #tpu.memory_space<semaphore_mem>>)
      %dma_start3A_110 = arith.constant 512 : i32
      %dma_start3A_111 = arith.constant 0 : i32
      %dma_start3A_112 = tpu.memref_slice %arg8[%dma_start3A_110, %dma_start3A_111] : memref<800x64xf32, #tpu.memory_space<vmem>> -> memref<128x64xf32, #tpu.memory_space<vmem>>
      %dma_start3A_113 = arith.constant 512 : i32
      %dma_start3A_114 = tpu.memref_slice %arg7[%dma_start3A_113] : memref<800xi32, #tpu.memory_space<vmem>> -> memref<128xi32, #tpu.memory_space<vmem>>
      %dma_start3A_115 = arith.constant 0 : i32
      %dma_start3A_116 = arith.constant 0 : i32
      %dma_start3A_117 = tpu.memref_slice %arg3[%dma_start3A_115, %dma_start3A_116] : memref<1000000x64xf32, #tpu.memory_space<hbm>> -> memref<1000000x64xf32, #tpu.memory_space<hbm>>
      tpu.enqueue_indirect_dma source(%dma_start3A_117 : memref<1000000x64xf32, #tpu.memory_space<hbm>>) target(%dma_start3A_112 : memref<128x64xf32, #tpu.memory_space<vmem>>) offsets(%dma_start3A_114 : memref<128xi32, #tpu.memory_space<vmem>>) semaphore(%arg10 : memref<!tpu.dma_semaphore, #tpu.memory_space<semaphore_mem>>)
      %dma_start3A_118 = arith.constant 640 : i32
      %dma_start3A_119 = arith.constant 0 : i32
      %dma_start3A_120 = tpu.memref_slice %arg8[%dma_start3A_118, %dma_start3A_119] : memref<800x64xf32, #tpu.memory_space<vmem>> -> memref<128x64xf32, #tpu.memory_space<vmem>>
      %dma_start3A_121 = arith.constant 640 : i32
      %dma_start3A_122 = tpu.memref_slice %arg7[%dma_start3A_121] : memref<800xi32, #tpu.memory_space<vmem>> -> memref<128xi32, #tpu.memory_space<vmem>>
      %dma_start3A_123 = arith.constant 0 : i32
      %dma_start3A_124 = arith.constant 0 : i32
      %dma_start3A_125 = tpu.memref_slice %arg3[%dma_start3A_123, %dma_start3A_124] : memref<1000000x64xf32, #tpu.memory_space<hbm>> -> memref<1000000x64xf32, #tpu.memory_space<hbm>>
      tpu.enqueue_indirect_dma source(%dma_start3A_125 : memref<1000000x64xf32, #tpu.memory_space<hbm>>) target(%dma_start3A_120 : memref<128x64xf32, #tpu.memory_space<vmem>>) offsets(%dma_start3A_122 : memref<128xi32, #tpu.memory_space<vmem>>) semaphore(%arg10 : memref<!tpu.dma_semaphore, #tpu.memory_space<semaphore_mem>>)
      %dma_start3A_126 = arith.constant 768 : i32
      %dma_start3A_127 = arith.constant 0 : i32
      %dma_start3A_128 = tpu.memref_slice %arg8[%dma_start3A_126, %dma_start3A_127] : memref<800x64xf32, #tpu.memory_space<vmem>> -> memref<32x64xf32, #tpu.memory_space<vmem>>
      %dma_start3A_129 = arith.constant 768 : i32
      %dma_start3A_130 = tpu.memref_slice %arg7[%dma_start3A_129] : memref<800xi32, #tpu.memory_space<vmem>> -> memref<32xi32, #tpu.memory_space<vmem>>
      %dma_start3A_131 = arith.constant 0 : i32
      %dma_start3A_132 = arith.constant 0 : i32
      %dma_start3A_133 = tpu.memref_slice %arg3[%dma_start3A_131, %dma_start3A_132] : memref<1000000x64xf32, #tpu.memory_space<hbm>> -> memref<1000000x64xf32, #tpu.memory_space<hbm>>
      tpu.enqueue_indirect_dma source(%dma_start3A_133 : memref<1000000x64xf32, #tpu.memory_space<hbm>>) target(%dma_start3A_128 : memref<32x64xf32, #tpu.memory_space<vmem>>) offsets(%dma_start3A_130 : memref<32xi32, #tpu.memory_space<vmem>>) semaphore(%arg10 : memref<!tpu.dma_semaphore, #tpu.memory_space<semaphore_mem>>)
      %dma_wait3A = arith.constant 0 : i32
      %dma_wait3A_134 = arith.constant 0 : i32
      %dma_wait3A_135 = tpu.memref_slice %arg6[%dma_wait3A, %dma_wait3A_134] : memref<800x64xf32, #tpu.memory_space<vmem>> -> memref<128x64xf32, #tpu.memory_space<vmem>>
      %dma_wait3A_136 = arith.constant 0 : i32
      %dma_wait3A_137 = tpu.memref_slice %arg5[%dma_wait3A_136] : memref<800xi32, #tpu.memory_space<vmem>> -> memref<128xi32, #tpu.memory_space<vmem>>
      %dma_wait3A_138 = arith.constant 0 : i32
      %dma_wait3A_139 = arith.constant 0 : i32
      %dma_wait3A_140 = tpu.memref_slice %arg3[%dma_wait3A_138, %dma_wait3A_139] : memref<1000000x64xf32, #tpu.memory_space<hbm>> -> memref<1000000x64xf32, #tpu.memory_space<hbm>>
      tpu.wait_indirect_dma semaphore(%arg9 : memref<!tpu.dma_semaphore, #tpu.memory_space<semaphore_mem>>) src(%dma_wait3A_140 : memref<1000000x64xf32, #tpu.memory_space<hbm>>) dst(%dma_wait3A_135 : memref<128x64xf32, #tpu.memory_space<vmem>>)
      %dma_wait3A_141 = arith.constant 128 : i32
      %dma_wait3A_142 = arith.constant 0 : i32
      %dma_wait3A_143 = tpu.memref_slice %arg6[%dma_wait3A_141, %dma_wait3A_142] : memref<800x64xf32, #tpu.memory_space<vmem>> -> memref<128x64xf32, #tpu.memory_space<vmem>>
      %dma_wait3A_144 = arith.constant 128 : i32
      %dma_wait3A_145 = tpu.memref_slice %arg5[%dma_wait3A_144] : memref<800xi32, #tpu.memory_space<vmem>> -> memref<128xi32, #tpu.memory_space<vmem>>
      %dma_wait3A_146 = arith.constant 0 : i32
      %dma_wait3A_147 = arith.constant 0 : i32
      %dma_wait3A_148 = tpu.memref_slice %arg3[%dma_wait3A_146, %dma_wait3A_147] : memref<1000000x64xf32, #tpu.memory_space<hbm>> -> memref<1000000x64xf32, #tpu.memory_space<hbm>>
      tpu.wait_indirect_dma semaphore(%arg9 : memref<!tpu.dma_semaphore, #tpu.memory_space<semaphore_mem>>) src(%dma_wait3A_148 : memref<1000000x64xf32, #tpu.memory_space<hbm>>) dst(%dma_wait3A_143 : memref<128x64xf32, #tpu.memory_space<vmem>>)
      %dma_wait3A_149 = arith.constant 256 : i32
      %dma_wait3A_150 = arith.constant 0 : i32
      %dma_wait3A_151 = tpu.memref_slice %arg6[%dma_wait3A_149, %dma_wait3A_150] : memref<800x64xf32, #tpu.memory_space<vmem>> -> memref<128x64xf32, #tpu.memory_space<vmem>>
      %dma_wait3A_152 = arith.constant 256 : i32
      %dma_wait3A_153 = tpu.memref_slice %arg5[%dma_wait3A_152] : memref<800xi32, #tpu.memory_space<vmem>> -> memref<128xi32, #tpu.memory_space<vmem>>
      %dma_wait3A_154 = arith.constant 0 : i32
      %dma_wait3A_155 = arith.constant 0 : i32
      %dma_wait3A_156 = tpu.memref_slice %arg3[%dma_wait3A_154, %dma_wait3A_155] : memref<1000000x64xf32, #tpu.memory_space<hbm>> -> memref<1000000x64xf32, #tpu.memory_space<hbm>>
      tpu.wait_indirect_dma semaphore(%arg9 : memref<!tpu.dma_semaphore, #tpu.memory_space<semaphore_mem>>) src(%dma_wait3A_156 : memref<1000000x64xf32, #tpu.memory_space<hbm>>) dst(%dma_wait3A_151 : memref<128x64xf32, #tpu.memory_space<vmem>>)
      %dma_wait3A_157 = arith.constant 384 : i32
      %dma_wait3A_158 = arith.constant 0 : i32
      %dma_wait3A_159 = tpu.memref_slice %arg6[%dma_wait3A_157, %dma_wait3A_158] : memref<800x64xf32, #tpu.memory_space<vmem>> -> memref<128x64xf32, #tpu.memory_space<vmem>>
      %dma_wait3A_160 = arith.constant 384 : i32
      %dma_wait3A_161 = tpu.memref_slice %arg5[%dma_wait3A_160] : memref<800xi32, #tpu.memory_space<vmem>> -> memref<128xi32, #tpu.memory_space<vmem>>
      %dma_wait3A_162 = arith.constant 0 : i32
      %dma_wait3A_163 = arith.constant 0 : i32
      %dma_wait3A_164 = tpu.memref_slice %arg3[%dma_wait3A_162, %dma_wait3A_163] : memref<1000000x64xf32, #tpu.memory_space<hbm>> -> memref<1000000x64xf32, #tpu.memory_space<hbm>>
      tpu.wait_indirect_dma semaphore(%arg9 : memref<!tpu.dma_semaphore, #tpu.memory_space<semaphore_mem>>) src(%dma_wait3A_164 : memref<1000000x64xf32, #tpu.memory_space<hbm>>) dst(%dma_wait3A_159 : memref<128x64xf32, #tpu.memory_space<vmem>>)
      %dma_wait3A_165 = arith.constant 512 : i32
      %dma_wait3A_166 = arith.constant 0 : i32
      %dma_wait3A_167 = tpu.memref_slice %arg6[%dma_wait3A_165, %dma_wait3A_166] : memref<800x64xf32, #tpu.memory_space<vmem>> -> memref<128x64xf32, #tpu.memory_space<vmem>>
      %dma_wait3A_168 = arith.constant 512 : i32
      %dma_wait3A_169 = tpu.memref_slice %arg5[%dma_wait3A_168] : memref<800xi32, #tpu.memory_space<vmem>> -> memref<128xi32, #tpu.memory_space<vmem>>
      %dma_wait3A_170 = arith.constant 0 : i32
      %dma_wait3A_171 = arith.constant 0 : i32
      %dma_wait3A_172 = tpu.memref_slice %arg3[%dma_wait3A_170, %dma_wait3A_171] : memref<1000000x64xf32, #tpu.memory_space<hbm>> -> memref<1000000x64xf32, #tpu.memory_space<hbm>>
      tpu.wait_indirect_dma semaphore(%arg9 : memref<!tpu.dma_semaphore, #tpu.memory_space<semaphore_mem>>) src(%dma_wait3A_172 : memref<1000000x64xf32, #tpu.memory_space<hbm>>) dst(%dma_wait3A_167 : memref<128x64xf32, #tpu.memory_space<vmem>>)
      %dma_wait3A_173 = arith.constant 640 : i32
      %dma_wait3A_174 = arith.constant 0 : i32
      %dma_wait3A_175 = tpu.memref_slice %arg6[%dma_wait3A_173, %dma_wait3A_174] : memref<800x64xf32, #tpu.memory_space<vmem>> -> memref<128x64xf32, #tpu.memory_space<vmem>>
      %dma_wait3A_176 = arith.constant 640 : i32
      %dma_wait3A_177 = tpu.memref_slice %arg5[%dma_wait3A_176] : memref<800xi32, #tpu.memory_space<vmem>> -> memref<128xi32, #tpu.memory_space<vmem>>
      %dma_wait3A_178 = arith.constant 0 : i32
      %dma_wait3A_179 = arith.constant 0 : i32
      %dma_wait3A_180 = tpu.memref_slice %arg3[%dma_wait3A_178, %dma_wait3A_179] : memref<1000000x64xf32, #tpu.memory_space<hbm>> -> memref<1000000x64xf32, #tpu.memory_space<hbm>>
      tpu.wait_indirect_dma semaphore(%arg9 : memref<!tpu.dma_semaphore, #tpu.memory_space<semaphore_mem>>) src(%dma_wait3A_180 : memref<1000000x64xf32, #tpu.memory_space<hbm>>) dst(%dma_wait3A_175 : memref<128x64xf32, #tpu.memory_space<vmem>>)
      %dma_wait3A_181 = arith.constant 768 : i32
      %dma_wait3A_182 = arith.constant 0 : i32
      %dma_wait3A_183 = tpu.memref_slice %arg6[%dma_wait3A_181, %dma_wait3A_182] : memref<800x64xf32, #tpu.memory_space<vmem>> -> memref<32x64xf32, #tpu.memory_space<vmem>>
      %dma_wait3A_184 = arith.constant 768 : i32
      %dma_wait3A_185 = tpu.memref_slice %arg5[%dma_wait3A_184] : memref<800xi32, #tpu.memory_space<vmem>> -> memref<32xi32, #tpu.memory_space<vmem>>
      %dma_wait3A_186 = arith.constant 0 : i32
      %dma_wait3A_187 = arith.constant 0 : i32
      %dma_wait3A_188 = tpu.memref_slice %arg3[%dma_wait3A_186, %dma_wait3A_187] : memref<1000000x64xf32, #tpu.memory_space<hbm>> -> memref<1000000x64xf32, #tpu.memory_space<hbm>>
      tpu.wait_indirect_dma semaphore(%arg9 : memref<!tpu.dma_semaphore, #tpu.memory_space<semaphore_mem>>) src(%dma_wait3A_188 : memref<1000000x64xf32, #tpu.memory_space<hbm>>) dst(%dma_wait3A_183 : memref<32x64xf32, #tpu.memory_space<vmem>>)
      %scan3A_189 = arith.constant 0 : i32
      %scan3A_190 = arith.constant 0 : i32
      %scan3A_191 = arith.constant 200 : i32
      %scan3A_192 = arith.addi %scan3A_190, %scan3A_191 : i32
      %scan3A_193 = arith.constant 1 : i32
      scf.for %scan3A_1233 = %scan3A_190 to %scan3A_192 step %scan3A_193  : i32 {
        %mul3A_1234 = arith.constant 4 : i32
        %mul3A_1235 = arith.muli %mul3A_1234, %scan3A_1233 : i32
        %add3A_1236 = arith.constant 0 : i32
        %add3A_1237 = arith.addi %mul3A_1235, %add3A_1236 : i32
        %get3A = arith.index_cast %add3A_1237 : i32 to index
        %get3A_1238 = arith.constant 0 : index
        %get3A_1239 = tpu.vector_load %arg6[%get3A, %get3A_1238] {strides = array<i32>} : memref<800x64xf32, #tpu.memory_space<vmem>>, vector<1x16xf32>,
        %get3A_1240 = vector.shape_cast %get3A_1239 : vector<1x16xf32> to vector<16xf32>
        %mul3A_1241 = arith.constant 8.000000e+00 : f32
        %mul3A_1242 = vector.broadcast %mul3A_1241 : f32 to vector<16xf32>
        %mul3A_1243 = arith.mulf %get3A_1240, %mul3A_1242 : vector<16xf32>
        %mul3A_1244 = arith.constant 4 : i32
        %mul3A_1245 = arith.muli %mul3A_1244, %scan3A_1233 : i32
        %add3A_1246 = arith.constant 0 : i32
        %add3A_1247 = arith.addi %mul3A_1245, %add3A_1246 : i32
        %swap3A = arith.index_cast %add3A_1247 : i32 to index
        %swap3A_1248 = arith.constant 0 : index
        %swap3A_1249 = tpu.vector_load %arg6[%swap3A, %swap3A_1248] {strides = array<i32>} : memref<800x64xf32, #tpu.memory_space<vmem>>, vector<1x16xf32>,
        %swap3A_1250 = vector.shape_cast %swap3A_1249 : vector<1x16xf32> to vector<16xf32>
        %swap3A_1251 = vector.shape_cast %mul3A_1243 : vector<16xf32> to vector<1x16xf32>
        tpu.vector_store %arg6[%swap3A, %swap3A_1248], %swap3A_1251 {strides = array<i32>} : memref<800x64xf32, #tpu.memory_space<vmem>>, vector<1x16xf32>,
        %mul3A_1252 = arith.constant 4 : i32
        %mul3A_1253 = arith.muli %mul3A_1252, %scan3A_1233 : i32
        %add3A_1254 = arith.constant 0 : i32
        %add3A_1255 = arith.addi %mul3A_1253, %add3A_1254 : i32
        %get3A_1256 = arith.index_cast %add3A_1255 : i32 to index
        %get3A_1257 = arith.constant 16 : index
        %get3A_1258 = tpu.vector_load %arg6[%get3A_1256, %get3A_1257] {strides = array<i32>} : memref<800x64xf32, #tpu.memory_space<vmem>>, vector<1x16xf32>,
        %get3A_1259 = vector.shape_cast %get3A_1258 : vector<1x16xf32> to vector<16xf32>
        %mul3A_1260 = arith.constant 8.000000e+00 : f32
        %mul3A_1261 = vector.broadcast %mul3A_1260 : f32 to vector<16xf32>
        %mul3A_1262 = arith.mulf %get3A_1259, %mul3A_1261 : vector<16xf32>
        %mul3A_1263 = arith.constant 4 : i32
        %mul3A_1264 = arith.muli %mul3A_1263, %scan3A_1233 : i32
        %add3A_1265 = arith.constant 0 : i32
        %add3A_1266 = arith.addi %mul3A_1264, %add3A_1265 : i32
        %swap3A_1267 = arith.index_cast %add3A_1266 : i32 to index
        %swap3A_1268 = arith.constant 16 : index
        %swap3A_1269 = tpu.vector_load %arg6[%swap3A_1267, %swap3A_1268] {strides = array<i32>} : memref<800x64xf32, #tpu.memory_space<vmem>>, vector<1x16xf32>,
        %swap3A_1270 = vector.shape_cast %swap3A_1269 : vector<1x16xf32> to vector<16xf32>
        %swap3A_1271 = vector.shape_cast %mul3A_1262 : vector<16xf32> to vector<1x16xf32>
        tpu.vector_store %arg6[%swap3A_1267, %swap3A_1268], %swap3A_1271 {strides = array<i32>} : memref<800x64xf32, #tpu.memory_space<vmem>>, vector<1x16xf32>,
        %mul3A_1272 = arith.constant 4 : i32
        %mul3A_1273 = arith.muli %mul3A_1272, %scan3A_1233 : i32
        %add3A_1274 = arith.constant 0 : i32
        %add3A_1275 = arith.addi %mul3A_1273, %add3A_1274 : i32
        %get3A_1276 = arith.index_cast %add3A_1275 : i32 to index
        %get3A_1277 = arith.constant 32 : index
        %get3A_1278 = tpu.vector_load %arg6[%get3A_1276, %get3A_1277] {strides = array<i32>} : memref<800x64xf32, #tpu.memory_space<vmem>>, vector<1x16xf32>,
        %get3A_1279 = vector.shape_cast %get3A_1278 : vector<1x16xf32> to vector<16xf32>
        %mul3A_1280 = arith.constant 8.000000e+00 : f32
        %mul3A_1281 = vector.broadcast %mul3A_1280 : f32 to vector<16xf32>
        %mul3A_1282 = arith.mulf %get3A_1279, %mul3A_1281 : vector<16xf32>
        %mul3A_1283 = arith.constant 4 : i32
        %mul3A_1284 = arith.muli %mul3A_1283, %scan3A_1233 : i32
        %add3A_1285 = arith.constant 0 : i32
        %add3A_1286 = arith.addi %mul3A_1284, %add3A_1285 : i32
        %swap3A_1287 = arith.index_cast %add3A_1286 : i32 to index
        %swap3A_1288 = arith.constant 32 : index
        %swap3A_1289 = tpu.vector_load %arg6[%swap3A_1287, %swap3A_1288] {strides = array<i32>} : memref<800x64xf32, #tpu.memory_space<vmem>>, vector<1x16xf32>,
        %swap3A_1290 = vector.shape_cast %swap3A_1289 : vector<1x16xf32> to vector<16xf32>
        %swap3A_1291 = vector.shape_cast %mul3A_1282 : vector<16xf32> to vector<1x16xf32>
        tpu.vector_store %arg6[%swap3A_1287, %swap3A_1288], %swap3A_1291 {strides = array<i32>} : memref<800x64xf32, #tpu.memory_space<vmem>>, vector<1x16xf32>,
        %mul3A_1292 = arith.constant 4 : i32
        %mul3A_1293 = arith.muli %mul3A_1292, %scan3A_1233 : i32
        %add3A_1294 = arith.constant 0 : i32
        %add3A_1295 = arith.addi %mul3A_1293, %add3A_1294 : i32
        %get3A_1296 = arith.index_cast %add3A_1295 : i32 to index
        %get3A_1297 = arith.constant 48 : index
        %get3A_1298 = tpu.vector_load %arg6[%get3A_1296, %get3A_1297] {strides = array<i32>} : memref<800x64xf32, #tpu.memory_space<vmem>>, vector<1x16xf32>,
        %get3A_1299 = vector.shape_cast %get3A_1298 : vector<1x16xf32> to vector<16xf32>
        %mul3A_1300 = arith.constant 8.000000e+00 : f32
        %mul3A_1301 = vector.broadcast %mul3A_1300 : f32 to vector<16xf32>
        %mul3A_1302 = arith.mulf %get3A_1299, %mul3A_1301 : vector<16xf32>
        %mul3A_1303 = arith.constant 4 : i32
        %mul3A_1304 = arith.muli %mul3A_1303, %scan3A_1233 : i32
        %add3A_1305 = arith.constant 0 : i32
        %add3A_1306 = arith.addi %mul3A_1304, %add3A_1305 : i32
        %swap3A_1307 = arith.index_cast %add3A_1306 : i32 to index
        %swap3A_1308 = arith.constant 48 : index
        %swap3A_1309 = tpu.vector_load %arg6[%swap3A_1307, %swap3A_1308] {strides = array<i32>} : memref<800x64xf32, #tpu.memory_space<vmem>>, vector<1x16xf32>,
        %swap3A_1310 = vector.shape_cast %swap3A_1309 : vector<1x16xf32> to vector<16xf32>
        %swap3A_1311 = vector.shape_cast %mul3A_1302 : vector<16xf32> to vector<1x16xf32>
        tpu.vector_store %arg6[%swap3A_1307, %swap3A_1308], %swap3A_1311 {strides = array<i32>} : memref<800x64xf32, #tpu.memory_space<vmem>>, vector<1x16xf32>,
        %mul3A_1312 = arith.constant 4 : i32
        %mul3A_1313 = arith.muli %mul3A_1312, %scan3A_1233 : i32
        %add3A_1314 = arith.constant 1 : i32
        %add3A_1315 = arith.addi %mul3A_1313, %add3A_1314 : i32
        %get3A_1316 = arith.index_cast %add3A_1315 : i32 to index
        %get3A_1317 = arith.constant 0 : index
        %get3A_1318 = tpu.vector_load %arg6[%get3A_1316, %get3A_1317] {strides = array<i32>} : memref<800x64xf32, #tpu.memory_space<vmem>>, vector<1x16xf32>,
        %get3A_1319 = vector.shape_cast %get3A_1318 : vector<1x16xf32> to vector<16xf32>
        %mul3A_1320 = arith.constant 8.000000e+00 : f32
        %mul3A_1321 = vector.broadcast %mul3A_1320 : f32 to vector<16xf32>
        %mul3A_1322 = arith.mulf %get3A_1319, %mul3A_1321 : vector<16xf32>
        %mul3A_1323 = arith.constant 4 : i32
        %mul3A_1324 = arith.muli %mul3A_1323, %scan3A_1233 : i32
        %add3A_1325 = arith.constant 1 : i32
        %add3A_1326 = arith.addi %mul3A_1324, %add3A_1325 : i32
        %swap3A_1327 = arith.index_cast %add3A_1326 : i32 to index
        %swap3A_1328 = arith.constant 0 : index
        %swap3A_1329 = tpu.vector_load %arg6[%swap3A_1327, %swap3A_1328] {strides = array<i32>} : memref<800x64xf32, #tpu.memory_space<vmem>>, vector<1x16xf32>,
        %swap3A_1330 = vector.shape_cast %swap3A_1329 : vector<1x16xf32> to vector<16xf32>
        %swap3A_1331 = vector.shape_cast %mul3A_1322 : vector<16xf32> to vector<1x16xf32>
        tpu.vector_store %arg6[%swap3A_1327, %swap3A_1328], %swap3A_1331 {strides = array<i32>} : memref<800x64xf32, #tpu.memory_space<vmem>>, vector<1x16xf32>,
        %mul3A_1332 = arith.constant 4 : i32
        %mul3A_1333 = arith.muli %mul3A_1332, %scan3A_1233 : i32
        %add3A_1334 = arith.constant 1 : i32
        %add3A_1335 = arith.addi %mul3A_1333, %add3A_1334 : i32
        %get3A_1336 = arith.index_cast %add3A_1335 : i32 to index
        %get3A_1337 = arith.constant 16 : index
        %get3A_1338 = tpu.vector_load %arg6[%get3A_1336, %get3A_1337] {strides = array<i32>} : memref<800x64xf32, #tpu.memory_space<vmem>>, vector<1x16xf32>,
        %get3A_1339 = vector.shape_cast %get3A_1338 : vector<1x16xf32> to vector<16xf32>
        %mul3A_1340 = arith.constant 8.000000e+00 : f32
        %mul3A_1341 = vector.broadcast %mul3A_1340 : f32 to vector<16xf32>
        %mul3A_1342 = arith.mulf %get3A_1339, %mul3A_1341 : vector<16xf32>
        %mul3A_1343 = arith.constant 4 : i32
        %mul3A_1344 = arith.muli %mul3A_1343, %scan3A_1233 : i32
        %add3A_1345 = arith.constant 1 : i32
        %add3A_1346 = arith.addi %mul3A_1344, %add3A_1345 : i32
        %swap3A_1347 = arith.index_cast %add3A_1346 : i32 to index
        %swap3A_1348 = arith.constant 16 : index
        %swap3A_1349 = tpu.vector_load %arg6[%swap3A_1347, %swap3A_1348] {strides = array<i32>} : memref<800x64xf32, #tpu.memory_space<vmem>>, vector<1x16xf32>,
        %swap3A_1350 = vector.shape_cast %swap3A_1349 : vector<1x16xf32> to vector<16xf32>
        %swap3A_1351 = vector.shape_cast %mul3A_1342 : vector<16xf32> to vector<1x16xf32>
        tpu.vector_store %arg6[%swap3A_1347, %swap3A_1348], %swap3A_1351 {strides = array<i32>} : memref<800x64xf32, #tpu.memory_space<vmem>>, vector<1x16xf32>,
        %mul3A_1352 = arith.constant 4 : i32
        %mul3A_1353 = arith.muli %mul3A_1352, %scan3A_1233 : i32
        %add3A_1354 = arith.constant 1 : i32
        %add3A_1355 = arith.addi %mul3A_1353, %add3A_1354 : i32
        %get3A_1356 = arith.index_cast %add3A_1355 : i32 to index
        %get3A_1357 = arith.constant 32 : index
        %get3A_1358 = tpu.vector_load %arg6[%get3A_1356, %get3A_1357] {strides = array<i32>} : memref<800x64xf32, #tpu.memory_space<vmem>>, vector<1x16xf32>,
        %get3A_1359 = vector.shape_cast %get3A_1358 : vector<1x16xf32> to vector<16xf32>
        %mul3A_1360 = arith.constant 8.000000e+00 : f32
        %mul3A_1361 = vector.broadcast %mul3A_1360 : f32 to vector<16xf32>
        %mul3A_1362 = arith.mulf %get3A_1359, %mul3A_1361 : vector<16xf32>
        %mul3A_1363 = arith.constant 4 : i32
        %mul3A_1364 = arith.muli %mul3A_1363, %scan3A_1233 : i32
        %add3A_1365 = arith.constant 1 : i32
        %add3A_1366 = arith.addi %mul3A_1364, %add3A_1365 : i32
        %swap3A_1367 = arith.index_cast %add3A_1366 : i32 to index
        %swap3A_1368 = arith.constant 32 : index
        %swap3A_1369 = tpu.vector_load %arg6[%swap3A_1367, %swap3A_1368] {strides = array<i32>} : memref<800x64xf32, #tpu.memory_space<vmem>>, vector<1x16xf32>,
        %swap3A_1370 = vector.shape_cast %swap3A_1369 : vector<1x16xf32> to vector<16xf32>
        %swap3A_1371 = vector.shape_cast %mul3A_1362 : vector<16xf32> to vector<1x16xf32>
        tpu.vector_store %arg6[%swap3A_1367, %swap3A_1368], %swap3A_1371 {strides = array<i32>} : memref<800x64xf32, #tpu.memory_space<vmem>>, vector<1x16xf32>,
        %mul3A_1372 = arith.constant 4 : i32
        %mul3A_1373 = arith.muli %mul3A_1372, %scan3A_1233 : i32
        %add3A_1374 = arith.constant 1 : i32
        %add3A_1375 = arith.addi %mul3A_1373, %add3A_1374 : i32
        %get3A_1376 = arith.index_cast %add3A_1375 : i32 to index
        %get3A_1377 = arith.constant 48 : index
        %get3A_1378 = tpu.vector_load %arg6[%get3A_1376, %get3A_1377] {strides = array<i32>} : memref<800x64xf32, #tpu.memory_space<vmem>>, vector<1x16xf32>,
        %get3A_1379 = vector.shape_cast %get3A_1378 : vector<1x16xf32> to vector<16xf32>
        %mul3A_1380 = arith.constant 8.000000e+00 : f32
        %mul3A_1381 = vector.broadcast %mul3A_1380 : f32 to vector<16xf32>
        %mul3A_1382 = arith.mulf %get3A_1379, %mul3A_1381 : vector<16xf32>
        %mul3A_1383 = arith.constant 4 : i32
        %mul3A_1384 = arith.muli %mul3A_1383, %scan3A_1233 : i32
        %add3A_1385 = arith.constant 1 : i32
        %add3A_1386 = arith.addi %mul3A_1384, %add3A_1385 : i32
        %swap3A_1387 = arith.index_cast %add3A_1386 : i32 to index
        %swap3A_1388 = arith.constant 48 : index
        %swap3A_1389 = tpu.vector_load %arg6[%swap3A_1387, %swap3A_1388] {strides = array<i32>} : memref<800x64xf32, #tpu.memory_space<vmem>>, vector<1x16xf32>,
        %swap3A_1390 = vector.shape_cast %swap3A_1389 : vector<1x16xf32> to vector<16xf32>
        %swap3A_1391 = vector.shape_cast %mul3A_1382 : vector<16xf32> to vector<1x16xf32>
        tpu.vector_store %arg6[%swap3A_1387, %swap3A_1388], %swap3A_1391 {strides = array<i32>} : memref<800x64xf32, #tpu.memory_space<vmem>>, vector<1x16xf32>,
        %mul3A_1392 = arith.constant 4 : i32
        %mul3A_1393 = arith.muli %mul3A_1392, %scan3A_1233 : i32
        %add3A_1394 = arith.constant 2 : i32
        %add3A_1395 = arith.addi %mul3A_1393, %add3A_1394 : i32
        %get3A_1396 = arith.index_cast %add3A_1395 : i32 to index
        %get3A_1397 = arith.constant 0 : index
        %get3A_1398 = tpu.vector_load %arg6[%get3A_1396, %get3A_1397] {strides = array<i32>} : memref<800x64xf32, #tpu.memory_space<vmem>>, vector<1x16xf32>,
        %get3A_1399 = vector.shape_cast %get3A_1398 : vector<1x16xf32> to vector<16xf32>
        %mul3A_1400 = arith.constant 8.000000e+00 : f32
        %mul3A_1401 = vector.broadcast %mul3A_1400 : f32 to vector<16xf32>
        %mul3A_1402 = arith.mulf %get3A_1399, %mul3A_1401 : vector<16xf32>
        %mul3A_1403 = arith.constant 4 : i32
        %mul3A_1404 = arith.muli %mul3A_1403, %scan3A_1233 : i32
        %add3A_1405 = arith.constant 2 : i32
        %add3A_1406 = arith.addi %mul3A_1404, %add3A_1405 : i32
        %swap3A_1407 = arith.index_cast %add3A_1406 : i32 to index
        %swap3A_1408 = arith.constant 0 : index
        %swap3A_1409 = tpu.vector_load %arg6[%swap3A_1407, %swap3A_1408] {strides = array<i32>} : memref<800x64xf32, #tpu.memory_space<vmem>>, vector<1x16xf32>,
        %swap3A_1410 = vector.shape_cast %swap3A_1409 : vector<1x16xf32> to vector<16xf32>
        %swap3A_1411 = vector.shape_cast %mul3A_1402 : vector<16xf32> to vector<1x16xf32>
        tpu.vector_store %arg6[%swap3A_1407, %swap3A_1408], %swap3A_1411 {strides = array<i32>} : memref<800x64xf32, #tpu.memory_space<vmem>>, vector<1x16xf32>,
        %mul3A_1412 = arith.constant 4 : i32
        %mul3A_1413 = arith.muli %mul3A_1412, %scan3A_1233 : i32
        %add3A_1414 = arith.constant 2 : i32
        %add3A_1415 = arith.addi %mul3A_1413, %add3A_1414 : i32
        %get3A_1416 = arith.index_cast %add3A_1415 : i32 to index
        %get3A_1417 = arith.constant 16 : index
        %get3A_1418 = tpu.vector_load %arg6[%get3A_1416, %get3A_1417] {strides = array<i32>} : memref<800x64xf32, #tpu.memory_space<vmem>>, vector<1x16xf32>,
        %get3A_1419 = vector.shape_cast %get3A_1418 : vector<1x16xf32> to vector<16xf32>
        %mul3A_1420 = arith.constant 8.000000e+00 : f32
        %mul3A_1421 = vector.broadcast %mul3A_1420 : f32 to vector<16xf32>
        %mul3A_1422 = arith.mulf %get3A_1419, %mul3A_1421 : vector<16xf32>
        %mul3A_1423 = arith.constant 4 : i32
        %mul3A_1424 = arith.muli %mul3A_1423, %scan3A_1233 : i32
        %add3A_1425 = arith.constant 2 : i32
        %add3A_1426 = arith.addi %mul3A_1424, %add3A_1425 : i32
        %swap3A_1427 = arith.index_cast %add3A_1426 : i32 to index
        %swap3A_1428 = arith.constant 16 : index
        %swap3A_1429 = tpu.vector_load %arg6[%swap3A_1427, %swap3A_1428] {strides = array<i32>} : memref<800x64xf32, #tpu.memory_space<vmem>>, vector<1x16xf32>,
        %swap3A_1430 = vector.shape_cast %swap3A_1429 : vector<1x16xf32> to vector<16xf32>
        %swap3A_1431 = vector.shape_cast %mul3A_1422 : vector<16xf32> to vector<1x16xf32>
        tpu.vector_store %arg6[%swap3A_1427, %swap3A_1428], %swap3A_1431 {strides = array<i32>} : memref<800x64xf32, #tpu.memory_space<vmem>>, vector<1x16xf32>,
        %mul3A_1432 = arith.constant 4 : i32
        %mul3A_1433 = arith.muli %mul3A_1432, %scan3A_1233 : i32
        %add3A_1434 = arith.constant 2 : i32
        %add3A_1435 = arith.addi %mul3A_1433, %add3A_1434 : i32
        %get3A_1436 = arith.index_cast %add3A_1435 : i32 to index
        %get3A_1437 = arith.constant 32 : index
        %get3A_1438 = tpu.vector_load %arg6[%get3A_1436, %get3A_1437] {strides = array<i32>} : memref<800x64xf32, #tpu.memory_space<vmem>>, vector<1x16xf32>,
        %get3A_1439 = vector.shape_cast %get3A_1438 : vector<1x16xf32> to vector<16xf32>
        %mul3A_1440 = arith.constant 8.000000e+00 : f32
        %mul3A_1441 = vector.broadcast %mul3A_1440 : f32 to vector<16xf32>
        %mul3A_1442 = arith.mulf %get3A_1439, %mul3A_1441 : vector<16xf32>
        %mul3A_1443 = arith.constant 4 : i32
        %mul3A_1444 = arith.muli %mul3A_1443, %scan3A_1233 : i32
        %add3A_1445 = arith.constant 2 : i32
        %add3A_1446 = arith.addi %mul3A_1444, %add3A_1445 : i32
        %swap3A_1447 = arith.index_cast %add3A_1446 : i32 to index
        %swap3A_1448 = arith.constant 32 : index
        %swap3A_1449 = tpu.vector_load %arg6[%swap3A_1447, %swap3A_1448] {strides = array<i32>} : memref<800x64xf32, #tpu.memory_space<vmem>>, vector<1x16xf32>,
        %swap3A_1450 = vector.shape_cast %swap3A_1449 : vector<1x16xf32> to vector<16xf32>
        %swap3A_1451 = vector.shape_cast %mul3A_1442 : vector<16xf32> to vector<1x16xf32>
        tpu.vector_store %arg6[%swap3A_1447, %swap3A_1448], %swap3A_1451 {strides = array<i32>} : memref<800x64xf32, #tpu.memory_space<vmem>>, vector<1x16xf32>,
        %mul3A_1452 = arith.constant 4 : i32
        %mul3A_1453 = arith.muli %mul3A_1452, %scan3A_1233 : i32
        %add3A_1454 = arith.constant 2 : i32
        %add3A_1455 = arith.addi %mul3A_1453, %add3A_1454 : i32
        %get3A_1456 = arith.index_cast %add3A_1455 : i32 to index
        %get3A_1457 = arith.constant 48 : index
        %get3A_1458 = tpu.vector_load %arg6[%get3A_1456, %get3A_1457] {strides = array<i32>} : memref<800x64xf32, #tpu.memory_space<vmem>>, vector<1x16xf32>,
        %get3A_1459 = vector.shape_cast %get3A_1458 : vector<1x16xf32> to vector<16xf32>
        %mul3A_1460 = arith.constant 8.000000e+00 : f32
        %mul3A_1461 = vector.broadcast %mul3A_1460 : f32 to vector<16xf32>
        %mul3A_1462 = arith.mulf %get3A_1459, %mul3A_1461 : vector<16xf32>
        %mul3A_1463 = arith.constant 4 : i32
        %mul3A_1464 = arith.muli %mul3A_1463, %scan3A_1233 : i32
        %add3A_1465 = arith.constant 2 : i32
        %add3A_1466 = arith.addi %mul3A_1464, %add3A_1465 : i32
        %swap3A_1467 = arith.index_cast %add3A_1466 : i32 to index
        %swap3A_1468 = arith.constant 48 : index
        %swap3A_1469 = tpu.vector_load %arg6[%swap3A_1467, %swap3A_1468] {strides = array<i32>} : memref<800x64xf32, #tpu.memory_space<vmem>>, vector<1x16xf32>,
        %swap3A_1470 = vector.shape_cast %swap3A_1469 : vector<1x16xf32> to vector<16xf32>
        %swap3A_1471 = vector.shape_cast %mul3A_1462 : vector<16xf32> to vector<1x16xf32>
        tpu.vector_store %arg6[%swap3A_1467, %swap3A_1468], %swap3A_1471 {strides = array<i32>} : memref<800x64xf32, #tpu.memory_space<vmem>>, vector<1x16xf32>,
        %mul3A_1472 = arith.constant 4 : i32
        %mul3A_1473 = arith.muli %mul3A_1472, %scan3A_1233 : i32
        %add3A_1474 = arith.constant 3 : i32
        %add3A_1475 = arith.addi %mul3A_1473, %add3A_1474 : i32
        %get3A_1476 = arith.index_cast %add3A_1475 : i32 to index
        %get3A_1477 = arith.constant 0 : index
        %get3A_1478 = tpu.vector_load %arg6[%get3A_1476, %get3A_1477] {strides = array<i32>} : memref<800x64xf32, #tpu.memory_space<vmem>>, vector<1x16xf32>,
        %get3A_1479 = vector.shape_cast %get3A_1478 : vector<1x16xf32> to vector<16xf32>
        %mul3A_1480 = arith.constant 8.000000e+00 : f32
        %mul3A_1481 = vector.broadcast %mul3A_1480 : f32 to vector<16xf32>
        %mul3A_1482 = arith.mulf %get3A_1479, %mul3A_1481 : vector<16xf32>
        %mul3A_1483 = arith.constant 4 : i32
        %mul3A_1484 = arith.muli %mul3A_1483, %scan3A_1233 : i32
        %add3A_1485 = arith.constant 3 : i32
        %add3A_1486 = arith.addi %mul3A_1484, %add3A_1485 : i32
        %swap3A_1487 = arith.index_cast %add3A_1486 : i32 to index
        %swap3A_1488 = arith.constant 0 : index
        %swap3A_1489 = tpu.vector_load %arg6[%swap3A_1487, %swap3A_1488] {strides = array<i32>} : memref<800x64xf32, #tpu.memory_space<vmem>>, vector<1x16xf32>,
        %swap3A_1490 = vector.shape_cast %swap3A_1489 : vector<1x16xf32> to vector<16xf32>
        %swap3A_1491 = vector.shape_cast %mul3A_1482 : vector<16xf32> to vector<1x16xf32>
        tpu.vector_store %arg6[%swap3A_1487, %swap3A_1488], %swap3A_1491 {strides = array<i32>} : memref<800x64xf32, #tpu.memory_space<vmem>>, vector<1x16xf32>,
        %mul3A_1492 = arith.constant 4 : i32
        %mul3A_1493 = arith.muli %mul3A_1492, %scan3A_1233 : i32
        %add3A_1494 = arith.constant 3 : i32
        %add3A_1495 = arith.addi %mul3A_1493, %add3A_1494 : i32
        %get3A_1496 = arith.index_cast %add3A_1495 : i32 to index
        %get3A_1497 = arith.constant 16 : index
        %get3A_1498 = tpu.vector_load %arg6[%get3A_1496, %get3A_1497] {strides = array<i32>} : memref<800x64xf32, #tpu.memory_space<vmem>>, vector<1x16xf32>,
        %get3A_1499 = vector.shape_cast %get3A_1498 : vector<1x16xf32> to vector<16xf32>
        %mul3A_1500 = arith.constant 8.000000e+00 : f32
        %mul3A_1501 = vector.broadcast %mul3A_1500 : f32 to vector<16xf32>
        %mul3A_1502 = arith.mulf %get3A_1499, %mul3A_1501 : vector<16xf32>
        %mul3A_1503 = arith.constant 4 : i32
        %mul3A_1504 = arith.muli %mul3A_1503, %scan3A_1233 : i32
        %add3A_1505 = arith.constant 3 : i32
        %add3A_1506 = arith.addi %mul3A_1504, %add3A_1505 : i32
        %swap3A_1507 = arith.index_cast %add3A_1506 : i32 to index
        %swap3A_1508 = arith.constant 16 : index
        %swap3A_1509 = tpu.vector_load %arg6[%swap3A_1507, %swap3A_1508] {strides = array<i32>} : memref<800x64xf32, #tpu.memory_space<vmem>>, vector<1x16xf32>,
        %swap3A_1510 = vector.shape_cast %swap3A_1509 : vector<1x16xf32> to vector<16xf32>
        %swap3A_1511 = vector.shape_cast %mul3A_1502 : vector<16xf32> to vector<1x16xf32>
        tpu.vector_store %arg6[%swap3A_1507, %swap3A_1508], %swap3A_1511 {strides = array<i32>} : memref<800x64xf32, #tpu.memory_space<vmem>>, vector<1x16xf32>,
        %mul3A_1512 = arith.constant 4 : i32
        %mul3A_1513 = arith.muli %mul3A_1512, %scan3A_1233 : i32
        %add3A_1514 = arith.constant 3 : i32
        %add3A_1515 = arith.addi %mul3A_1513, %add3A_1514 : i32
        %get3A_1516 = arith.index_cast %add3A_1515 : i32 to index
        %get3A_1517 = arith.constant 32 : index
        %get3A_1518 = tpu.vector_load %arg6[%get3A_1516, %get3A_1517] {strides = array<i32>} : memref<800x64xf32, #tpu.memory_space<vmem>>, vector<1x16xf32>,
        %get3A_1519 = vector.shape_cast %get3A_1518 : vector<1x16xf32> to vector<16xf32>
        %mul3A_1520 = arith.constant 8.000000e+00 : f32
        %mul3A_1521 = vector.broadcast %mul3A_1520 : f32 to vector<16xf32>
        %mul3A_1522 = arith.mulf %get3A_1519, %mul3A_1521 : vector<16xf32>
        %mul3A_1523 = arith.constant 4 : i32
        %mul3A_1524 = arith.muli %mul3A_1523, %scan3A_1233 : i32
        %add3A_1525 = arith.constant 3 : i32
        %add3A_1526 = arith.addi %mul3A_1524, %add3A_1525 : i32
        %swap3A_1527 = arith.index_cast %add3A_1526 : i32 to index
        %swap3A_1528 = arith.constant 32 : index
        %swap3A_1529 = tpu.vector_load %arg6[%swap3A_1527, %swap3A_1528] {strides = array<i32>} : memref<800x64xf32, #tpu.memory_space<vmem>>, vector<1x16xf32>,
        %swap3A_1530 = vector.shape_cast %swap3A_1529 : vector<1x16xf32> to vector<16xf32>
        %swap3A_1531 = vector.shape_cast %mul3A_1522 : vector<16xf32> to vector<1x16xf32>
        tpu.vector_store %arg6[%swap3A_1527, %swap3A_1528], %swap3A_1531 {strides = array<i32>} : memref<800x64xf32, #tpu.memory_space<vmem>>, vector<1x16xf32>,
        %mul3A_1532 = arith.constant 4 : i32
        %mul3A_1533 = arith.muli %mul3A_1532, %scan3A_1233 : i32
        %add3A_1534 = arith.constant 3 : i32
        %add3A_1535 = arith.addi %mul3A_1533, %add3A_1534 : i32
        %get3A_1536 = arith.index_cast %add3A_1535 : i32 to index
        %get3A_1537 = arith.constant 48 : index
        %get3A_1538 = tpu.vector_load %arg6[%get3A_1536, %get3A_1537] {strides = array<i32>} : memref<800x64xf32, #tpu.memory_space<vmem>>, vector<1x16xf32>,
        %get3A_1539 = vector.shape_cast %get3A_1538 : vector<1x16xf32> to vector<16xf32>
        %mul3A_1540 = arith.constant 8.000000e+00 : f32
        %mul3A_1541 = vector.broadcast %mul3A_1540 : f32 to vector<16xf32>
        %mul3A_1542 = arith.mulf %get3A_1539, %mul3A_1541 : vector<16xf32>
        %mul3A_1543 = arith.constant 4 : i32
        %mul3A_1544 = arith.muli %mul3A_1543, %scan3A_1233 : i32
        %add3A_1545 = arith.constant 3 : i32
        %add3A_1546 = arith.addi %mul3A_1544, %add3A_1545 : i32
        %swap3A_1547 = arith.index_cast %add3A_1546 : i32 to index
        %swap3A_1548 = arith.constant 48 : index
        %swap3A_1549 = tpu.vector_load %arg6[%swap3A_1547, %swap3A_1548] {strides = array<i32>} : memref<800x64xf32, #tpu.memory_space<vmem>>, vector<1x16xf32>,
        %swap3A_1550 = vector.shape_cast %swap3A_1549 : vector<1x16xf32> to vector<16xf32>
        %swap3A_1551 = vector.shape_cast %mul3A_1542 : vector<16xf32> to vector<1x16xf32>
        tpu.vector_store %arg6[%swap3A_1547, %swap3A_1548], %swap3A_1551 {strides = array<i32>} : memref<800x64xf32, #tpu.memory_space<vmem>>, vector<1x16xf32>,
      }
      %scan3A_194 = arith.constant 200 : i32
      %mul3A_195 = arith.constant 2 : i32
      %mul3A_196 = arith.muli %mul3A_195, %scan3A_6 : i32
      %mul3A_197 = arith.constant 512 : i32
      %mul3A_198 = arith.muli %add3A, %mul3A_197 : i32
      %mul3A_199 = arith.constant 16 : i32
      %mul3A_200 = arith.muli %mul3A_196, %mul3A_199 : i32
      %add3A_201 = arith.addi %mul3A_198, %mul3A_200 : i32
      %add3A_202 = arith.constant 0 : i32
      %add3A_203 = arith.addi %add3A_201, %add3A_202 : i32
      %dma_start3A_204 = arith.constant 0 : i32
      %dma_start3A_205 = arith.constant 0 : i32
      %dma_start3A_206 = tpu.memref_slice %arg6[%dma_start3A_204, %dma_start3A_205] : memref<800x64xf32, #tpu.memory_space<vmem>> -> memref<50x64xf32, #tpu.memory_space<vmem>>
      %dma_start3A_207 = arith.constant 0 : i32
      %dma_start3A_208 = arith.constant 0 : i32
      %dma_start3A_209 = tpu.memref_slice %arg4[%add3A_203, %dma_start3A_207, %dma_start3A_208] : memref<16384x50x64xf32, #tpu.memory_space<hbm>> -> memref<1x50x64xf32, #tpu.memory_space<hbm>>
      %dma_start3A_210 = tpu.memref_squeeze %dma_start3A_209 : memref<1x50x64xf32, #tpu.memory_space<hbm>> -> memref<50x64xf32, #tpu.memory_space<hbm>>
      %dma_start3A_211 = arith.constant 0 : i32
      %dma_start3A_212 = arith.constant 0 : i32
      %dma_start3A_213 = tpu.memref_slice %arg4[%add3A_203, %dma_start3A_211, %dma_start3A_212] : memref<16384x50x64xf32, #tpu.memory_space<hbm>> -> memref<1x50x64xf32, #tpu.memory_space<hbm>>
      %dma_start3A_214 = tpu.memref_squeeze %dma_start3A_213 : memref<1x50x64xf32, #tpu.memory_space<hbm>> -> memref<50x64xf32, #tpu.memory_space<hbm>>
      %dma_start3A_215 = arith.constant 0 : i32
      %dma_start3A_216 = arith.constant 0 : i32
      %dma_start3A_217 = tpu.memref_slice %arg6[%dma_start3A_215, %dma_start3A_216] : memref<800x64xf32, #tpu.memory_space<vmem>> -> memref<50x64xf32, #tpu.memory_space<vmem>>
      tpu.enqueue_dma source(%dma_start3A_217 : memref<50x64xf32, #tpu.memory_space<vmem>>) target(%dma_start3A_214 : memref<50x64xf32, #tpu.memory_space<hbm>>) target_semaphore(%arg11 : memref<!tpu.dma_semaphore, #tpu.memory_space<semaphore_mem>>)
      %add3A_218 = arith.constant 1 : i32
      %add3A_219 = arith.addi %add3A_201, %add3A_218 : i32
      %dma_start3A_220 = arith.constant 50 : i32
      %dma_start3A_221 = arith.constant 0 : i32
      %dma_start3A_222 = tpu.memref_slice %arg6[%dma_start3A_220, %dma_start3A_221] : memref<800x64xf32, #tpu.memory_space<vmem>> -> memref<50x64xf32, #tpu.memory_space<vmem>>
      %dma_start3A_223 = arith.constant 0 : i32
      %dma_start3A_224 = arith.constant 0 : i32
      %dma_start3A_225 = tpu.memref_slice %arg4[%add3A_219, %dma_start3A_223, %dma_start3A_224] : memref<16384x50x64xf32, #tpu.memory_space<hbm>> -> memref<1x50x64xf32, #tpu.memory_space<hbm>>
      %dma_start3A_226 = tpu.memref_squeeze %dma_start3A_225 : memref<1x50x64xf32, #tpu.memory_space<hbm>> -> memref<50x64xf32, #tpu.memory_space<hbm>>
      %dma_start3A_227 = arith.constant 0 : i32
      %dma_start3A_228 = arith.constant 0 : i32
      %dma_start3A_229 = tpu.memref_slice %arg4[%add3A_219, %dma_start3A_227, %dma_start3A_228] : memref<16384x50x64xf32, #tpu.memory_space<hbm>> -> memref<1x50x64xf32, #tpu.memory_space<hbm>>
      %dma_start3A_230 = tpu.memref_squeeze %dma_start3A_229 : memref<1x50x64xf32, #tpu.memory_space<hbm>> -> memref<50x64xf32, #tpu.memory_space<hbm>>
      %dma_start3A_231 = arith.constant 50 : i32
      %dma_start3A_232 = arith.constant 0 : i32
      %dma_start3A_233 = tpu.memref_slice %arg6[%dma_start3A_231, %dma_start3A_232] : memref<800x64xf32, #tpu.memory_space<vmem>> -> memref<50x64xf32, #tpu.memory_space<vmem>>
      tpu.enqueue_dma source(%dma_start3A_233 : memref<50x64xf32, #tpu.memory_space<vmem>>) target(%dma_start3A_230 : memref<50x64xf32, #tpu.memory_space<hbm>>) target_semaphore(%arg11 : memref<!tpu.dma_semaphore, #tpu.memory_space<semaphore_mem>>)
      %add3A_234 = arith.constant 2 : i32
      %add3A_235 = arith.addi %add3A_201, %add3A_234 : i32
      %dma_start3A_236 = arith.constant 100 : i32
      %dma_start3A_237 = arith.constant 0 : i32
      %dma_start3A_238 = tpu.memref_slice %arg6[%dma_start3A_236, %dma_start3A_237] : memref<800x64xf32, #tpu.memory_space<vmem>> -> memref<50x64xf32, #tpu.memory_space<vmem>>
      %dma_start3A_239 = arith.constant 0 : i32
      %dma_start3A_240 = arith.constant 0 : i32
      %dma_start3A_241 = tpu.memref_slice %arg4[%add3A_235, %dma_start3A_239, %dma_start3A_240] : memref<16384x50x64xf32, #tpu.memory_space<hbm>> -> memref<1x50x64xf32, #tpu.memory_space<hbm>>
      %dma_start3A_242 = tpu.memref_squeeze %dma_start3A_241 : memref<1x50x64xf32, #tpu.memory_space<hbm>> -> memref<50x64xf32, #tpu.memory_space<hbm>>
      %dma_start3A_243 = arith.constant 0 : i32
      %dma_start3A_244 = arith.constant 0 : i32
      %dma_start3A_245 = tpu.memref_slice %arg4[%add3A_235, %dma_start3A_243, %dma_start3A_244] : memref<16384x50x64xf32, #tpu.memory_space<hbm>> -> memref<1x50x64xf32, #tpu.memory_space<hbm>>
      %dma_start3A_246 = tpu.memref_squeeze %dma_start3A_245 : memref<1x50x64xf32, #tpu.memory_space<hbm>> -> memref<50x64xf32, #tpu.memory_space<hbm>>
      %dma_start3A_247 = arith.constant 100 : i32
      %dma_start3A_248 = arith.constant 0 : i32
      %dma_start3A_249 = tpu.memref_slice %arg6[%dma_start3A_247, %dma_start3A_248] : memref<800x64xf32, #tpu.memory_space<vmem>> -> memref<50x64xf32, #tpu.memory_space<vmem>>
      tpu.enqueue_dma source(%dma_start3A_249 : memref<50x64xf32, #tpu.memory_space<vmem>>) target(%dma_start3A_246 : memref<50x64xf32, #tpu.memory_space<hbm>>) target_semaphore(%arg11 : memref<!tpu.dma_semaphore, #tpu.memory_space<semaphore_mem>>)
      %add3A_250 = arith.constant 3 : i32
      %add3A_251 = arith.addi %add3A_201, %add3A_250 : i32
      %dma_start3A_252 = arith.constant 150 : i32
      %dma_start3A_253 = arith.constant 0 : i32
      %dma_start3A_254 = tpu.memref_slice %arg6[%dma_start3A_252, %dma_start3A_253] : memref<800x64xf32, #tpu.memory_space<vmem>> -> memref<50x64xf32, #tpu.memory_space<vmem>>
      %dma_start3A_255 = arith.constant 0 : i32
      %dma_start3A_256 = arith.constant 0 : i32
      %dma_start3A_257 = tpu.memref_slice %arg4[%add3A_251, %dma_start3A_255, %dma_start3A_256] : memref<16384x50x64xf32, #tpu.memory_space<hbm>> -> memref<1x50x64xf32, #tpu.memory_space<hbm>>
      %dma_start3A_258 = tpu.memref_squeeze %dma_start3A_257 : memref<1x50x64xf32, #tpu.memory_space<hbm>> -> memref<50x64xf32, #tpu.memory_space<hbm>>
      %dma_start3A_259 = arith.constant 0 : i32
      %dma_start3A_260 = arith.constant 0 : i32
      %dma_start3A_261 = tpu.memref_slice %arg4[%add3A_251, %dma_start3A_259, %dma_start3A_260] : memref<16384x50x64xf32, #tpu.memory_space<hbm>> -> memref<1x50x64xf32, #tpu.memory_space<hbm>>
      %dma_start3A_262 = tpu.memref_squeeze %dma_start3A_261 : memref<1x50x64xf32, #tpu.memory_space<hbm>> -> memref<50x64xf32, #tpu.memory_space<hbm>>
      %dma_start3A_263 = arith.constant 150 : i32
      %dma_start3A_264 = arith.constant 0 : i32
      %dma_start3A_265 = tpu.memref_slice %arg6[%dma_start3A_263, %dma_start3A_264] : memref<800x64xf32, #tpu.memory_space<vmem>> -> memref<50x64xf32, #tpu.memory_space<vmem>>
      tpu.enqueue_dma source(%dma_start3A_265 : memref<50x64xf32, #tpu.memory_space<vmem>>) target(%dma_start3A_262 : memref<50x64xf32, #tpu.memory_space<hbm>>) target_semaphore(%arg11 : memref<!tpu.dma_semaphore, #tpu.memory_space<semaphore_mem>>)
      %add3A_266 = arith.constant 4 : i32
      %add3A_267 = arith.addi %add3A_201, %add3A_266 : i32
      %dma_start3A_268 = arith.constant 200 : i32
      %dma_start3A_269 = arith.constant 0 : i32
      %dma_start3A_270 = tpu.memref_slice %arg6[%dma_start3A_268, %dma_start3A_269] : memref<800x64xf32, #tpu.memory_space<vmem>> -> memref<50x64xf32, #tpu.memory_space<vmem>>
      %dma_start3A_271 = arith.constant 0 : i32
      %dma_start3A_272 = arith.constant 0 : i32
      %dma_start3A_273 = tpu.memref_slice %arg4[%add3A_267, %dma_start3A_271, %dma_start3A_272] : memref<16384x50x64xf32, #tpu.memory_space<hbm>> -> memref<1x50x64xf32, #tpu.memory_space<hbm>>
      %dma_start3A_274 = tpu.memref_squeeze %dma_start3A_273 : memref<1x50x64xf32, #tpu.memory_space<hbm>> -> memref<50x64xf32, #tpu.memory_space<hbm>>
      %dma_start3A_275 = arith.constant 0 : i32
      %dma_start3A_276 = arith.constant 0 : i32
      %dma_start3A_277 = tpu.memref_slice %arg4[%add3A_267, %dma_start3A_275, %dma_start3A_276] : memref<16384x50x64xf32, #tpu.memory_space<hbm>> -> memref<1x50x64xf32, #tpu.memory_space<hbm>>
      %dma_start3A_278 = tpu.memref_squeeze %dma_start3A_277 : memref<1x50x64xf32, #tpu.memory_space<hbm>> -> memref<50x64xf32, #tpu.memory_space<hbm>>
      %dma_start3A_279 = arith.constant 200 : i32
      %dma_start3A_280 = arith.constant 0 : i32
      %dma_start3A_281 = tpu.memref_slice %arg6[%dma_start3A_279, %dma_start3A_280] : memref<800x64xf32, #tpu.memory_space<vmem>> -> memref<50x64xf32, #tpu.memory_space<vmem>>
      tpu.enqueue_dma source(%dma_start3A_281 : memref<50x64xf32, #tpu.memory_space<vmem>>) target(%dma_start3A_278 : memref<50x64xf32, #tpu.memory_space<hbm>>) target_semaphore(%arg11 : memref<!tpu.dma_semaphore, #tpu.memory_space<semaphore_mem>>)
      %add3A_282 = arith.constant 5 : i32
      %add3A_283 = arith.addi %add3A_201, %add3A_282 : i32
      %dma_start3A_284 = arith.constant 250 : i32
      %dma_start3A_285 = arith.constant 0 : i32
      %dma_start3A_286 = tpu.memref_slice %arg6[%dma_start3A_284, %dma_start3A_285] : memref<800x64xf32, #tpu.memory_space<vmem>> -> memref<50x64xf32, #tpu.memory_space<vmem>>
      %dma_start3A_287 = arith.constant 0 : i32
      %dma_start3A_288 = arith.constant 0 : i32
      %dma_start3A_289 = tpu.memref_slice %arg4[%add3A_283, %dma_start3A_287, %dma_start3A_288] : memref<16384x50x64xf32, #tpu.memory_space<hbm>> -> memref<1x50x64xf32, #tpu.memory_space<hbm>>
      %dma_start3A_290 = tpu.memref_squeeze %dma_start3A_289 : memref<1x50x64xf32, #tpu.memory_space<hbm>> -> memref<50x64xf32, #tpu.memory_space<hbm>>
      %dma_start3A_291 = arith.constant 0 : i32
      %dma_start3A_292 = arith.constant 0 : i32
      %dma_start3A_293 = tpu.memref_slice %arg4[%add3A_283, %dma_start3A_291, %dma_start3A_292] : memref<16384x50x64xf32, #tpu.memory_space<hbm>> -> memref<1x50x64xf32, #tpu.memory_space<hbm>>
      %dma_start3A_294 = tpu.memref_squeeze %dma_start3A_293 : memref<1x50x64xf32, #tpu.memory_space<hbm>> -> memref<50x64xf32, #tpu.memory_space<hbm>>
      %dma_start3A_295 = arith.constant 250 : i32
      %dma_start3A_296 = arith.constant 0 : i32
      %dma_start3A_297 = tpu.memref_slice %arg6[%dma_start3A_295, %dma_start3A_296] : memref<800x64xf32, #tpu.memory_space<vmem>> -> memref<50x64xf32, #tpu.memory_space<vmem>>
      tpu.enqueue_dma source(%dma_start3A_297 : memref<50x64xf32, #tpu.memory_space<vmem>>) target(%dma_start3A_294 : memref<50x64xf32, #tpu.memory_space<hbm>>) target_semaphore(%arg11 : memref<!tpu.dma_semaphore, #tpu.memory_space<semaphore_mem>>)
      %add3A_298 = arith.constant 6 : i32
      %add3A_299 = arith.addi %add3A_201, %add3A_298 : i32
      %dma_start3A_300 = arith.constant 300 : i32
      %dma_start3A_301 = arith.constant 0 : i32
      %dma_start3A_302 = tpu.memref_slice %arg6[%dma_start3A_300, %dma_start3A_301] : memref<800x64xf32, #tpu.memory_space<vmem>> -> memref<50x64xf32, #tpu.memory_space<vmem>>
      %dma_start3A_303 = arith.constant 0 : i32
      %dma_start3A_304 = arith.constant 0 : i32
      %dma_start3A_305 = tpu.memref_slice %arg4[%add3A_299, %dma_start3A_303, %dma_start3A_304] : memref<16384x50x64xf32, #tpu.memory_space<hbm>> -> memref<1x50x64xf32, #tpu.memory_space<hbm>>
      %dma_start3A_306 = tpu.memref_squeeze %dma_start3A_305 : memref<1x50x64xf32, #tpu.memory_space<hbm>> -> memref<50x64xf32, #tpu.memory_space<hbm>>
      %dma_start3A_307 = arith.constant 0 : i32
      %dma_start3A_308 = arith.constant 0 : i32
      %dma_start3A_309 = tpu.memref_slice %arg4[%add3A_299, %dma_start3A_307, %dma_start3A_308] : memref<16384x50x64xf32, #tpu.memory_space<hbm>> -> memref<1x50x64xf32, #tpu.memory_space<hbm>>
      %dma_start3A_310 = tpu.memref_squeeze %dma_start3A_309 : memref<1x50x64xf32, #tpu.memory_space<hbm>> -> memref<50x64xf32, #tpu.memory_space<hbm>>
      %dma_start3A_311 = arith.constant 300 : i32
      %dma_start3A_312 = arith.constant 0 : i32
      %dma_start3A_313 = tpu.memref_slice %arg6[%dma_start3A_311, %dma_start3A_312] : memref<800x64xf32, #tpu.memory_space<vmem>> -> memref<50x64xf32, #tpu.memory_space<vmem>>
      tpu.enqueue_dma source(%dma_start3A_313 : memref<50x64xf32, #tpu.memory_space<vmem>>) target(%dma_start3A_310 : memref<50x64xf32, #tpu.memory_space<hbm>>) target_semaphore(%arg11 : memref<!tpu.dma_semaphore, #tpu.memory_space<semaphore_mem>>)
      %add3A_314 = arith.constant 7 : i32
      %add3A_315 = arith.addi %add3A_201, %add3A_314 : i32
      %dma_start3A_316 = arith.constant 350 : i32
      %dma_start3A_317 = arith.constant 0 : i32
      %dma_start3A_318 = tpu.memref_slice %arg6[%dma_start3A_316, %dma_start3A_317] : memref<800x64xf32, #tpu.memory_space<vmem>> -> memref<50x64xf32, #tpu.memory_space<vmem>>
      %dma_start3A_319 = arith.constant 0 : i32
      %dma_start3A_320 = arith.constant 0 : i32
      %dma_start3A_321 = tpu.memref_slice %arg4[%add3A_315, %dma_start3A_319, %dma_start3A_320] : memref<16384x50x64xf32, #tpu.memory_space<hbm>> -> memref<1x50x64xf32, #tpu.memory_space<hbm>>
      %dma_start3A_322 = tpu.memref_squeeze %dma_start3A_321 : memref<1x50x64xf32, #tpu.memory_space<hbm>> -> memref<50x64xf32, #tpu.memory_space<hbm>>
      %dma_start3A_323 = arith.constant 0 : i32
      %dma_start3A_324 = arith.constant 0 : i32
      %dma_start3A_325 = tpu.memref_slice %arg4[%add3A_315, %dma_start3A_323, %dma_start3A_324] : memref<16384x50x64xf32, #tpu.memory_space<hbm>> -> memref<1x50x64xf32, #tpu.memory_space<hbm>>
      %dma_start3A_326 = tpu.memref_squeeze %dma_start3A_325 : memref<1x50x64xf32, #tpu.memory_space<hbm>> -> memref<50x64xf32, #tpu.memory_space<hbm>>
      %dma_start3A_327 = arith.constant 350 : i32
      %dma_start3A_328 = arith.constant 0 : i32
      %dma_start3A_329 = tpu.memref_slice %arg6[%dma_start3A_327, %dma_start3A_328] : memref<800x64xf32, #tpu.memory_space<vmem>> -> memref<50x64xf32, #tpu.memory_space<vmem>>
      tpu.enqueue_dma source(%dma_start3A_329 : memref<50x64xf32, #tpu.memory_space<vmem>>) target(%dma_start3A_326 : memref<50x64xf32, #tpu.memory_space<hbm>>) target_semaphore(%arg11 : memref<!tpu.dma_semaphore, #tpu.memory_space<semaphore_mem>>)
      %add3A_330 = arith.constant 8 : i32
      %add3A_331 = arith.addi %add3A_201, %add3A_330 : i32
      %dma_start3A_332 = arith.constant 400 : i32
      %dma_start3A_333 = arith.constant 0 : i32
      %dma_start3A_334 = tpu.memref_slice %arg6[%dma_start3A_332, %dma_start3A_333] : memref<800x64xf32, #tpu.memory_space<vmem>> -> memref<50x64xf32, #tpu.memory_space<vmem>>
      %dma_start3A_335 = arith.constant 0 : i32
      %dma_start3A_336 = arith.constant 0 : i32
      %dma_start3A_337 = tpu.memref_slice %arg4[%add3A_331, %dma_start3A_335, %dma_start3A_336] : memref<16384x50x64xf32, #tpu.memory_space<hbm>> -> memref<1x50x64xf32, #tpu.memory_space<hbm>>
      %dma_start3A_338 = tpu.memref_squeeze %dma_start3A_337 : memref<1x50x64xf32, #tpu.memory_space<hbm>> -> memref<50x64xf32, #tpu.memory_space<hbm>>
      %dma_start3A_339 = arith.constant 0 : i32
      %dma_start3A_340 = arith.constant 0 : i32
      %dma_start3A_341 = tpu.memref_slice %arg4[%add3A_331, %dma_start3A_339, %dma_start3A_340] : memref<16384x50x64xf32, #tpu.memory_space<hbm>> -> memref<1x50x64xf32, #tpu.memory_space<hbm>>
      %dma_start3A_342 = tpu.memref_squeeze %dma_start3A_341 : memref<1x50x64xf32, #tpu.memory_space<hbm>> -> memref<50x64xf32, #tpu.memory_space<hbm>>
      %dma_start3A_343 = arith.constant 400 : i32
      %dma_start3A_344 = arith.constant 0 : i32
      %dma_start3A_345 = tpu.memref_slice %arg6[%dma_start3A_343, %dma_start3A_344] : memref<800x64xf32, #tpu.memory_space<vmem>> -> memref<50x64xf32, #tpu.memory_space<vmem>>
      tpu.enqueue_dma source(%dma_start3A_345 : memref<50x64xf32, #tpu.memory_space<vmem>>) target(%dma_start3A_342 : memref<50x64xf32, #tpu.memory_space<hbm>>) target_semaphore(%arg11 : memref<!tpu.dma_semaphore, #tpu.memory_space<semaphore_mem>>)
      %add3A_346 = arith.constant 9 : i32
      %add3A_347 = arith.addi %add3A_201, %add3A_346 : i32
      %dma_start3A_348 = arith.constant 450 : i32
      %dma_start3A_349 = arith.constant 0 : i32
      %dma_start3A_350 = tpu.memref_slice %arg6[%dma_start3A_348, %dma_start3A_349] : memref<800x64xf32, #tpu.memory_space<vmem>> -> memref<50x64xf32, #tpu.memory_space<vmem>>
      %dma_start3A_351 = arith.constant 0 : i32
      %dma_start3A_352 = arith.constant 0 : i32
      %dma_start3A_353 = tpu.memref_slice %arg4[%add3A_347, %dma_start3A_351, %dma_start3A_352] : memref<16384x50x64xf32, #tpu.memory_space<hbm>> -> memref<1x50x64xf32, #tpu.memory_space<hbm>>
      %dma_start3A_354 = tpu.memref_squeeze %dma_start3A_353 : memref<1x50x64xf32, #tpu.memory_space<hbm>> -> memref<50x64xf32, #tpu.memory_space<hbm>>
      %dma_start3A_355 = arith.constant 0 : i32
      %dma_start3A_356 = arith.constant 0 : i32
      %dma_start3A_357 = tpu.memref_slice %arg4[%add3A_347, %dma_start3A_355, %dma_start3A_356] : memref<16384x50x64xf32, #tpu.memory_space<hbm>> -> memref<1x50x64xf32, #tpu.memory_space<hbm>>
      %dma_start3A_358 = tpu.memref_squeeze %dma_start3A_357 : memref<1x50x64xf32, #tpu.memory_space<hbm>> -> memref<50x64xf32, #tpu.memory_space<hbm>>
      %dma_start3A_359 = arith.constant 450 : i32
      %dma_start3A_360 = arith.constant 0 : i32
      %dma_start3A_361 = tpu.memref_slice %arg6[%dma_start3A_359, %dma_start3A_360] : memref<800x64xf32, #tpu.memory_space<vmem>> -> memref<50x64xf32, #tpu.memory_space<vmem>>
      tpu.enqueue_dma source(%dma_start3A_361 : memref<50x64xf32, #tpu.memory_space<vmem>>) target(%dma_start3A_358 : memref<50x64xf32, #tpu.memory_space<hbm>>) target_semaphore(%arg11 : memref<!tpu.dma_semaphore, #tpu.memory_space<semaphore_mem>>)
      %add3A_362 = arith.constant 10 : i32
      %add3A_363 = arith.addi %add3A_201, %add3A_362 : i32
      %dma_start3A_364 = arith.constant 500 : i32
      %dma_start3A_365 = arith.constant 0 : i32
      %dma_start3A_366 = tpu.memref_slice %arg6[%dma_start3A_364, %dma_start3A_365] : memref<800x64xf32, #tpu.memory_space<vmem>> -> memref<50x64xf32, #tpu.memory_space<vmem>>
      %dma_start3A_367 = arith.constant 0 : i32
      %dma_start3A_368 = arith.constant 0 : i32
      %dma_start3A_369 = tpu.memref_slice %arg4[%add3A_363, %dma_start3A_367, %dma_start3A_368] : memref<16384x50x64xf32, #tpu.memory_space<hbm>> -> memref<1x50x64xf32, #tpu.memory_space<hbm>>
      %dma_start3A_370 = tpu.memref_squeeze %dma_start3A_369 : memref<1x50x64xf32, #tpu.memory_space<hbm>> -> memref<50x64xf32, #tpu.memory_space<hbm>>
      %dma_start3A_371 = arith.constant 0 : i32
      %dma_start3A_372 = arith.constant 0 : i32
      %dma_start3A_373 = tpu.memref_slice %arg4[%add3A_363, %dma_start3A_371, %dma_start3A_372] : memref<16384x50x64xf32, #tpu.memory_space<hbm>> -> memref<1x50x64xf32, #tpu.memory_space<hbm>>
      %dma_start3A_374 = tpu.memref_squeeze %dma_start3A_373 : memref<1x50x64xf32, #tpu.memory_space<hbm>> -> memref<50x64xf32, #tpu.memory_space<hbm>>
      %dma_start3A_375 = arith.constant 500 : i32
      %dma_start3A_376 = arith.constant 0 : i32
      %dma_start3A_377 = tpu.memref_slice %arg6[%dma_start3A_375, %dma_start3A_376] : memref<800x64xf32, #tpu.memory_space<vmem>> -> memref<50x64xf32, #tpu.memory_space<vmem>>
      tpu.enqueue_dma source(%dma_start3A_377 : memref<50x64xf32, #tpu.memory_space<vmem>>) target(%dma_start3A_374 : memref<50x64xf32, #tpu.memory_space<hbm>>) target_semaphore(%arg11 : memref<!tpu.dma_semaphore, #tpu.memory_space<semaphore_mem>>)
      %add3A_378 = arith.constant 11 : i32
      %add3A_379 = arith.addi %add3A_201, %add3A_378 : i32
      %dma_start3A_380 = arith.constant 550 : i32
      %dma_start3A_381 = arith.constant 0 : i32
      %dma_start3A_382 = tpu.memref_slice %arg6[%dma_start3A_380, %dma_start3A_381] : memref<800x64xf32, #tpu.memory_space<vmem>> -> memref<50x64xf32, #tpu.memory_space<vmem>>
      %dma_start3A_383 = arith.constant 0 : i32
      %dma_start3A_384 = arith.constant 0 : i32
      %dma_start3A_385 = tpu.memref_slice %arg4[%add3A_379, %dma_start3A_383, %dma_start3A_384] : memref<16384x50x64xf32, #tpu.memory_space<hbm>> -> memref<1x50x64xf32, #tpu.memory_space<hbm>>
      %dma_start3A_386 = tpu.memref_squeeze %dma_start3A_385 : memref<1x50x64xf32, #tpu.memory_space<hbm>> -> memref<50x64xf32, #tpu.memory_space<hbm>>
      %dma_start3A_387 = arith.constant 0 : i32
      %dma_start3A_388 = arith.constant 0 : i32
      %dma_start3A_389 = tpu.memref_slice %arg4[%add3A_379, %dma_start3A_387, %dma_start3A_388] : memref<16384x50x64xf32, #tpu.memory_space<hbm>> -> memref<1x50x64xf32, #tpu.memory_space<hbm>>
      %dma_start3A_390 = tpu.memref_squeeze %dma_start3A_389 : memref<1x50x64xf32, #tpu.memory_space<hbm>> -> memref<50x64xf32, #tpu.memory_space<hbm>>
      %dma_start3A_391 = arith.constant 550 : i32
      %dma_start3A_392 = arith.constant 0 : i32
      %dma_start3A_393 = tpu.memref_slice %arg6[%dma_start3A_391, %dma_start3A_392] : memref<800x64xf32, #tpu.memory_space<vmem>> -> memref<50x64xf32, #tpu.memory_space<vmem>>
      tpu.enqueue_dma source(%dma_start3A_393 : memref<50x64xf32, #tpu.memory_space<vmem>>) target(%dma_start3A_390 : memref<50x64xf32, #tpu.memory_space<hbm>>) target_semaphore(%arg11 : memref<!tpu.dma_semaphore, #tpu.memory_space<semaphore_mem>>)
      %add3A_394 = arith.constant 12 : i32
      %add3A_395 = arith.addi %add3A_201, %add3A_394 : i32
      %dma_start3A_396 = arith.constant 600 : i32
      %dma_start3A_397 = arith.constant 0 : i32
      %dma_start3A_398 = tpu.memref_slice %arg6[%dma_start3A_396, %dma_start3A_397] : memref<800x64xf32, #tpu.memory_space<vmem>> -> memref<50x64xf32, #tpu.memory_space<vmem>>
      %dma_start3A_399 = arith.constant 0 : i32
      %dma_start3A_400 = arith.constant 0 : i32
      %dma_start3A_401 = tpu.memref_slice %arg4[%add3A_395, %dma_start3A_399, %dma_start3A_400] : memref<16384x50x64xf32, #tpu.memory_space<hbm>> -> memref<1x50x64xf32, #tpu.memory_space<hbm>>
      %dma_start3A_402 = tpu.memref_squeeze %dma_start3A_401 : memref<1x50x64xf32, #tpu.memory_space<hbm>> -> memref<50x64xf32, #tpu.memory_space<hbm>>
      %dma_start3A_403 = arith.constant 0 : i32
      %dma_start3A_404 = arith.constant 0 : i32
      %dma_start3A_405 = tpu.memref_slice %arg4[%add3A_395, %dma_start3A_403, %dma_start3A_404] : memref<16384x50x64xf32, #tpu.memory_space<hbm>> -> memref<1x50x64xf32, #tpu.memory_space<hbm>>
      %dma_start3A_406 = tpu.memref_squeeze %dma_start3A_405 : memref<1x50x64xf32, #tpu.memory_space<hbm>> -> memref<50x64xf32, #tpu.memory_space<hbm>>
      %dma_start3A_407 = arith.constant 600 : i32
      %dma_start3A_408 = arith.constant 0 : i32
      %dma_start3A_409 = tpu.memref_slice %arg6[%dma_start3A_407, %dma_start3A_408] : memref<800x64xf32, #tpu.memory_space<vmem>> -> memref<50x64xf32, #tpu.memory_space<vmem>>
      tpu.enqueue_dma source(%dma_start3A_409 : memref<50x64xf32, #tpu.memory_space<vmem>>) target(%dma_start3A_406 : memref<50x64xf32, #tpu.memory_space<hbm>>) target_semaphore(%arg11 : memref<!tpu.dma_semaphore, #tpu.memory_space<semaphore_mem>>)
      %add3A_410 = arith.constant 13 : i32
      %add3A_411 = arith.addi %add3A_201, %add3A_410 : i32
      %dma_start3A_412 = arith.constant 650 : i32
      %dma_start3A_413 = arith.constant 0 : i32
      %dma_start3A_414 = tpu.memref_slice %arg6[%dma_start3A_412, %dma_start3A_413] : memref<800x64xf32, #tpu.memory_space<vmem>> -> memref<50x64xf32, #tpu.memory_space<vmem>>
      %dma_start3A_415 = arith.constant 0 : i32
      %dma_start3A_416 = arith.constant 0 : i32
      %dma_start3A_417 = tpu.memref_slice %arg4[%add3A_411, %dma_start3A_415, %dma_start3A_416] : memref<16384x50x64xf32, #tpu.memory_space<hbm>> -> memref<1x50x64xf32, #tpu.memory_space<hbm>>
      %dma_start3A_418 = tpu.memref_squeeze %dma_start3A_417 : memref<1x50x64xf32, #tpu.memory_space<hbm>> -> memref<50x64xf32, #tpu.memory_space<hbm>>
      %dma_start3A_419 = arith.constant 0 : i32
      %dma_start3A_420 = arith.constant 0 : i32
      %dma_start3A_421 = tpu.memref_slice %arg4[%add3A_411, %dma_start3A_419, %dma_start3A_420] : memref<16384x50x64xf32, #tpu.memory_space<hbm>> -> memref<1x50x64xf32, #tpu.memory_space<hbm>>
      %dma_start3A_422 = tpu.memref_squeeze %dma_start3A_421 : memref<1x50x64xf32, #tpu.memory_space<hbm>> -> memref<50x64xf32, #tpu.memory_space<hbm>>
      %dma_start3A_423 = arith.constant 650 : i32
      %dma_start3A_424 = arith.constant 0 : i32
      %dma_start3A_425 = tpu.memref_slice %arg6[%dma_start3A_423, %dma_start3A_424] : memref<800x64xf32, #tpu.memory_space<vmem>> -> memref<50x64xf32, #tpu.memory_space<vmem>>
      tpu.enqueue_dma source(%dma_start3A_425 : memref<50x64xf32, #tpu.memory_space<vmem>>) target(%dma_start3A_422 : memref<50x64xf32, #tpu.memory_space<hbm>>) target_semaphore(%arg11 : memref<!tpu.dma_semaphore, #tpu.memory_space<semaphore_mem>>)
      %add3A_426 = arith.constant 14 : i32
      %add3A_427 = arith.addi %add3A_201, %add3A_426 : i32
      %dma_start3A_428 = arith.constant 700 : i32
      %dma_start3A_429 = arith.constant 0 : i32
      %dma_start3A_430 = tpu.memref_slice %arg6[%dma_start3A_428, %dma_start3A_429] : memref<800x64xf32, #tpu.memory_space<vmem>> -> memref<50x64xf32, #tpu.memory_space<vmem>>
      %dma_start3A_431 = arith.constant 0 : i32
      %dma_start3A_432 = arith.constant 0 : i32
      %dma_start3A_433 = tpu.memref_slice %arg4[%add3A_427, %dma_start3A_431, %dma_start3A_432] : memref<16384x50x64xf32, #tpu.memory_space<hbm>> -> memref<1x50x64xf32, #tpu.memory_space<hbm>>
      %dma_start3A_434 = tpu.memref_squeeze %dma_start3A_433 : memref<1x50x64xf32, #tpu.memory_space<hbm>> -> memref<50x64xf32, #tpu.memory_space<hbm>>
      %dma_start3A_435 = arith.constant 0 : i32
      %dma_start3A_436 = arith.constant 0 : i32
      %dma_start3A_437 = tpu.memref_slice %arg4[%add3A_427, %dma_start3A_435, %dma_start3A_436] : memref<16384x50x64xf32, #tpu.memory_space<hbm>> -> memref<1x50x64xf32, #tpu.memory_space<hbm>>
      %dma_start3A_438 = tpu.memref_squeeze %dma_start3A_437 : memref<1x50x64xf32, #tpu.memory_space<hbm>> -> memref<50x64xf32, #tpu.memory_space<hbm>>
      %dma_start3A_439 = arith.constant 700 : i32
      %dma_start3A_440 = arith.constant 0 : i32
      %dma_start3A_441 = tpu.memref_slice %arg6[%dma_start3A_439, %dma_start3A_440] : memref<800x64xf32, #tpu.memory_space<vmem>> -> memref<50x64xf32, #tpu.memory_space<vmem>>
      tpu.enqueue_dma source(%dma_start3A_441 : memref<50x64xf32, #tpu.memory_space<vmem>>) target(%dma_start3A_438 : memref<50x64xf32, #tpu.memory_space<hbm>>) target_semaphore(%arg11 : memref<!tpu.dma_semaphore, #tpu.memory_space<semaphore_mem>>)
      %add3A_442 = arith.constant 15 : i32
      %add3A_443 = arith.addi %add3A_201, %add3A_442 : i32
      %dma_start3A_444 = arith.constant 750 : i32
      %dma_start3A_445 = arith.constant 0 : i32
      %dma_start3A_446 = tpu.memref_slice %arg6[%dma_start3A_444, %dma_start3A_445] : memref<800x64xf32, #tpu.memory_space<vmem>> -> memref<50x64xf32, #tpu.memory_space<vmem>>
      %dma_start3A_447 = arith.constant 0 : i32
      %dma_start3A_448 = arith.constant 0 : i32
      %dma_start3A_449 = tpu.memref_slice %arg4[%add3A_443, %dma_start3A_447, %dma_start3A_448] : memref<16384x50x64xf32, #tpu.memory_space<hbm>> -> memref<1x50x64xf32, #tpu.memory_space<hbm>>
      %dma_start3A_450 = tpu.memref_squeeze %dma_start3A_449 : memref<1x50x64xf32, #tpu.memory_space<hbm>> -> memref<50x64xf32, #tpu.memory_space<hbm>>
      %dma_start3A_451 = arith.constant 0 : i32
      %dma_start3A_452 = arith.constant 0 : i32
      %dma_start3A_453 = tpu.memref_slice %arg4[%add3A_443, %dma_start3A_451, %dma_start3A_452] : memref<16384x50x64xf32, #tpu.memory_space<hbm>> -> memref<1x50x64xf32, #tpu.memory_space<hbm>>
      %dma_start3A_454 = tpu.memref_squeeze %dma_start3A_453 : memref<1x50x64xf32, #tpu.memory_space<hbm>> -> memref<50x64xf32, #tpu.memory_space<hbm>>
      %dma_start3A_455 = arith.constant 750 : i32
      %dma_start3A_456 = arith.constant 0 : i32
      %dma_start3A_457 = tpu.memref_slice %arg6[%dma_start3A_455, %dma_start3A_456] : memref<800x64xf32, #tpu.memory_space<vmem>> -> memref<50x64xf32, #tpu.memory_space<vmem>>
      tpu.enqueue_dma source(%dma_start3A_457 : memref<50x64xf32, #tpu.memory_space<vmem>>) target(%dma_start3A_454 : memref<50x64xf32, #tpu.memory_space<hbm>>) target_semaphore(%arg11 : memref<!tpu.dma_semaphore, #tpu.memory_space<semaphore_mem>>)
      %dma_wait3A_458 = arith.constant 0 : i32
      %dma_wait3A_459 = arith.constant 0 : i32
      %dma_wait3A_460 = tpu.memref_slice %arg8[%dma_wait3A_458, %dma_wait3A_459] : memref<800x64xf32, #tpu.memory_space<vmem>> -> memref<128x64xf32, #tpu.memory_space<vmem>>
      %dma_wait3A_461 = arith.constant 0 : i32
      %dma_wait3A_462 = tpu.memref_slice %arg7[%dma_wait3A_461] : memref<800xi32, #tpu.memory_space<vmem>> -> memref<128xi32, #tpu.memory_space<vmem>>
      %dma_wait3A_463 = arith.constant 0 : i32
      %dma_wait3A_464 = arith.constant 0 : i32
      %dma_wait3A_465 = tpu.memref_slice %arg3[%dma_wait3A_463, %dma_wait3A_464] : memref<1000000x64xf32, #tpu.memory_space<hbm>> -> memref<1000000x64xf32, #tpu.memory_space<hbm>>
      tpu.wait_indirect_dma semaphore(%arg10 : memref<!tpu.dma_semaphore, #tpu.memory_space<semaphore_mem>>) src(%dma_wait3A_465 : memref<1000000x64xf32, #tpu.memory_space<hbm>>) dst(%dma_wait3A_460 : memref<128x64xf32, #tpu.memory_space<vmem>>)
      %dma_wait3A_466 = arith.constant 128 : i32
      %dma_wait3A_467 = arith.constant 0 : i32
      %dma_wait3A_468 = tpu.memref_slice %arg8[%dma_wait3A_466, %dma_wait3A_467] : memref<800x64xf32, #tpu.memory_space<vmem>> -> memref<128x64xf32, #tpu.memory_space<vmem>>
      %dma_wait3A_469 = arith.constant 128 : i32
      %dma_wait3A_470 = tpu.memref_slice %arg7[%dma_wait3A_469] : memref<800xi32, #tpu.memory_space<vmem>> -> memref<128xi32, #tpu.memory_space<vmem>>
      %dma_wait3A_471 = arith.constant 0 : i32
      %dma_wait3A_472 = arith.constant 0 : i32
      %dma_wait3A_473 = tpu.memref_slice %arg3[%dma_wait3A_471, %dma_wait3A_472] : memref<1000000x64xf32, #tpu.memory_space<hbm>> -> memref<1000000x64xf32, #tpu.memory_space<hbm>>
      tpu.wait_indirect_dma semaphore(%arg10 : memref<!tpu.dma_semaphore, #tpu.memory_space<semaphore_mem>>) src(%dma_wait3A_473 : memref<1000000x64xf32, #tpu.memory_space<hbm>>) dst(%dma_wait3A_468 : memref<128x64xf32, #tpu.memory_space<vmem>>)
      %dma_wait3A_474 = arith.constant 256 : i32
      %dma_wait3A_475 = arith.constant 0 : i32
      %dma_wait3A_476 = tpu.memref_slice %arg8[%dma_wait3A_474, %dma_wait3A_475] : memref<800x64xf32, #tpu.memory_space<vmem>> -> memref<128x64xf32, #tpu.memory_space<vmem>>
      %dma_wait3A_477 = arith.constant 256 : i32
      %dma_wait3A_478 = tpu.memref_slice %arg7[%dma_wait3A_477] : memref<800xi32, #tpu.memory_space<vmem>> -> memref<128xi32, #tpu.memory_space<vmem>>
      %dma_wait3A_479 = arith.constant 0 : i32
      %dma_wait3A_480 = arith.constant 0 : i32
      %dma_wait3A_481 = tpu.memref_slice %arg3[%dma_wait3A_479, %dma_wait3A_480] : memref<1000000x64xf32, #tpu.memory_space<hbm>> -> memref<1000000x64xf32, #tpu.memory_space<hbm>>
      tpu.wait_indirect_dma semaphore(%arg10 : memref<!tpu.dma_semaphore, #tpu.memory_space<semaphore_mem>>) src(%dma_wait3A_481 : memref<1000000x64xf32, #tpu.memory_space<hbm>>) dst(%dma_wait3A_476 : memref<128x64xf32, #tpu.memory_space<vmem>>)
      %dma_wait3A_482 = arith.constant 384 : i32
      %dma_wait3A_483 = arith.constant 0 : i32
      %dma_wait3A_484 = tpu.memref_slice %arg8[%dma_wait3A_482, %dma_wait3A_483] : memref<800x64xf32, #tpu.memory_space<vmem>> -> memref<128x64xf32, #tpu.memory_space<vmem>>
      %dma_wait3A_485 = arith.constant 384 : i32
      %dma_wait3A_486 = tpu.memref_slice %arg7[%dma_wait3A_485] : memref<800xi32, #tpu.memory_space<vmem>> -> memref<128xi32, #tpu.memory_space<vmem>>
      %dma_wait3A_487 = arith.constant 0 : i32
      %dma_wait3A_488 = arith.constant 0 : i32
      %dma_wait3A_489 = tpu.memref_slice %arg3[%dma_wait3A_487, %dma_wait3A_488] : memref<1000000x64xf32, #tpu.memory_space<hbm>> -> memref<1000000x64xf32, #tpu.memory_space<hbm>>
      tpu.wait_indirect_dma semaphore(%arg10 : memref<!tpu.dma_semaphore, #tpu.memory_space<semaphore_mem>>) src(%dma_wait3A_489 : memref<1000000x64xf32, #tpu.memory_space<hbm>>) dst(%dma_wait3A_484 : memref<128x64xf32, #tpu.memory_space<vmem>>)
      %dma_wait3A_490 = arith.constant 512 : i32
      %dma_wait3A_491 = arith.constant 0 : i32
      %dma_wait3A_492 = tpu.memref_slice %arg8[%dma_wait3A_490, %dma_wait3A_491] : memref<800x64xf32, #tpu.memory_space<vmem>> -> memref<128x64xf32, #tpu.memory_space<vmem>>
      %dma_wait3A_493 = arith.constant 512 : i32
      %dma_wait3A_494 = tpu.memref_slice %arg7[%dma_wait3A_493] : memref<800xi32, #tpu.memory_space<vmem>> -> memref<128xi32, #tpu.memory_space<vmem>>
      %dma_wait3A_495 = arith.constant 0 : i32
      %dma_wait3A_496 = arith.constant 0 : i32
      %dma_wait3A_497 = tpu.memref_slice %arg3[%dma_wait3A_495, %dma_wait3A_496] : memref<1000000x64xf32, #tpu.memory_space<hbm>> -> memref<1000000x64xf32, #tpu.memory_space<hbm>>
      tpu.wait_indirect_dma semaphore(%arg10 : memref<!tpu.dma_semaphore, #tpu.memory_space<semaphore_mem>>) src(%dma_wait3A_497 : memref<1000000x64xf32, #tpu.memory_space<hbm>>) dst(%dma_wait3A_492 : memref<128x64xf32, #tpu.memory_space<vmem>>)
      %dma_wait3A_498 = arith.constant 640 : i32
      %dma_wait3A_499 = arith.constant 0 : i32
      %dma_wait3A_500 = tpu.memref_slice %arg8[%dma_wait3A_498, %dma_wait3A_499] : memref<800x64xf32, #tpu.memory_space<vmem>> -> memref<128x64xf32, #tpu.memory_space<vmem>>
      %dma_wait3A_501 = arith.constant 640 : i32
      %dma_wait3A_502 = tpu.memref_slice %arg7[%dma_wait3A_501] : memref<800xi32, #tpu.memory_space<vmem>> -> memref<128xi32, #tpu.memory_space<vmem>>
      %dma_wait3A_503 = arith.constant 0 : i32
      %dma_wait3A_504 = arith.constant 0 : i32
      %dma_wait3A_505 = tpu.memref_slice %arg3[%dma_wait3A_503, %dma_wait3A_504] : memref<1000000x64xf32, #tpu.memory_space<hbm>> -> memref<1000000x64xf32, #tpu.memory_space<hbm>>
      tpu.wait_indirect_dma semaphore(%arg10 : memref<!tpu.dma_semaphore, #tpu.memory_space<semaphore_mem>>) src(%dma_wait3A_505 : memref<1000000x64xf32, #tpu.memory_space<hbm>>) dst(%dma_wait3A_500 : memref<128x64xf32, #tpu.memory_space<vmem>>)
      %dma_wait3A_506 = arith.constant 768 : i32
      %dma_wait3A_507 = arith.constant 0 : i32
      %dma_wait3A_508 = tpu.memref_slice %arg8[%dma_wait3A_506, %dma_wait3A_507] : memref<800x64xf32, #tpu.memory_space<vmem>> -> memref<32x64xf32, #tpu.memory_space<vmem>>
      %dma_wait3A_509 = arith.constant 768 : i32
      %dma_wait3A_510 = tpu.memref_slice %arg7[%dma_wait3A_509] : memref<800xi32, #tpu.memory_space<vmem>> -> memref<32xi32, #tpu.memory_space<vmem>>
      %dma_wait3A_511 = arith.constant 0 : i32
      %dma_wait3A_512 = arith.constant 0 : i32
      %dma_wait3A_513 = tpu.memref_slice %arg3[%dma_wait3A_511, %dma_wait3A_512] : memref<1000000x64xf32, #tpu.memory_space<hbm>> -> memref<1000000x64xf32, #tpu.memory_space<hbm>>
      tpu.wait_indirect_dma semaphore(%arg10 : memref<!tpu.dma_semaphore, #tpu.memory_space<semaphore_mem>>) src(%dma_wait3A_513 : memref<1000000x64xf32, #tpu.memory_space<hbm>>) dst(%dma_wait3A_508 : memref<32x64xf32, #tpu.memory_space<vmem>>)
      %scan3A_514 = arith.constant 0 : i32
      %scan3A_515 = arith.constant 0 : i32
      %scan3A_516 = arith.constant 200 : i32
      %scan3A_517 = arith.addi %scan3A_515, %scan3A_516 : i32
      %scan3A_518 = arith.constant 1 : i32
      scf.for %scan3A_1233 = %scan3A_515 to %scan3A_517 step %scan3A_518  : i32 {
        %mul3A_1234 = arith.constant 4 : i32
        %mul3A_1235 = arith.muli %mul3A_1234, %scan3A_1233 : i32
        %add3A_1236 = arith.constant 0 : i32
        %add3A_1237 = arith.addi %mul3A_1235, %add3A_1236 : i32
        %get3A = arith.index_cast %add3A_1237 : i32 to index
        %get3A_1238 = arith.constant 0 : index
        %get3A_1239 = tpu.vector_load %arg8[%get3A, %get3A_1238] {strides = array<i32>} : memref<800x64xf32, #tpu.memory_space<vmem>>, vector<1x16xf32>,
        %get3A_1240 = vector.shape_cast %get3A_1239 : vector<1x16xf32> to vector<16xf32>
        %mul3A_1241 = arith.constant 8.000000e+00 : f32
        %mul3A_1242 = vector.broadcast %mul3A_1241 : f32 to vector<16xf32>
        %mul3A_1243 = arith.mulf %get3A_1240, %mul3A_1242 : vector<16xf32>
        %mul3A_1244 = arith.constant 4 : i32
        %mul3A_1245 = arith.muli %mul3A_1244, %scan3A_1233 : i32
        %add3A_1246 = arith.constant 0 : i32
        %add3A_1247 = arith.addi %mul3A_1245, %add3A_1246 : i32
        %swap3A = arith.index_cast %add3A_1247 : i32 to index
        %swap3A_1248 = arith.constant 0 : index
        %swap3A_1249 = tpu.vector_load %arg8[%swap3A, %swap3A_1248] {strides = array<i32>} : memref<800x64xf32, #tpu.memory_space<vmem>>, vector<1x16xf32>,
        %swap3A_1250 = vector.shape_cast %swap3A_1249 : vector<1x16xf32> to vector<16xf32>
        %swap3A_1251 = vector.shape_cast %mul3A_1243 : vector<16xf32> to vector<1x16xf32>
        tpu.vector_store %arg8[%swap3A, %swap3A_1248], %swap3A_1251 {strides = array<i32>} : memref<800x64xf32, #tpu.memory_space<vmem>>, vector<1x16xf32>,
        %mul3A_1252 = arith.constant 4 : i32
        %mul3A_1253 = arith.muli %mul3A_1252, %scan3A_1233 : i32
        %add3A_1254 = arith.constant 0 : i32
        %add3A_1255 = arith.addi %mul3A_1253, %add3A_1254 : i32
        %get3A_1256 = arith.index_cast %add3A_1255 : i32 to index
        %get3A_1257 = arith.constant 16 : index
        %get3A_1258 = tpu.vector_load %arg8[%get3A_1256, %get3A_1257] {strides = array<i32>} : memref<800x64xf32, #tpu.memory_space<vmem>>, vector<1x16xf32>,
        %get3A_1259 = vector.shape_cast %get3A_1258 : vector<1x16xf32> to vector<16xf32>
        %mul3A_1260 = arith.constant 8.000000e+00 : f32
        %mul3A_1261 = vector.broadcast %mul3A_1260 : f32 to vector<16xf32>
        %mul3A_1262 = arith.mulf %get3A_1259, %mul3A_1261 : vector<16xf32>
        %mul3A_1263 = arith.constant 4 : i32
        %mul3A_1264 = arith.muli %mul3A_1263, %scan3A_1233 : i32
        %add3A_1265 = arith.constant 0 : i32
        %add3A_1266 = arith.addi %mul3A_1264, %add3A_1265 : i32
        %swap3A_1267 = arith.index_cast %add3A_1266 : i32 to index
        %swap3A_1268 = arith.constant 16 : index
        %swap3A_1269 = tpu.vector_load %arg8[%swap3A_1267, %swap3A_1268] {strides = array<i32>} : memref<800x64xf32, #tpu.memory_space<vmem>>, vector<1x16xf32>,
        %swap3A_1270 = vector.shape_cast %swap3A_1269 : vector<1x16xf32> to vector<16xf32>
        %swap3A_1271 = vector.shape_cast %mul3A_1262 : vector<16xf32> to vector<1x16xf32>
        tpu.vector_store %arg8[%swap3A_1267, %swap3A_1268], %swap3A_1271 {strides = array<i32>} : memref<800x64xf32, #tpu.memory_space<vmem>>, vector<1x16xf32>,
        %mul3A_1272 = arith.constant 4 : i32
        %mul3A_1273 = arith.muli %mul3A_1272, %scan3A_1233 : i32
        %add3A_1274 = arith.constant 0 : i32
        %add3A_1275 = arith.addi %mul3A_1273, %add3A_1274 : i32
        %get3A_1276 = arith.index_cast %add3A_1275 : i32 to index
        %get3A_1277 = arith.constant 32 : index
        %get3A_1278 = tpu.vector_load %arg8[%get3A_1276, %get3A_1277] {strides = array<i32>} : memref<800x64xf32, #tpu.memory_space<vmem>>, vector<1x16xf32>,
        %get3A_1279 = vector.shape_cast %get3A_1278 : vector<1x16xf32> to vector<16xf32>
        %mul3A_1280 = arith.constant 8.000000e+00 : f32
        %mul3A_1281 = vector.broadcast %mul3A_1280 : f32 to vector<16xf32>
        %mul3A_1282 = arith.mulf %get3A_1279, %mul3A_1281 : vector<16xf32>
        %mul3A_1283 = arith.constant 4 : i32
        %mul3A_1284 = arith.muli %mul3A_1283, %scan3A_1233 : i32
        %add3A_1285 = arith.constant 0 : i32
        %add3A_1286 = arith.addi %mul3A_1284, %add3A_1285 : i32
        %swap3A_1287 = arith.index_cast %add3A_1286 : i32 to index
        %swap3A_1288 = arith.constant 32 : index
        %swap3A_1289 = tpu.vector_load %arg8[%swap3A_1287, %swap3A_1288] {strides = array<i32>} : memref<800x64xf32, #tpu.memory_space<vmem>>, vector<1x16xf32>,
        %swap3A_1290 = vector.shape_cast %swap3A_1289 : vector<1x16xf32> to vector<16xf32>
        %swap3A_1291 = vector.shape_cast %mul3A_1282 : vector<16xf32> to vector<1x16xf32>
        tpu.vector_store %arg8[%swap3A_1287, %swap3A_1288], %swap3A_1291 {strides = array<i32>} : memref<800x64xf32, #tpu.memory_space<vmem>>, vector<1x16xf32>,
        %mul3A_1292 = arith.constant 4 : i32
        %mul3A_1293 = arith.muli %mul3A_1292, %scan3A_1233 : i32
        %add3A_1294 = arith.constant 0 : i32
        %add3A_1295 = arith.addi %mul3A_1293, %add3A_1294 : i32
        %get3A_1296 = arith.index_cast %add3A_1295 : i32 to index
        %get3A_1297 = arith.constant 48 : index
        %get3A_1298 = tpu.vector_load %arg8[%get3A_1296, %get3A_1297] {strides = array<i32>} : memref<800x64xf32, #tpu.memory_space<vmem>>, vector<1x16xf32>,
        %get3A_1299 = vector.shape_cast %get3A_1298 : vector<1x16xf32> to vector<16xf32>
        %mul3A_1300 = arith.constant 8.000000e+00 : f32
        %mul3A_1301 = vector.broadcast %mul3A_1300 : f32 to vector<16xf32>
        %mul3A_1302 = arith.mulf %get3A_1299, %mul3A_1301 : vector<16xf32>
        %mul3A_1303 = arith.constant 4 : i32
        %mul3A_1304 = arith.muli %mul3A_1303, %scan3A_1233 : i32
        %add3A_1305 = arith.constant 0 : i32
        %add3A_1306 = arith.addi %mul3A_1304, %add3A_1305 : i32
        %swap3A_1307 = arith.index_cast %add3A_1306 : i32 to index
        %swap3A_1308 = arith.constant 48 : index
        %swap3A_1309 = tpu.vector_load %arg8[%swap3A_1307, %swap3A_1308] {strides = array<i32>} : memref<800x64xf32, #tpu.memory_space<vmem>>, vector<1x16xf32>,
        %swap3A_1310 = vector.shape_cast %swap3A_1309 : vector<1x16xf32> to vector<16xf32>
        %swap3A_1311 = vector.shape_cast %mul3A_1302 : vector<16xf32> to vector<1x16xf32>
        tpu.vector_store %arg8[%swap3A_1307, %swap3A_1308], %swap3A_1311 {strides = array<i32>} : memref<800x64xf32, #tpu.memory_space<vmem>>, vector<1x16xf32>,
        %mul3A_1312 = arith.constant 4 : i32
        %mul3A_1313 = arith.muli %mul3A_1312, %scan3A_1233 : i32
        %add3A_1314 = arith.constant 1 : i32
        %add3A_1315 = arith.addi %mul3A_1313, %add3A_1314 : i32
        %get3A_1316 = arith.index_cast %add3A_1315 : i32 to index
        %get3A_1317 = arith.constant 0 : index
        %get3A_1318 = tpu.vector_load %arg8[%get3A_1316, %get3A_1317] {strides = array<i32>} : memref<800x64xf32, #tpu.memory_space<vmem>>, vector<1x16xf32>,
        %get3A_1319 = vector.shape_cast %get3A_1318 : vector<1x16xf32> to vector<16xf32>
        %mul3A_1320 = arith.constant 8.000000e+00 : f32
        %mul3A_1321 = vector.broadcast %mul3A_1320 : f32 to vector<16xf32>
        %mul3A_1322 = arith.mulf %get3A_1319, %mul3A_1321 : vector<16xf32>
        %mul3A_1323 = arith.constant 4 : i32
        %mul3A_1324 = arith.muli %mul3A_1323, %scan3A_1233 : i32
        %add3A_1325 = arith.constant 1 : i32
        %add3A_1326 = arith.addi %mul3A_1324, %add3A_1325 : i32
        %swap3A_1327 = arith.index_cast %add3A_1326 : i32 to index
        %swap3A_1328 = arith.constant 0 : index
        %swap3A_1329 = tpu.vector_load %arg8[%swap3A_1327, %swap3A_1328] {strides = array<i32>} : memref<800x64xf32, #tpu.memory_space<vmem>>, vector<1x16xf32>,
        %swap3A_1330 = vector.shape_cast %swap3A_1329 : vector<1x16xf32> to vector<16xf32>
        %swap3A_1331 = vector.shape_cast %mul3A_1322 : vector<16xf32> to vector<1x16xf32>
        tpu.vector_store %arg8[%swap3A_1327, %swap3A_1328], %swap3A_1331 {strides = array<i32>} : memref<800x64xf32, #tpu.memory_space<vmem>>, vector<1x16xf32>,
        %mul3A_1332 = arith.constant 4 : i32
        %mul3A_1333 = arith.muli %mul3A_1332, %scan3A_1233 : i32
        %add3A_1334 = arith.constant 1 : i32
        %add3A_1335 = arith.addi %mul3A_1333, %add3A_1334 : i32
        %get3A_1336 = arith.index_cast %add3A_1335 : i32 to index
        %get3A_1337 = arith.constant 16 : index
        %get3A_1338 = tpu.vector_load %arg8[%get3A_1336, %get3A_1337] {strides = array<i32>} : memref<800x64xf32, #tpu.memory_space<vmem>>, vector<1x16xf32>,
        %get3A_1339 = vector.shape_cast %get3A_1338 : vector<1x16xf32> to vector<16xf32>
        %mul3A_1340 = arith.constant 8.000000e+00 : f32
        %mul3A_1341 = vector.broadcast %mul3A_1340 : f32 to vector<16xf32>
        %mul3A_1342 = arith.mulf %get3A_1339, %mul3A_1341 : vector<16xf32>
        %mul3A_1343 = arith.constant 4 : i32
        %mul3A_1344 = arith.muli %mul3A_1343, %scan3A_1233 : i32
        %add3A_1345 = arith.constant 1 : i32
        %add3A_1346 = arith.addi %mul3A_1344, %add3A_1345 : i32
        %swap3A_1347 = arith.index_cast %add3A_1346 : i32 to index
        %swap3A_1348 = arith.constant 16 : index
        %swap3A_1349 = tpu.vector_load %arg8[%swap3A_1347, %swap3A_1348] {strides = array<i32>} : memref<800x64xf32, #tpu.memory_space<vmem>>, vector<1x16xf32>,
        %swap3A_1350 = vector.shape_cast %swap3A_1349 : vector<1x16xf32> to vector<16xf32>
        %swap3A_1351 = vector.shape_cast %mul3A_1342 : vector<16xf32> to vector<1x16xf32>
        tpu.vector_store %arg8[%swap3A_1347, %swap3A_1348], %swap3A_1351 {strides = array<i32>} : memref<800x64xf32, #tpu.memory_space<vmem>>, vector<1x16xf32>,
        %mul3A_1352 = arith.constant 4 : i32
        %mul3A_1353 = arith.muli %mul3A_1352, %scan3A_1233 : i32
        %add3A_1354 = arith.constant 1 : i32
        %add3A_1355 = arith.addi %mul3A_1353, %add3A_1354 : i32
        %get3A_1356 = arith.index_cast %add3A_1355 : i32 to index
        %get3A_1357 = arith.constant 32 : index
        %get3A_1358 = tpu.vector_load %arg8[%get3A_1356, %get3A_1357] {strides = array<i32>} : memref<800x64xf32, #tpu.memory_space<vmem>>, vector<1x16xf32>,
        %get3A_1359 = vector.shape_cast %get3A_1358 : vector<1x16xf32> to vector<16xf32>
        %mul3A_1360 = arith.constant 8.000000e+00 : f32
        %mul3A_1361 = vector.broadcast %mul3A_1360 : f32 to vector<16xf32>
        %mul3A_1362 = arith.mulf %get3A_1359, %mul3A_1361 : vector<16xf32>
        %mul3A_1363 = arith.constant 4 : i32
        %mul3A_1364 = arith.muli %mul3A_1363, %scan3A_1233 : i32
        %add3A_1365 = arith.constant 1 : i32
        %add3A_1366 = arith.addi %mul3A_1364, %add3A_1365 : i32
        %swap3A_1367 = arith.index_cast %add3A_1366 : i32 to index
        %swap3A_1368 = arith.constant 32 : index
        %swap3A_1369 = tpu.vector_load %arg8[%swap3A_1367, %swap3A_1368] {strides = array<i32>} : memref<800x64xf32, #tpu.memory_space<vmem>>, vector<1x16xf32>,
        %swap3A_1370 = vector.shape_cast %swap3A_1369 : vector<1x16xf32> to vector<16xf32>
        %swap3A_1371 = vector.shape_cast %mul3A_1362 : vector<16xf32> to vector<1x16xf32>
        tpu.vector_store %arg8[%swap3A_1367, %swap3A_1368], %swap3A_1371 {strides = array<i32>} : memref<800x64xf32, #tpu.memory_space<vmem>>, vector<1x16xf32>,
        %mul3A_1372 = arith.constant 4 : i32
        %mul3A_1373 = arith.muli %mul3A_1372, %scan3A_1233 : i32
        %add3A_1374 = arith.constant 1 : i32
        %add3A_1375 = arith.addi %mul3A_1373, %add3A_1374 : i32
        %get3A_1376 = arith.index_cast %add3A_1375 : i32 to index
        %get3A_1377 = arith.constant 48 : index
        %get3A_1378 = tpu.vector_load %arg8[%get3A_1376, %get3A_1377] {strides = array<i32>} : memref<800x64xf32, #tpu.memory_space<vmem>>, vector<1x16xf32>,
        %get3A_1379 = vector.shape_cast %get3A_1378 : vector<1x16xf32> to vector<16xf32>
        %mul3A_1380 = arith.constant 8.000000e+00 : f32
        %mul3A_1381 = vector.broadcast %mul3A_1380 : f32 to vector<16xf32>
        %mul3A_1382 = arith.mulf %get3A_1379, %mul3A_1381 : vector<16xf32>
        %mul3A_1383 = arith.constant 4 : i32
        %mul3A_1384 = arith.muli %mul3A_1383, %scan3A_1233 : i32
        %add3A_1385 = arith.constant 1 : i32
        %add3A_1386 = arith.addi %mul3A_1384, %add3A_1385 : i32
        %swap3A_1387 = arith.index_cast %add3A_1386 : i32 to index
        %swap3A_1388 = arith.constant 48 : index
        %swap3A_1389 = tpu.vector_load %arg8[%swap3A_1387, %swap3A_1388] {strides = array<i32>} : memref<800x64xf32, #tpu.memory_space<vmem>>, vector<1x16xf32>,
        %swap3A_1390 = vector.shape_cast %swap3A_1389 : vector<1x16xf32> to vector<16xf32>
        %swap3A_1391 = vector.shape_cast %mul3A_1382 : vector<16xf32> to vector<1x16xf32>
        tpu.vector_store %arg8[%swap3A_1387, %swap3A_1388], %swap3A_1391 {strides = array<i32>} : memref<800x64xf32, #tpu.memory_space<vmem>>, vector<1x16xf32>,
        %mul3A_1392 = arith.constant 4 : i32
        %mul3A_1393 = arith.muli %mul3A_1392, %scan3A_1233 : i32
        %add3A_1394 = arith.constant 2 : i32
        %add3A_1395 = arith.addi %mul3A_1393, %add3A_1394 : i32
        %get3A_1396 = arith.index_cast %add3A_1395 : i32 to index
        %get3A_1397 = arith.constant 0 : index
        %get3A_1398 = tpu.vector_load %arg8[%get3A_1396, %get3A_1397] {strides = array<i32>} : memref<800x64xf32, #tpu.memory_space<vmem>>, vector<1x16xf32>,
        %get3A_1399 = vector.shape_cast %get3A_1398 : vector<1x16xf32> to vector<16xf32>
        %mul3A_1400 = arith.constant 8.000000e+00 : f32
        %mul3A_1401 = vector.broadcast %mul3A_1400 : f32 to vector<16xf32>
        %mul3A_1402 = arith.mulf %get3A_1399, %mul3A_1401 : vector<16xf32>
        %mul3A_1403 = arith.constant 4 : i32
        %mul3A_1404 = arith.muli %mul3A_1403, %scan3A_1233 : i32
        %add3A_1405 = arith.constant 2 : i32
        %add3A_1406 = arith.addi %mul3A_1404, %add3A_1405 : i32
        %swap3A_1407 = arith.index_cast %add3A_1406 : i32 to index
        %swap3A_1408 = arith.constant 0 : index
        %swap3A_1409 = tpu.vector_load %arg8[%swap3A_1407, %swap3A_1408] {strides = array<i32>} : memref<800x64xf32, #tpu.memory_space<vmem>>, vector<1x16xf32>,
        %swap3A_1410 = vector.shape_cast %swap3A_1409 : vector<1x16xf32> to vector<16xf32>
        %swap3A_1411 = vector.shape_cast %mul3A_1402 : vector<16xf32> to vector<1x16xf32>
        tpu.vector_store %arg8[%swap3A_1407, %swap3A_1408], %swap3A_1411 {strides = array<i32>} : memref<800x64xf32, #tpu.memory_space<vmem>>, vector<1x16xf32>,
        %mul3A_1412 = arith.constant 4 : i32
        %mul3A_1413 = arith.muli %mul3A_1412, %scan3A_1233 : i32
        %add3A_1414 = arith.constant 2 : i32
        %add3A_1415 = arith.addi %mul3A_1413, %add3A_1414 : i32
        %get3A_1416 = arith.index_cast %add3A_1415 : i32 to index
        %get3A_1417 = arith.constant 16 : index
        %get3A_1418 = tpu.vector_load %arg8[%get3A_1416, %get3A_1417] {strides = array<i32>} : memref<800x64xf32, #tpu.memory_space<vmem>>, vector<1x16xf32>,
        %get3A_1419 = vector.shape_cast %get3A_1418 : vector<1x16xf32> to vector<16xf32>
        %mul3A_1420 = arith.constant 8.000000e+00 : f32
        %mul3A_1421 = vector.broadcast %mul3A_1420 : f32 to vector<16xf32>
        %mul3A_1422 = arith.mulf %get3A_1419, %mul3A_1421 : vector<16xf32>
        %mul3A_1423 = arith.constant 4 : i32
        %mul3A_1424 = arith.muli %mul3A_1423, %scan3A_1233 : i32
        %add3A_1425 = arith.constant 2 : i32
        %add3A_1426 = arith.addi %mul3A_1424, %add3A_1425 : i32
        %swap3A_1427 = arith.index_cast %add3A_1426 : i32 to index
        %swap3A_1428 = arith.constant 16 : index
        %swap3A_1429 = tpu.vector_load %arg8[%swap3A_1427, %swap3A_1428] {strides = array<i32>} : memref<800x64xf32, #tpu.memory_space<vmem>>, vector<1x16xf32>,
        %swap3A_1430 = vector.shape_cast %swap3A_1429 : vector<1x16xf32> to vector<16xf32>
        %swap3A_1431 = vector.shape_cast %mul3A_1422 : vector<16xf32> to vector<1x16xf32>
        tpu.vector_store %arg8[%swap3A_1427, %swap3A_1428], %swap3A_1431 {strides = array<i32>} : memref<800x64xf32, #tpu.memory_space<vmem>>, vector<1x16xf32>,
        %mul3A_1432 = arith.constant 4 : i32
        %mul3A_1433 = arith.muli %mul3A_1432, %scan3A_1233 : i32
        %add3A_1434 = arith.constant 2 : i32
        %add3A_1435 = arith.addi %mul3A_1433, %add3A_1434 : i32
        %get3A_1436 = arith.index_cast %add3A_1435 : i32 to index
        %get3A_1437 = arith.constant 32 : index
        %get3A_1438 = tpu.vector_load %arg8[%get3A_1436, %get3A_1437] {strides = array<i32>} : memref<800x64xf32, #tpu.memory_space<vmem>>, vector<1x16xf32>,
        %get3A_1439 = vector.shape_cast %get3A_1438 : vector<1x16xf32> to vector<16xf32>
        %mul3A_1440 = arith.constant 8.000000e+00 : f32
        %mul3A_1441 = vector.broadcast %mul3A_1440 : f32 to vector<16xf32>
        %mul3A_1442 = arith.mulf %get3A_1439, %mul3A_1441 : vector<16xf32>
        %mul3A_1443 = arith.constant 4 : i32
        %mul3A_1444 = arith.muli %mul3A_1443, %scan3A_1233 : i32
        %add3A_1445 = arith.constant 2 : i32
        %add3A_1446 = arith.addi %mul3A_1444, %add3A_1445 : i32
        %swap3A_1447 = arith.index_cast %add3A_1446 : i32 to index
        %swap3A_1448 = arith.constant 32 : index
        %swap3A_1449 = tpu.vector_load %arg8[%swap3A_1447, %swap3A_1448] {strides = array<i32>} : memref<800x64xf32, #tpu.memory_space<vmem>>, vector<1x16xf32>,
        %swap3A_1450 = vector.shape_cast %swap3A_1449 : vector<1x16xf32> to vector<16xf32>
        %swap3A_1451 = vector.shape_cast %mul3A_1442 : vector<16xf32> to vector<1x16xf32>
        tpu.vector_store %arg8[%swap3A_1447, %swap3A_1448], %swap3A_1451 {strides = array<i32>} : memref<800x64xf32, #tpu.memory_space<vmem>>, vector<1x16xf32>,
        %mul3A_1452 = arith.constant 4 : i32
        %mul3A_1453 = arith.muli %mul3A_1452, %scan3A_1233 : i32
        %add3A_1454 = arith.constant 2 : i32
        %add3A_1455 = arith.addi %mul3A_1453, %add3A_1454 : i32
        %get3A_1456 = arith.index_cast %add3A_1455 : i32 to index
        %get3A_1457 = arith.constant 48 : index
        %get3A_1458 = tpu.vector_load %arg8[%get3A_1456, %get3A_1457] {strides = array<i32>} : memref<800x64xf32, #tpu.memory_space<vmem>>, vector<1x16xf32>,
        %get3A_1459 = vector.shape_cast %get3A_1458 : vector<1x16xf32> to vector<16xf32>
        %mul3A_1460 = arith.constant 8.000000e+00 : f32
        %mul3A_1461 = vector.broadcast %mul3A_1460 : f32 to vector<16xf32>
        %mul3A_1462 = arith.mulf %get3A_1459, %mul3A_1461 : vector<16xf32>
        %mul3A_1463 = arith.constant 4 : i32
        %mul3A_1464 = arith.muli %mul3A_1463, %scan3A_1233 : i32
        %add3A_1465 = arith.constant 2 : i32
        %add3A_1466 = arith.addi %mul3A_1464, %add3A_1465 : i32
        %swap3A_1467 = arith.index_cast %add3A_1466 : i32 to index
        %swap3A_1468 = arith.constant 48 : index
        %swap3A_1469 = tpu.vector_load %arg8[%swap3A_1467, %swap3A_1468] {strides = array<i32>} : memref<800x64xf32, #tpu.memory_space<vmem>>, vector<1x16xf32>,
        %swap3A_1470 = vector.shape_cast %swap3A_1469 : vector<1x16xf32> to vector<16xf32>
        %swap3A_1471 = vector.shape_cast %mul3A_1462 : vector<16xf32> to vector<1x16xf32>
        tpu.vector_store %arg8[%swap3A_1467, %swap3A_1468], %swap3A_1471 {strides = array<i32>} : memref<800x64xf32, #tpu.memory_space<vmem>>, vector<1x16xf32>,
        %mul3A_1472 = arith.constant 4 : i32
        %mul3A_1473 = arith.muli %mul3A_1472, %scan3A_1233 : i32
        %add3A_1474 = arith.constant 3 : i32
        %add3A_1475 = arith.addi %mul3A_1473, %add3A_1474 : i32
        %get3A_1476 = arith.index_cast %add3A_1475 : i32 to index
        %get3A_1477 = arith.constant 0 : index
        %get3A_1478 = tpu.vector_load %arg8[%get3A_1476, %get3A_1477] {strides = array<i32>} : memref<800x64xf32, #tpu.memory_space<vmem>>, vector<1x16xf32>,
        %get3A_1479 = vector.shape_cast %get3A_1478 : vector<1x16xf32> to vector<16xf32>
        %mul3A_1480 = arith.constant 8.000000e+00 : f32
        %mul3A_1481 = vector.broadcast %mul3A_1480 : f32 to vector<16xf32>
        %mul3A_1482 = arith.mulf %get3A_1479, %mul3A_1481 : vector<16xf32>
        %mul3A_1483 = arith.constant 4 : i32
        %mul3A_1484 = arith.muli %mul3A_1483, %scan3A_1233 : i32
        %add3A_1485 = arith.constant 3 : i32
        %add3A_1486 = arith.addi %mul3A_1484, %add3A_1485 : i32
        %swap3A_1487 = arith.index_cast %add3A_1486 : i32 to index
        %swap3A_1488 = arith.constant 0 : index
        %swap3A_1489 = tpu.vector_load %arg8[%swap3A_1487, %swap3A_1488] {strides = array<i32>} : memref<800x64xf32, #tpu.memory_space<vmem>>, vector<1x16xf32>,
        %swap3A_1490 = vector.shape_cast %swap3A_1489 : vector<1x16xf32> to vector<16xf32>
        %swap3A_1491 = vector.shape_cast %mul3A_1482 : vector<16xf32> to vector<1x16xf32>
        tpu.vector_store %arg8[%swap3A_1487, %swap3A_1488], %swap3A_1491 {strides = array<i32>} : memref<800x64xf32, #tpu.memory_space<vmem>>, vector<1x16xf32>,
        %mul3A_1492 = arith.constant 4 : i32
        %mul3A_1493 = arith.muli %mul3A_1492, %scan3A_1233 : i32
        %add3A_1494 = arith.constant 3 : i32
        %add3A_1495 = arith.addi %mul3A_1493, %add3A_1494 : i32
        %get3A_1496 = arith.index_cast %add3A_1495 : i32 to index
        %get3A_1497 = arith.constant 16 : index
        %get3A_1498 = tpu.vector_load %arg8[%get3A_1496, %get3A_1497] {strides = array<i32>} : memref<800x64xf32, #tpu.memory_space<vmem>>, vector<1x16xf32>,
        %get3A_1499 = vector.shape_cast %get3A_1498 : vector<1x16xf32> to vector<16xf32>
        %mul3A_1500 = arith.constant 8.000000e+00 : f32
        %mul3A_1501 = vector.broadcast %mul3A_1500 : f32 to vector<16xf32>
        %mul3A_1502 = arith.mulf %get3A_1499, %mul3A_1501 : vector<16xf32>
        %mul3A_1503 = arith.constant 4 : i32
        %mul3A_1504 = arith.muli %mul3A_1503, %scan3A_1233 : i32
        %add3A_1505 = arith.constant 3 : i32
        %add3A_1506 = arith.addi %mul3A_1504, %add3A_1505 : i32
        %swap3A_1507 = arith.index_cast %add3A_1506 : i32 to index
        %swap3A_1508 = arith.constant 16 : index
        %swap3A_1509 = tpu.vector_load %arg8[%swap3A_1507, %swap3A_1508] {strides = array<i32>} : memref<800x64xf32, #tpu.memory_space<vmem>>, vector<1x16xf32>,
        %swap3A_1510 = vector.shape_cast %swap3A_1509 : vector<1x16xf32> to vector<16xf32>
        %swap3A_1511 = vector.shape_cast %mul3A_1502 : vector<16xf32> to vector<1x16xf32>
        tpu.vector_store %arg8[%swap3A_1507, %swap3A_1508], %swap3A_1511 {strides = array<i32>} : memref<800x64xf32, #tpu.memory_space<vmem>>, vector<1x16xf32>,
        %mul3A_1512 = arith.constant 4 : i32
        %mul3A_1513 = arith.muli %mul3A_1512, %scan3A_1233 : i32
        %add3A_1514 = arith.constant 3 : i32
        %add3A_1515 = arith.addi %mul3A_1513, %add3A_1514 : i32
        %get3A_1516 = arith.index_cast %add3A_1515 : i32 to index
        %get3A_1517 = arith.constant 32 : index
        %get3A_1518 = tpu.vector_load %arg8[%get3A_1516, %get3A_1517] {strides = array<i32>} : memref<800x64xf32, #tpu.memory_space<vmem>>, vector<1x16xf32>,
        %get3A_1519 = vector.shape_cast %get3A_1518 : vector<1x16xf32> to vector<16xf32>
        %mul3A_1520 = arith.constant 8.000000e+00 : f32
        %mul3A_1521 = vector.broadcast %mul3A_1520 : f32 to vector<16xf32>
        %mul3A_1522 = arith.mulf %get3A_1519, %mul3A_1521 : vector<16xf32>
        %mul3A_1523 = arith.constant 4 : i32
        %mul3A_1524 = arith.muli %mul3A_1523, %scan3A_1233 : i32
        %add3A_1525 = arith.constant 3 : i32
        %add3A_1526 = arith.addi %mul3A_1524, %add3A_1525 : i32
        %swap3A_1527 = arith.index_cast %add3A_1526 : i32 to index
        %swap3A_1528 = arith.constant 32 : index
        %swap3A_1529 = tpu.vector_load %arg8[%swap3A_1527, %swap3A_1528] {strides = array<i32>} : memref<800x64xf32, #tpu.memory_space<vmem>>, vector<1x16xf32>,
        %swap3A_1530 = vector.shape_cast %swap3A_1529 : vector<1x16xf32> to vector<16xf32>
        %swap3A_1531 = vector.shape_cast %mul3A_1522 : vector<16xf32> to vector<1x16xf32>
        tpu.vector_store %arg8[%swap3A_1527, %swap3A_1528], %swap3A_1531 {strides = array<i32>} : memref<800x64xf32, #tpu.memory_space<vmem>>, vector<1x16xf32>,
        %mul3A_1532 = arith.constant 4 : i32
        %mul3A_1533 = arith.muli %mul3A_1532, %scan3A_1233 : i32
        %add3A_1534 = arith.constant 3 : i32
        %add3A_1535 = arith.addi %mul3A_1533, %add3A_1534 : i32
        %get3A_1536 = arith.index_cast %add3A_1535 : i32 to index
        %get3A_1537 = arith.constant 48 : index
        %get3A_1538 = tpu.vector_load %arg8[%get3A_1536, %get3A_1537] {strides = array<i32>} : memref<800x64xf32, #tpu.memory_space<vmem>>, vector<1x16xf32>,
        %get3A_1539 = vector.shape_cast %get3A_1538 : vector<1x16xf32> to vector<16xf32>
        %mul3A_1540 = arith.constant 8.000000e+00 : f32
        %mul3A_1541 = vector.broadcast %mul3A_1540 : f32 to vector<16xf32>
        %mul3A_1542 = arith.mulf %get3A_1539, %mul3A_1541 : vector<16xf32>
        %mul3A_1543 = arith.constant 4 : i32
        %mul3A_1544 = arith.muli %mul3A_1543, %scan3A_1233 : i32
        %add3A_1545 = arith.constant 3 : i32
        %add3A_1546 = arith.addi %mul3A_1544, %add3A_1545 : i32
        %swap3A_1547 = arith.index_cast %add3A_1546 : i32 to index
        %swap3A_1548 = arith.constant 48 : index
        %swap3A_1549 = tpu.vector_load %arg8[%swap3A_1547, %swap3A_1548] {strides = array<i32>} : memref<800x64xf32, #tpu.memory_space<vmem>>, vector<1x16xf32>,
        %swap3A_1550 = vector.shape_cast %swap3A_1549 : vector<1x16xf32> to vector<16xf32>
        %swap3A_1551 = vector.shape_cast %mul3A_1542 : vector<16xf32> to vector<1x16xf32>
        tpu.vector_store %arg8[%swap3A_1547, %swap3A_1548], %swap3A_1551 {strides = array<i32>} : memref<800x64xf32, #tpu.memory_space<vmem>>, vector<1x16xf32>,
      }
      %scan3A_519 = arith.constant 200 : i32
      %mul3A_520 = arith.constant 2 : i32
      %mul3A_521 = arith.muli %mul3A_520, %scan3A_6 : i32
      %add3A_522 = arith.constant 1 : i32
      %add3A_523 = arith.addi %mul3A_521, %add3A_522 : i32
      %mul3A_524 = arith.constant 512 : i32
      %mul3A_525 = arith.muli %add3A, %mul3A_524 : i32
      %mul3A_526 = arith.constant 16 : i32
      %mul3A_527 = arith.muli %add3A_523, %mul3A_526 : i32
      %add3A_528 = arith.addi %mul3A_525, %mul3A_527 : i32
      %add3A_529 = arith.constant 0 : i32
      %add3A_530 = arith.addi %add3A_528, %add3A_529 : i32
      %dma_start3A_531 = arith.constant 0 : i32
      %dma_start3A_532 = arith.constant 0 : i32
      %dma_start3A_533 = tpu.memref_slice %arg8[%dma_start3A_531, %dma_start3A_532] : memref<800x64xf32, #tpu.memory_space<vmem>> -> memref<50x64xf32, #tpu.memory_space<vmem>>
      %dma_start3A_534 = arith.constant 0 : i32
      %dma_start3A_535 = arith.constant 0 : i32
      %dma_start3A_536 = tpu.memref_slice %arg4[%add3A_530, %dma_start3A_534, %dma_start3A_535] : memref<16384x50x64xf32, #tpu.memory_space<hbm>> -> memref<1x50x64xf32, #tpu.memory_space<hbm>>
      %dma_start3A_537 = tpu.memref_squeeze %dma_start3A_536 : memref<1x50x64xf32, #tpu.memory_space<hbm>> -> memref<50x64xf32, #tpu.memory_space<hbm>>
      %dma_start3A_538 = arith.constant 0 : i32
      %dma_start3A_539 = arith.constant 0 : i32
      %dma_start3A_540 = tpu.memref_slice %arg4[%add3A_530, %dma_start3A_538, %dma_start3A_539] : memref<16384x50x64xf32, #tpu.memory_space<hbm>> -> memref<1x50x64xf32, #tpu.memory_space<hbm>>
      %dma_start3A_541 = tpu.memref_squeeze %dma_start3A_540 : memref<1x50x64xf32, #tpu.memory_space<hbm>> -> memref<50x64xf32, #tpu.memory_space<hbm>>
      %dma_start3A_542 = arith.constant 0 : i32
      %dma_start3A_543 = arith.constant 0 : i32
      %dma_start3A_544 = tpu.memref_slice %arg8[%dma_start3A_542, %dma_start3A_543] : memref<800x64xf32, #tpu.memory_space<vmem>> -> memref<50x64xf32, #tpu.memory_space<vmem>>
      tpu.enqueue_dma source(%dma_start3A_544 : memref<50x64xf32, #tpu.memory_space<vmem>>) target(%dma_start3A_541 : memref<50x64xf32, #tpu.memory_space<hbm>>) target_semaphore(%arg11 : memref<!tpu.dma_semaphore, #tpu.memory_space<semaphore_mem>>)
      %add3A_545 = arith.constant 1 : i32
      %add3A_546 = arith.addi %add3A_528, %add3A_545 : i32
      %dma_start3A_547 = arith.constant 50 : i32
      %dma_start3A_548 = arith.constant 0 : i32
      %dma_start3A_549 = tpu.memref_slice %arg8[%dma_start3A_547, %dma_start3A_548] : memref<800x64xf32, #tpu.memory_space<vmem>> -> memref<50x64xf32, #tpu.memory_space<vmem>>
      %dma_start3A_550 = arith.constant 0 : i32
      %dma_start3A_551 = arith.constant 0 : i32
      %dma_start3A_552 = tpu.memref_slice %arg4[%add3A_546, %dma_start3A_550, %dma_start3A_551] : memref<16384x50x64xf32, #tpu.memory_space<hbm>> -> memref<1x50x64xf32, #tpu.memory_space<hbm>>
      %dma_start3A_553 = tpu.memref_squeeze %dma_start3A_552 : memref<1x50x64xf32, #tpu.memory_space<hbm>> -> memref<50x64xf32, #tpu.memory_space<hbm>>
      %dma_start3A_554 = arith.constant 0 : i32
      %dma_start3A_555 = arith.constant 0 : i32
      %dma_start3A_556 = tpu.memref_slice %arg4[%add3A_546, %dma_start3A_554, %dma_start3A_555] : memref<16384x50x64xf32, #tpu.memory_space<hbm>> -> memref<1x50x64xf32, #tpu.memory_space<hbm>>
      %dma_start3A_557 = tpu.memref_squeeze %dma_start3A_556 : memref<1x50x64xf32, #tpu.memory_space<hbm>> -> memref<50x64xf32, #tpu.memory_space<hbm>>
      %dma_start3A_558 = arith.constant 50 : i32
      %dma_start3A_559 = arith.constant 0 : i32
      %dma_start3A_560 = tpu.memref_slice %arg8[%dma_start3A_558, %dma_start3A_559] : memref<800x64xf32, #tpu.memory_space<vmem>> -> memref<50x64xf32, #tpu.memory_space<vmem>>
      tpu.enqueue_dma source(%dma_start3A_560 : memref<50x64xf32, #tpu.memory_space<vmem>>) target(%dma_start3A_557 : memref<50x64xf32, #tpu.memory_space<hbm>>) target_semaphore(%arg11 : memref<!tpu.dma_semaphore, #tpu.memory_space<semaphore_mem>>)
      %add3A_561 = arith.constant 2 : i32
      %add3A_562 = arith.addi %add3A_528, %add3A_561 : i32
      %dma_start3A_563 = arith.constant 100 : i32
      %dma_start3A_564 = arith.constant 0 : i32
      %dma_start3A_565 = tpu.memref_slice %arg8[%dma_start3A_563, %dma_start3A_564] : memref<800x64xf32, #tpu.memory_space<vmem>> -> memref<50x64xf32, #tpu.memory_space<vmem>>
      %dma_start3A_566 = arith.constant 0 : i32
      %dma_start3A_567 = arith.constant 0 : i32
      %dma_start3A_568 = tpu.memref_slice %arg4[%add3A_562, %dma_start3A_566, %dma_start3A_567] : memref<16384x50x64xf32, #tpu.memory_space<hbm>> -> memref<1x50x64xf32, #tpu.memory_space<hbm>>
      %dma_start3A_569 = tpu.memref_squeeze %dma_start3A_568 : memref<1x50x64xf32, #tpu.memory_space<hbm>> -> memref<50x64xf32, #tpu.memory_space<hbm>>
      %dma_start3A_570 = arith.constant 0 : i32
      %dma_start3A_571 = arith.constant 0 : i32
      %dma_start3A_572 = tpu.memref_slice %arg4[%add3A_562, %dma_start3A_570, %dma_start3A_571] : memref<16384x50x64xf32, #tpu.memory_space<hbm>> -> memref<1x50x64xf32, #tpu.memory_space<hbm>>
      %dma_start3A_573 = tpu.memref_squeeze %dma_start3A_572 : memref<1x50x64xf32, #tpu.memory_space<hbm>> -> memref<50x64xf32, #tpu.memory_space<hbm>>
      %dma_start3A_574 = arith.constant 100 : i32
      %dma_start3A_575 = arith.constant 0 : i32
      %dma_start3A_576 = tpu.memref_slice %arg8[%dma_start3A_574, %dma_start3A_575] : memref<800x64xf32, #tpu.memory_space<vmem>> -> memref<50x64xf32, #tpu.memory_space<vmem>>
      tpu.enqueue_dma source(%dma_start3A_576 : memref<50x64xf32, #tpu.memory_space<vmem>>) target(%dma_start3A_573 : memref<50x64xf32, #tpu.memory_space<hbm>>) target_semaphore(%arg11 : memref<!tpu.dma_semaphore, #tpu.memory_space<semaphore_mem>>)
      %add3A_577 = arith.constant 3 : i32
      %add3A_578 = arith.addi %add3A_528, %add3A_577 : i32
      %dma_start3A_579 = arith.constant 150 : i32
      %dma_start3A_580 = arith.constant 0 : i32
      %dma_start3A_581 = tpu.memref_slice %arg8[%dma_start3A_579, %dma_start3A_580] : memref<800x64xf32, #tpu.memory_space<vmem>> -> memref<50x64xf32, #tpu.memory_space<vmem>>
      %dma_start3A_582 = arith.constant 0 : i32
      %dma_start3A_583 = arith.constant 0 : i32
      %dma_start3A_584 = tpu.memref_slice %arg4[%add3A_578, %dma_start3A_582, %dma_start3A_583] : memref<16384x50x64xf32, #tpu.memory_space<hbm>> -> memref<1x50x64xf32, #tpu.memory_space<hbm>>
      %dma_start3A_585 = tpu.memref_squeeze %dma_start3A_584 : memref<1x50x64xf32, #tpu.memory_space<hbm>> -> memref<50x64xf32, #tpu.memory_space<hbm>>
      %dma_start3A_586 = arith.constant 0 : i32
      %dma_start3A_587 = arith.constant 0 : i32
      %dma_start3A_588 = tpu.memref_slice %arg4[%add3A_578, %dma_start3A_586, %dma_start3A_587] : memref<16384x50x64xf32, #tpu.memory_space<hbm>> -> memref<1x50x64xf32, #tpu.memory_space<hbm>>
      %dma_start3A_589 = tpu.memref_squeeze %dma_start3A_588 : memref<1x50x64xf32, #tpu.memory_space<hbm>> -> memref<50x64xf32, #tpu.memory_space<hbm>>
      %dma_start3A_590 = arith.constant 150 : i32
      %dma_start3A_591 = arith.constant 0 : i32
      %dma_start3A_592 = tpu.memref_slice %arg8[%dma_start3A_590, %dma_start3A_591] : memref<800x64xf32, #tpu.memory_space<vmem>> -> memref<50x64xf32, #tpu.memory_space<vmem>>
      tpu.enqueue_dma source(%dma_start3A_592 : memref<50x64xf32, #tpu.memory_space<vmem>>) target(%dma_start3A_589 : memref<50x64xf32, #tpu.memory_space<hbm>>) target_semaphore(%arg11 : memref<!tpu.dma_semaphore, #tpu.memory_space<semaphore_mem>>)
      %add3A_593 = arith.constant 4 : i32
      %add3A_594 = arith.addi %add3A_528, %add3A_593 : i32
      %dma_start3A_595 = arith.constant 200 : i32
      %dma_start3A_596 = arith.constant 0 : i32
      %dma_start3A_597 = tpu.memref_slice %arg8[%dma_start3A_595, %dma_start3A_596] : memref<800x64xf32, #tpu.memory_space<vmem>> -> memref<50x64xf32, #tpu.memory_space<vmem>>
      %dma_start3A_598 = arith.constant 0 : i32
      %dma_start3A_599 = arith.constant 0 : i32
      %dma_start3A_600 = tpu.memref_slice %arg4[%add3A_594, %dma_start3A_598, %dma_start3A_599] : memref<16384x50x64xf32, #tpu.memory_space<hbm>> -> memref<1x50x64xf32, #tpu.memory_space<hbm>>
      %dma_start3A_601 = tpu.memref_squeeze %dma_start3A_600 : memref<1x50x64xf32, #tpu.memory_space<hbm>> -> memref<50x64xf32, #tpu.memory_space<hbm>>
      %dma_start3A_602 = arith.constant 0 : i32
      %dma_start3A_603 = arith.constant 0 : i32
      %dma_start3A_604 = tpu.memref_slice %arg4[%add3A_594, %dma_start3A_602, %dma_start3A_603] : memref<16384x50x64xf32, #tpu.memory_space<hbm>> -> memref<1x50x64xf32, #tpu.memory_space<hbm>>
      %dma_start3A_605 = tpu.memref_squeeze %dma_start3A_604 : memref<1x50x64xf32, #tpu.memory_space<hbm>> -> memref<50x64xf32, #tpu.memory_space<hbm>>
      %dma_start3A_606 = arith.constant 200 : i32
      %dma_start3A_607 = arith.constant 0 : i32
      %dma_start3A_608 = tpu.memref_slice %arg8[%dma_start3A_606, %dma_start3A_607] : memref<800x64xf32, #tpu.memory_space<vmem>> -> memref<50x64xf32, #tpu.memory_space<vmem>>
      tpu.enqueue_dma source(%dma_start3A_608 : memref<50x64xf32, #tpu.memory_space<vmem>>) target(%dma_start3A_605 : memref<50x64xf32, #tpu.memory_space<hbm>>) target_semaphore(%arg11 : memref<!tpu.dma_semaphore, #tpu.memory_space<semaphore_mem>>)
      %add3A_609 = arith.constant 5 : i32
      %add3A_610 = arith.addi %add3A_528, %add3A_609 : i32
      %dma_start3A_611 = arith.constant 250 : i32
      %dma_start3A_612 = arith.constant 0 : i32
      %dma_start3A_613 = tpu.memref_slice %arg8[%dma_start3A_611, %dma_start3A_612] : memref<800x64xf32, #tpu.memory_space<vmem>> -> memref<50x64xf32, #tpu.memory_space<vmem>>
      %dma_start3A_614 = arith.constant 0 : i32
      %dma_start3A_615 = arith.constant 0 : i32
      %dma_start3A_616 = tpu.memref_slice %arg4[%add3A_610, %dma_start3A_614, %dma_start3A_615] : memref<16384x50x64xf32, #tpu.memory_space<hbm>> -> memref<1x50x64xf32, #tpu.memory_space<hbm>>
      %dma_start3A_617 = tpu.memref_squeeze %dma_start3A_616 : memref<1x50x64xf32, #tpu.memory_space<hbm>> -> memref<50x64xf32, #tpu.memory_space<hbm>>
      %dma_start3A_618 = arith.constant 0 : i32
      %dma_start3A_619 = arith.constant 0 : i32
      %dma_start3A_620 = tpu.memref_slice %arg4[%add3A_610, %dma_start3A_618, %dma_start3A_619] : memref<16384x50x64xf32, #tpu.memory_space<hbm>> -> memref<1x50x64xf32, #tpu.memory_space<hbm>>
      %dma_start3A_621 = tpu.memref_squeeze %dma_start3A_620 : memref<1x50x64xf32, #tpu.memory_space<hbm>> -> memref<50x64xf32, #tpu.memory_space<hbm>>
      %dma_start3A_622 = arith.constant 250 : i32
      %dma_start3A_623 = arith.constant 0 : i32
      %dma_start3A_624 = tpu.memref_slice %arg8[%dma_start3A_622, %dma_start3A_623] : memref<800x64xf32, #tpu.memory_space<vmem>> -> memref<50x64xf32, #tpu.memory_space<vmem>>
      tpu.enqueue_dma source(%dma_start3A_624 : memref<50x64xf32, #tpu.memory_space<vmem>>) target(%dma_start3A_621 : memref<50x64xf32, #tpu.memory_space<hbm>>) target_semaphore(%arg11 : memref<!tpu.dma_semaphore, #tpu.memory_space<semaphore_mem>>)
      %add3A_625 = arith.constant 6 : i32
      %add3A_626 = arith.addi %add3A_528, %add3A_625 : i32
      %dma_start3A_627 = arith.constant 300 : i32
      %dma_start3A_628 = arith.constant 0 : i32
      %dma_start3A_629 = tpu.memref_slice %arg8[%dma_start3A_627, %dma_start3A_628] : memref<800x64xf32, #tpu.memory_space<vmem>> -> memref<50x64xf32, #tpu.memory_space<vmem>>
      %dma_start3A_630 = arith.constant 0 : i32
      %dma_start3A_631 = arith.constant 0 : i32
      %dma_start3A_632 = tpu.memref_slice %arg4[%add3A_626, %dma_start3A_630, %dma_start3A_631] : memref<16384x50x64xf32, #tpu.memory_space<hbm>> -> memref<1x50x64xf32, #tpu.memory_space<hbm>>
      %dma_start3A_633 = tpu.memref_squeeze %dma_start3A_632 : memref<1x50x64xf32, #tpu.memory_space<hbm>> -> memref<50x64xf32, #tpu.memory_space<hbm>>
      %dma_start3A_634 = arith.constant 0 : i32
      %dma_start3A_635 = arith.constant 0 : i32
      %dma_start3A_636 = tpu.memref_slice %arg4[%add3A_626, %dma_start3A_634, %dma_start3A_635] : memref<16384x50x64xf32, #tpu.memory_space<hbm>> -> memref<1x50x64xf32, #tpu.memory_space<hbm>>
      %dma_start3A_637 = tpu.memref_squeeze %dma_start3A_636 : memref<1x50x64xf32, #tpu.memory_space<hbm>> -> memref<50x64xf32, #tpu.memory_space<hbm>>
      %dma_start3A_638 = arith.constant 300 : i32
      %dma_start3A_639 = arith.constant 0 : i32
      %dma_start3A_640 = tpu.memref_slice %arg8[%dma_start3A_638, %dma_start3A_639] : memref<800x64xf32, #tpu.memory_space<vmem>> -> memref<50x64xf32, #tpu.memory_space<vmem>>
      tpu.enqueue_dma source(%dma_start3A_640 : memref<50x64xf32, #tpu.memory_space<vmem>>) target(%dma_start3A_637 : memref<50x64xf32, #tpu.memory_space<hbm>>) target_semaphore(%arg11 : memref<!tpu.dma_semaphore, #tpu.memory_space<semaphore_mem>>)
      %add3A_641 = arith.constant 7 : i32
      %add3A_642 = arith.addi %add3A_528, %add3A_641 : i32
      %dma_start3A_643 = arith.constant 350 : i32
      %dma_start3A_644 = arith.constant 0 : i32
      %dma_start3A_645 = tpu.memref_slice %arg8[%dma_start3A_643, %dma_start3A_644] : memref<800x64xf32, #tpu.memory_space<vmem>> -> memref<50x64xf32, #tpu.memory_space<vmem>>
      %dma_start3A_646 = arith.constant 0 : i32
      %dma_start3A_647 = arith.constant 0 : i32
      %dma_start3A_648 = tpu.memref_slice %arg4[%add3A_642, %dma_start3A_646, %dma_start3A_647] : memref<16384x50x64xf32, #tpu.memory_space<hbm>> -> memref<1x50x64xf32, #tpu.memory_space<hbm>>
      %dma_start3A_649 = tpu.memref_squeeze %dma_start3A_648 : memref<1x50x64xf32, #tpu.memory_space<hbm>> -> memref<50x64xf32, #tpu.memory_space<hbm>>
      %dma_start3A_650 = arith.constant 0 : i32
      %dma_start3A_651 = arith.constant 0 : i32
      %dma_start3A_652 = tpu.memref_slice %arg4[%add3A_642, %dma_start3A_650, %dma_start3A_651] : memref<16384x50x64xf32, #tpu.memory_space<hbm>> -> memref<1x50x64xf32, #tpu.memory_space<hbm>>
      %dma_start3A_653 = tpu.memref_squeeze %dma_start3A_652 : memref<1x50x64xf32, #tpu.memory_space<hbm>> -> memref<50x64xf32, #tpu.memory_space<hbm>>
      %dma_start3A_654 = arith.constant 350 : i32
      %dma_start3A_655 = arith.constant 0 : i32
      %dma_start3A_656 = tpu.memref_slice %arg8[%dma_start3A_654, %dma_start3A_655] : memref<800x64xf32, #tpu.memory_space<vmem>> -> memref<50x64xf32, #tpu.memory_space<vmem>>
      tpu.enqueue_dma source(%dma_start3A_656 : memref<50x64xf32, #tpu.memory_space<vmem>>) target(%dma_start3A_653 : memref<50x64xf32, #tpu.memory_space<hbm>>) target_semaphore(%arg11 : memref<!tpu.dma_semaphore, #tpu.memory_space<semaphore_mem>>)
      %add3A_657 = arith.constant 8 : i32
      %add3A_658 = arith.addi %add3A_528, %add3A_657 : i32
      %dma_start3A_659 = arith.constant 400 : i32
      %dma_start3A_660 = arith.constant 0 : i32
      %dma_start3A_661 = tpu.memref_slice %arg8[%dma_start3A_659, %dma_start3A_660] : memref<800x64xf32, #tpu.memory_space<vmem>> -> memref<50x64xf32, #tpu.memory_space<vmem>>
      %dma_start3A_662 = arith.constant 0 : i32
      %dma_start3A_663 = arith.constant 0 : i32
      %dma_start3A_664 = tpu.memref_slice %arg4[%add3A_658, %dma_start3A_662, %dma_start3A_663] : memref<16384x50x64xf32, #tpu.memory_space<hbm>> -> memref<1x50x64xf32, #tpu.memory_space<hbm>>
      %dma_start3A_665 = tpu.memref_squeeze %dma_start3A_664 : memref<1x50x64xf32, #tpu.memory_space<hbm>> -> memref<50x64xf32, #tpu.memory_space<hbm>>
      %dma_start3A_666 = arith.constant 0 : i32
      %dma_start3A_667 = arith.constant 0 : i32
      %dma_start3A_668 = tpu.memref_slice %arg4[%add3A_658, %dma_start3A_666, %dma_start3A_667] : memref<16384x50x64xf32, #tpu.memory_space<hbm>> -> memref<1x50x64xf32, #tpu.memory_space<hbm>>
      %dma_start3A_669 = tpu.memref_squeeze %dma_start3A_668 : memref<1x50x64xf32, #tpu.memory_space<hbm>> -> memref<50x64xf32, #tpu.memory_space<hbm>>
      %dma_start3A_670 = arith.constant 400 : i32
      %dma_start3A_671 = arith.constant 0 : i32
      %dma_start3A_672 = tpu.memref_slice %arg8[%dma_start3A_670, %dma_start3A_671] : memref<800x64xf32, #tpu.memory_space<vmem>> -> memref<50x64xf32, #tpu.memory_space<vmem>>
      tpu.enqueue_dma source(%dma_start3A_672 : memref<50x64xf32, #tpu.memory_space<vmem>>) target(%dma_start3A_669 : memref<50x64xf32, #tpu.memory_space<hbm>>) target_semaphore(%arg11 : memref<!tpu.dma_semaphore, #tpu.memory_space<semaphore_mem>>)
      %add3A_673 = arith.constant 9 : i32
      %add3A_674 = arith.addi %add3A_528, %add3A_673 : i32
      %dma_start3A_675 = arith.constant 450 : i32
      %dma_start3A_676 = arith.constant 0 : i32
      %dma_start3A_677 = tpu.memref_slice %arg8[%dma_start3A_675, %dma_start3A_676] : memref<800x64xf32, #tpu.memory_space<vmem>> -> memref<50x64xf32, #tpu.memory_space<vmem>>
      %dma_start3A_678 = arith.constant 0 : i32
      %dma_start3A_679 = arith.constant 0 : i32
      %dma_start3A_680 = tpu.memref_slice %arg4[%add3A_674, %dma_start3A_678, %dma_start3A_679] : memref<16384x50x64xf32, #tpu.memory_space<hbm>> -> memref<1x50x64xf32, #tpu.memory_space<hbm>>
      %dma_start3A_681 = tpu.memref_squeeze %dma_start3A_680 : memref<1x50x64xf32, #tpu.memory_space<hbm>> -> memref<50x64xf32, #tpu.memory_space<hbm>>
      %dma_start3A_682 = arith.constant 0 : i32
      %dma_start3A_683 = arith.constant 0 : i32
      %dma_start3A_684 = tpu.memref_slice %arg4[%add3A_674, %dma_start3A_682, %dma_start3A_683] : memref<16384x50x64xf32, #tpu.memory_space<hbm>> -> memref<1x50x64xf32, #tpu.memory_space<hbm>>
      %dma_start3A_685 = tpu.memref_squeeze %dma_start3A_684 : memref<1x50x64xf32, #tpu.memory_space<hbm>> -> memref<50x64xf32, #tpu.memory_space<hbm>>
      %dma_start3A_686 = arith.constant 450 : i32
      %dma_start3A_687 = arith.constant 0 : i32
      %dma_start3A_688 = tpu.memref_slice %arg8[%dma_start3A_686, %dma_start3A_687] : memref<800x64xf32, #tpu.memory_space<vmem>> -> memref<50x64xf32, #tpu.memory_space<vmem>>
      tpu.enqueue_dma source(%dma_start3A_688 : memref<50x64xf32, #tpu.memory_space<vmem>>) target(%dma_start3A_685 : memref<50x64xf32, #tpu.memory_space<hbm>>) target_semaphore(%arg11 : memref<!tpu.dma_semaphore, #tpu.memory_space<semaphore_mem>>)
      %add3A_689 = arith.constant 10 : i32
      %add3A_690 = arith.addi %add3A_528, %add3A_689 : i32
      %dma_start3A_691 = arith.constant 500 : i32
      %dma_start3A_692 = arith.constant 0 : i32
      %dma_start3A_693 = tpu.memref_slice %arg8[%dma_start3A_691, %dma_start3A_692] : memref<800x64xf32, #tpu.memory_space<vmem>> -> memref<50x64xf32, #tpu.memory_space<vmem>>
      %dma_start3A_694 = arith.constant 0 : i32
      %dma_start3A_695 = arith.constant 0 : i32
      %dma_start3A_696 = tpu.memref_slice %arg4[%add3A_690, %dma_start3A_694, %dma_start3A_695] : memref<16384x50x64xf32, #tpu.memory_space<hbm>> -> memref<1x50x64xf32, #tpu.memory_space<hbm>>
      %dma_start3A_697 = tpu.memref_squeeze %dma_start3A_696 : memref<1x50x64xf32, #tpu.memory_space<hbm>> -> memref<50x64xf32, #tpu.memory_space<hbm>>
      %dma_start3A_698 = arith.constant 0 : i32
      %dma_start3A_699 = arith.constant 0 : i32
      %dma_start3A_700 = tpu.memref_slice %arg4[%add3A_690, %dma_start3A_698, %dma_start3A_699] : memref<16384x50x64xf32, #tpu.memory_space<hbm>> -> memref<1x50x64xf32, #tpu.memory_space<hbm>>
      %dma_start3A_701 = tpu.memref_squeeze %dma_start3A_700 : memref<1x50x64xf32, #tpu.memory_space<hbm>> -> memref<50x64xf32, #tpu.memory_space<hbm>>
      %dma_start3A_702 = arith.constant 500 : i32
      %dma_start3A_703 = arith.constant 0 : i32
      %dma_start3A_704 = tpu.memref_slice %arg8[%dma_start3A_702, %dma_start3A_703] : memref<800x64xf32, #tpu.memory_space<vmem>> -> memref<50x64xf32, #tpu.memory_space<vmem>>
      tpu.enqueue_dma source(%dma_start3A_704 : memref<50x64xf32, #tpu.memory_space<vmem>>) target(%dma_start3A_701 : memref<50x64xf32, #tpu.memory_space<hbm>>) target_semaphore(%arg11 : memref<!tpu.dma_semaphore, #tpu.memory_space<semaphore_mem>>)
      %add3A_705 = arith.constant 11 : i32
      %add3A_706 = arith.addi %add3A_528, %add3A_705 : i32
      %dma_start3A_707 = arith.constant 550 : i32
      %dma_start3A_708 = arith.constant 0 : i32
      %dma_start3A_709 = tpu.memref_slice %arg8[%dma_start3A_707, %dma_start3A_708] : memref<800x64xf32, #tpu.memory_space<vmem>> -> memref<50x64xf32, #tpu.memory_space<vmem>>
      %dma_start3A_710 = arith.constant 0 : i32
      %dma_start3A_711 = arith.constant 0 : i32
      %dma_start3A_712 = tpu.memref_slice %arg4[%add3A_706, %dma_start3A_710, %dma_start3A_711] : memref<16384x50x64xf32, #tpu.memory_space<hbm>> -> memref<1x50x64xf32, #tpu.memory_space<hbm>>
      %dma_start3A_713 = tpu.memref_squeeze %dma_start3A_712 : memref<1x50x64xf32, #tpu.memory_space<hbm>> -> memref<50x64xf32, #tpu.memory_space<hbm>>
      %dma_start3A_714 = arith.constant 0 : i32
      %dma_start3A_715 = arith.constant 0 : i32
      %dma_start3A_716 = tpu.memref_slice %arg4[%add3A_706, %dma_start3A_714, %dma_start3A_715] : memref<16384x50x64xf32, #tpu.memory_space<hbm>> -> memref<1x50x64xf32, #tpu.memory_space<hbm>>
      %dma_start3A_717 = tpu.memref_squeeze %dma_start3A_716 : memref<1x50x64xf32, #tpu.memory_space<hbm>> -> memref<50x64xf32, #tpu.memory_space<hbm>>
      %dma_start3A_718 = arith.constant 550 : i32
      %dma_start3A_719 = arith.constant 0 : i32
      %dma_start3A_720 = tpu.memref_slice %arg8[%dma_start3A_718, %dma_start3A_719] : memref<800x64xf32, #tpu.memory_space<vmem>> -> memref<50x64xf32, #tpu.memory_space<vmem>>
      tpu.enqueue_dma source(%dma_start3A_720 : memref<50x64xf32, #tpu.memory_space<vmem>>) target(%dma_start3A_717 : memref<50x64xf32, #tpu.memory_space<hbm>>) target_semaphore(%arg11 : memref<!tpu.dma_semaphore, #tpu.memory_space<semaphore_mem>>)
      %add3A_721 = arith.constant 12 : i32
      %add3A_722 = arith.addi %add3A_528, %add3A_721 : i32
      %dma_start3A_723 = arith.constant 600 : i32
      %dma_start3A_724 = arith.constant 0 : i32
      %dma_start3A_725 = tpu.memref_slice %arg8[%dma_start3A_723, %dma_start3A_724] : memref<800x64xf32, #tpu.memory_space<vmem>> -> memref<50x64xf32, #tpu.memory_space<vmem>>
      %dma_start3A_726 = arith.constant 0 : i32
      %dma_start3A_727 = arith.constant 0 : i32
      %dma_start3A_728 = tpu.memref_slice %arg4[%add3A_722, %dma_start3A_726, %dma_start3A_727] : memref<16384x50x64xf32, #tpu.memory_space<hbm>> -> memref<1x50x64xf32, #tpu.memory_space<hbm>>
      %dma_start3A_729 = tpu.memref_squeeze %dma_start3A_728 : memref<1x50x64xf32, #tpu.memory_space<hbm>> -> memref<50x64xf32, #tpu.memory_space<hbm>>
      %dma_start3A_730 = arith.constant 0 : i32
      %dma_start3A_731 = arith.constant 0 : i32
      %dma_start3A_732 = tpu.memref_slice %arg4[%add3A_722, %dma_start3A_730, %dma_start3A_731] : memref<16384x50x64xf32, #tpu.memory_space<hbm>> -> memref<1x50x64xf32, #tpu.memory_space<hbm>>
      %dma_start3A_733 = tpu.memref_squeeze %dma_start3A_732 : memref<1x50x64xf32, #tpu.memory_space<hbm>> -> memref<50x64xf32, #tpu.memory_space<hbm>>
      %dma_start3A_734 = arith.constant 600 : i32
      %dma_start3A_735 = arith.constant 0 : i32
      %dma_start3A_736 = tpu.memref_slice %arg8[%dma_start3A_734, %dma_start3A_735] : memref<800x64xf32, #tpu.memory_space<vmem>> -> memref<50x64xf32, #tpu.memory_space<vmem>>
      tpu.enqueue_dma source(%dma_start3A_736 : memref<50x64xf32, #tpu.memory_space<vmem>>) target(%dma_start3A_733 : memref<50x64xf32, #tpu.memory_space<hbm>>) target_semaphore(%arg11 : memref<!tpu.dma_semaphore, #tpu.memory_space<semaphore_mem>>)
      %add3A_737 = arith.constant 13 : i32
      %add3A_738 = arith.addi %add3A_528, %add3A_737 : i32
      %dma_start3A_739 = arith.constant 650 : i32
      %dma_start3A_740 = arith.constant 0 : i32
      %dma_start3A_741 = tpu.memref_slice %arg8[%dma_start3A_739, %dma_start3A_740] : memref<800x64xf32, #tpu.memory_space<vmem>> -> memref<50x64xf32, #tpu.memory_space<vmem>>
      %dma_start3A_742 = arith.constant 0 : i32
      %dma_start3A_743 = arith.constant 0 : i32
      %dma_start3A_744 = tpu.memref_slice %arg4[%add3A_738, %dma_start3A_742, %dma_start3A_743] : memref<16384x50x64xf32, #tpu.memory_space<hbm>> -> memref<1x50x64xf32, #tpu.memory_space<hbm>>
      %dma_start3A_745 = tpu.memref_squeeze %dma_start3A_744 : memref<1x50x64xf32, #tpu.memory_space<hbm>> -> memref<50x64xf32, #tpu.memory_space<hbm>>
      %dma_start3A_746 = arith.constant 0 : i32
      %dma_start3A_747 = arith.constant 0 : i32
      %dma_start3A_748 = tpu.memref_slice %arg4[%add3A_738, %dma_start3A_746, %dma_start3A_747] : memref<16384x50x64xf32, #tpu.memory_space<hbm>> -> memref<1x50x64xf32, #tpu.memory_space<hbm>>
      %dma_start3A_749 = tpu.memref_squeeze %dma_start3A_748 : memref<1x50x64xf32, #tpu.memory_space<hbm>> -> memref<50x64xf32, #tpu.memory_space<hbm>>
      %dma_start3A_750 = arith.constant 650 : i32
      %dma_start3A_751 = arith.constant 0 : i32
      %dma_start3A_752 = tpu.memref_slice %arg8[%dma_start3A_750, %dma_start3A_751] : memref<800x64xf32, #tpu.memory_space<vmem>> -> memref<50x64xf32, #tpu.memory_space<vmem>>
      tpu.enqueue_dma source(%dma_start3A_752 : memref<50x64xf32, #tpu.memory_space<vmem>>) target(%dma_start3A_749 : memref<50x64xf32, #tpu.memory_space<hbm>>) target_semaphore(%arg11 : memref<!tpu.dma_semaphore, #tpu.memory_space<semaphore_mem>>)
      %add3A_753 = arith.constant 14 : i32
      %add3A_754 = arith.addi %add3A_528, %add3A_753 : i32
      %dma_start3A_755 = arith.constant 700 : i32
      %dma_start3A_756 = arith.constant 0 : i32
      %dma_start3A_757 = tpu.memref_slice %arg8[%dma_start3A_755, %dma_start3A_756] : memref<800x64xf32, #tpu.memory_space<vmem>> -> memref<50x64xf32, #tpu.memory_space<vmem>>
      %dma_start3A_758 = arith.constant 0 : i32
      %dma_start3A_759 = arith.constant 0 : i32
      %dma_start3A_760 = tpu.memref_slice %arg4[%add3A_754, %dma_start3A_758, %dma_start3A_759] : memref<16384x50x64xf32, #tpu.memory_space<hbm>> -> memref<1x50x64xf32, #tpu.memory_space<hbm>>
      %dma_start3A_761 = tpu.memref_squeeze %dma_start3A_760 : memref<1x50x64xf32, #tpu.memory_space<hbm>> -> memref<50x64xf32, #tpu.memory_space<hbm>>
      %dma_start3A_762 = arith.constant 0 : i32
      %dma_start3A_763 = arith.constant 0 : i32
      %dma_start3A_764 = tpu.memref_slice %arg4[%add3A_754, %dma_start3A_762, %dma_start3A_763] : memref<16384x50x64xf32, #tpu.memory_space<hbm>> -> memref<1x50x64xf32, #tpu.memory_space<hbm>>
      %dma_start3A_765 = tpu.memref_squeeze %dma_start3A_764 : memref<1x50x64xf32, #tpu.memory_space<hbm>> -> memref<50x64xf32, #tpu.memory_space<hbm>>
      %dma_start3A_766 = arith.constant 700 : i32
      %dma_start3A_767 = arith.constant 0 : i32
      %dma_start3A_768 = tpu.memref_slice %arg8[%dma_start3A_766, %dma_start3A_767] : memref<800x64xf32, #tpu.memory_space<vmem>> -> memref<50x64xf32, #tpu.memory_space<vmem>>
      tpu.enqueue_dma source(%dma_start3A_768 : memref<50x64xf32, #tpu.memory_space<vmem>>) target(%dma_start3A_765 : memref<50x64xf32, #tpu.memory_space<hbm>>) target_semaphore(%arg11 : memref<!tpu.dma_semaphore, #tpu.memory_space<semaphore_mem>>)
      %add3A_769 = arith.constant 15 : i32
      %add3A_770 = arith.addi %add3A_528, %add3A_769 : i32
      %dma_start3A_771 = arith.constant 750 : i32
      %dma_start3A_772 = arith.constant 0 : i32
      %dma_start3A_773 = tpu.memref_slice %arg8[%dma_start3A_771, %dma_start3A_772] : memref<800x64xf32, #tpu.memory_space<vmem>> -> memref<50x64xf32, #tpu.memory_space<vmem>>
      %dma_start3A_774 = arith.constant 0 : i32
      %dma_start3A_775 = arith.constant 0 : i32
      %dma_start3A_776 = tpu.memref_slice %arg4[%add3A_770, %dma_start3A_774, %dma_start3A_775] : memref<16384x50x64xf32, #tpu.memory_space<hbm>> -> memref<1x50x64xf32, #tpu.memory_space<hbm>>
      %dma_start3A_777 = tpu.memref_squeeze %dma_start3A_776 : memref<1x50x64xf32, #tpu.memory_space<hbm>> -> memref<50x64xf32, #tpu.memory_space<hbm>>
      %dma_start3A_778 = arith.constant 0 : i32
      %dma_start3A_779 = arith.constant 0 : i32
      %dma_start3A_780 = tpu.memref_slice %arg4[%add3A_770, %dma_start3A_778, %dma_start3A_779] : memref<16384x50x64xf32, #tpu.memory_space<hbm>> -> memref<1x50x64xf32, #tpu.memory_space<hbm>>
      %dma_start3A_781 = tpu.memref_squeeze %dma_start3A_780 : memref<1x50x64xf32, #tpu.memory_space<hbm>> -> memref<50x64xf32, #tpu.memory_space<hbm>>
      %dma_start3A_782 = arith.constant 750 : i32
      %dma_start3A_783 = arith.constant 0 : i32
      %dma_start3A_784 = tpu.memref_slice %arg8[%dma_start3A_782, %dma_start3A_783] : memref<800x64xf32, #tpu.memory_space<vmem>> -> memref<50x64xf32, #tpu.memory_space<vmem>>
      tpu.enqueue_dma source(%dma_start3A_784 : memref<50x64xf32, #tpu.memory_space<vmem>>) target(%dma_start3A_781 : memref<50x64xf32, #tpu.memory_space<hbm>>) target_semaphore(%arg11 : memref<!tpu.dma_semaphore, #tpu.memory_space<semaphore_mem>>)
      %dma_wait3A_785 = arith.constant 0 : i32
      %dma_wait3A_786 = arith.constant 0 : i32
      %dma_wait3A_787 = tpu.memref_slice %arg6[%dma_wait3A_785, %dma_wait3A_786] : memref<800x64xf32, #tpu.memory_space<vmem>> -> memref<50x64xf32, #tpu.memory_space<vmem>>
      %dma_wait3A_788 = arith.constant 0 : i32
      %dma_wait3A_789 = arith.constant 0 : i32
      %dma_wait3A_790 = tpu.memref_slice %arg4[%add3A_203, %dma_wait3A_788, %dma_wait3A_789] : memref<16384x50x64xf32, #tpu.memory_space<hbm>> -> memref<1x50x64xf32, #tpu.memory_space<hbm>>
      %dma_wait3A_791 = tpu.memref_squeeze %dma_wait3A_790 : memref<1x50x64xf32, #tpu.memory_space<hbm>> -> memref<50x64xf32, #tpu.memory_space<hbm>>
      %dma_wait3A_792 = arith.constant 0 : i32
      %dma_wait3A_793 = arith.constant 0 : i32
      %dma_wait3A_794 = tpu.memref_slice %arg4[%add3A_203, %dma_wait3A_792, %dma_wait3A_793] : memref<16384x50x64xf32, #tpu.memory_space<hbm>> -> memref<1x50x64xf32, #tpu.memory_space<hbm>>
      %dma_wait3A_795 = tpu.memref_squeeze %dma_wait3A_794 : memref<1x50x64xf32, #tpu.memory_space<hbm>> -> memref<50x64xf32, #tpu.memory_space<hbm>>
      %dma_wait3A_796 = arith.constant 0 : i32
      %dma_wait3A_797 = arith.constant 0 : i32
      %dma_wait3A_798 = tpu.memref_slice %arg6[%dma_wait3A_796, %dma_wait3A_797] : memref<800x64xf32, #tpu.memory_space<vmem>> -> memref<50x64xf32, #tpu.memory_space<vmem>>
      tpu.wait_dma2 semaphore(%arg11 : memref<!tpu.dma_semaphore, #tpu.memory_space<semaphore_mem>>) src(%dma_wait3A_798 : memref<50x64xf32, #tpu.memory_space<vmem>>) dst(%dma_wait3A_795 : memref<50x64xf32, #tpu.memory_space<hbm>>)
      %dma_wait3A_799 = arith.constant 50 : i32
      %dma_wait3A_800 = arith.constant 0 : i32
      %dma_wait3A_801 = tpu.memref_slice %arg6[%dma_wait3A_799, %dma_wait3A_800] : memref<800x64xf32, #tpu.memory_space<vmem>> -> memref<50x64xf32, #tpu.memory_space<vmem>>
      %dma_wait3A_802 = arith.constant 0 : i32
      %dma_wait3A_803 = arith.constant 0 : i32
      %dma_wait3A_804 = tpu.memref_slice %arg4[%add3A_219, %dma_wait3A_802, %dma_wait3A_803] : memref<16384x50x64xf32, #tpu.memory_space<hbm>> -> memref<1x50x64xf32, #tpu.memory_space<hbm>>
      %dma_wait3A_805 = tpu.memref_squeeze %dma_wait3A_804 : memref<1x50x64xf32, #tpu.memory_space<hbm>> -> memref<50x64xf32, #tpu.memory_space<hbm>>
      %dma_wait3A_806 = arith.constant 0 : i32
      %dma_wait3A_807 = arith.constant 0 : i32
      %dma_wait3A_808 = tpu.memref_slice %arg4[%add3A_219, %dma_wait3A_806, %dma_wait3A_807] : memref<16384x50x64xf32, #tpu.memory_space<hbm>> -> memref<1x50x64xf32, #tpu.memory_space<hbm>>
      %dma_wait3A_809 = tpu.memref_squeeze %dma_wait3A_808 : memref<1x50x64xf32, #tpu.memory_space<hbm>> -> memref<50x64xf32, #tpu.memory_space<hbm>>
      %dma_wait3A_810 = arith.constant 50 : i32
      %dma_wait3A_811 = arith.constant 0 : i32
      %dma_wait3A_812 = tpu.memref_slice %arg6[%dma_wait3A_810, %dma_wait3A_811] : memref<800x64xf32, #tpu.memory_space<vmem>> -> memref<50x64xf32, #tpu.memory_space<vmem>>
      tpu.wait_dma2 semaphore(%arg11 : memref<!tpu.dma_semaphore, #tpu.memory_space<semaphore_mem>>) src(%dma_wait3A_812 : memref<50x64xf32, #tpu.memory_space<vmem>>) dst(%dma_wait3A_809 : memref<50x64xf32, #tpu.memory_space<hbm>>)
      %dma_wait3A_813 = arith.constant 100 : i32
      %dma_wait3A_814 = arith.constant 0 : i32
      %dma_wait3A_815 = tpu.memref_slice %arg6[%dma_wait3A_813, %dma_wait3A_814] : memref<800x64xf32, #tpu.memory_space<vmem>> -> memref<50x64xf32, #tpu.memory_space<vmem>>
      %dma_wait3A_816 = arith.constant 0 : i32
      %dma_wait3A_817 = arith.constant 0 : i32
      %dma_wait3A_818 = tpu.memref_slice %arg4[%add3A_235, %dma_wait3A_816, %dma_wait3A_817] : memref<16384x50x64xf32, #tpu.memory_space<hbm>> -> memref<1x50x64xf32, #tpu.memory_space<hbm>>
      %dma_wait3A_819 = tpu.memref_squeeze %dma_wait3A_818 : memref<1x50x64xf32, #tpu.memory_space<hbm>> -> memref<50x64xf32, #tpu.memory_space<hbm>>
      %dma_wait3A_820 = arith.constant 0 : i32
      %dma_wait3A_821 = arith.constant 0 : i32
      %dma_wait3A_822 = tpu.memref_slice %arg4[%add3A_235, %dma_wait3A_820, %dma_wait3A_821] : memref<16384x50x64xf32, #tpu.memory_space<hbm>> -> memref<1x50x64xf32, #tpu.memory_space<hbm>>
      %dma_wait3A_823 = tpu.memref_squeeze %dma_wait3A_822 : memref<1x50x64xf32, #tpu.memory_space<hbm>> -> memref<50x64xf32, #tpu.memory_space<hbm>>
      %dma_wait3A_824 = arith.constant 100 : i32
      %dma_wait3A_825 = arith.constant 0 : i32
      %dma_wait3A_826 = tpu.memref_slice %arg6[%dma_wait3A_824, %dma_wait3A_825] : memref<800x64xf32, #tpu.memory_space<vmem>> -> memref<50x64xf32, #tpu.memory_space<vmem>>
      tpu.wait_dma2 semaphore(%arg11 : memref<!tpu.dma_semaphore, #tpu.memory_space<semaphore_mem>>) src(%dma_wait3A_826 : memref<50x64xf32, #tpu.memory_space<vmem>>) dst(%dma_wait3A_823 : memref<50x64xf32, #tpu.memory_space<hbm>>)
      %dma_wait3A_827 = arith.constant 150 : i32
      %dma_wait3A_828 = arith.constant 0 : i32
      %dma_wait3A_829 = tpu.memref_slice %arg6[%dma_wait3A_827, %dma_wait3A_828] : memref<800x64xf32, #tpu.memory_space<vmem>> -> memref<50x64xf32, #tpu.memory_space<vmem>>
      %dma_wait3A_830 = arith.constant 0 : i32
      %dma_wait3A_831 = arith.constant 0 : i32
      %dma_wait3A_832 = tpu.memref_slice %arg4[%add3A_251, %dma_wait3A_830, %dma_wait3A_831] : memref<16384x50x64xf32, #tpu.memory_space<hbm>> -> memref<1x50x64xf32, #tpu.memory_space<hbm>>
      %dma_wait3A_833 = tpu.memref_squeeze %dma_wait3A_832 : memref<1x50x64xf32, #tpu.memory_space<hbm>> -> memref<50x64xf32, #tpu.memory_space<hbm>>
      %dma_wait3A_834 = arith.constant 0 : i32
      %dma_wait3A_835 = arith.constant 0 : i32
      %dma_wait3A_836 = tpu.memref_slice %arg4[%add3A_251, %dma_wait3A_834, %dma_wait3A_835] : memref<16384x50x64xf32, #tpu.memory_space<hbm>> -> memref<1x50x64xf32, #tpu.memory_space<hbm>>
      %dma_wait3A_837 = tpu.memref_squeeze %dma_wait3A_836 : memref<1x50x64xf32, #tpu.memory_space<hbm>> -> memref<50x64xf32, #tpu.memory_space<hbm>>
      %dma_wait3A_838 = arith.constant 150 : i32
      %dma_wait3A_839 = arith.constant 0 : i32
      %dma_wait3A_840 = tpu.memref_slice %arg6[%dma_wait3A_838, %dma_wait3A_839] : memref<800x64xf32, #tpu.memory_space<vmem>> -> memref<50x64xf32, #tpu.memory_space<vmem>>
      tpu.wait_dma2 semaphore(%arg11 : memref<!tpu.dma_semaphore, #tpu.memory_space<semaphore_mem>>) src(%dma_wait3A_840 : memref<50x64xf32, #tpu.memory_space<vmem>>) dst(%dma_wait3A_837 : memref<50x64xf32, #tpu.memory_space<hbm>>)
      %dma_wait3A_841 = arith.constant 200 : i32
      %dma_wait3A_842 = arith.constant 0 : i32
      %dma_wait3A_843 = tpu.memref_slice %arg6[%dma_wait3A_841, %dma_wait3A_842] : memref<800x64xf32, #tpu.memory_space<vmem>> -> memref<50x64xf32, #tpu.memory_space<vmem>>
      %dma_wait3A_844 = arith.constant 0 : i32
      %dma_wait3A_845 = arith.constant 0 : i32
      %dma_wait3A_846 = tpu.memref_slice %arg4[%add3A_267, %dma_wait3A_844, %dma_wait3A_845] : memref<16384x50x64xf32, #tpu.memory_space<hbm>> -> memref<1x50x64xf32, #tpu.memory_space<hbm>>
      %dma_wait3A_847 = tpu.memref_squeeze %dma_wait3A_846 : memref<1x50x64xf32, #tpu.memory_space<hbm>> -> memref<50x64xf32, #tpu.memory_space<hbm>>
      %dma_wait3A_848 = arith.constant 0 : i32
      %dma_wait3A_849 = arith.constant 0 : i32
      %dma_wait3A_850 = tpu.memref_slice %arg4[%add3A_267, %dma_wait3A_848, %dma_wait3A_849] : memref<16384x50x64xf32, #tpu.memory_space<hbm>> -> memref<1x50x64xf32, #tpu.memory_space<hbm>>
      %dma_wait3A_851 = tpu.memref_squeeze %dma_wait3A_850 : memref<1x50x64xf32, #tpu.memory_space<hbm>> -> memref<50x64xf32, #tpu.memory_space<hbm>>
      %dma_wait3A_852 = arith.constant 200 : i32
      %dma_wait3A_853 = arith.constant 0 : i32
      %dma_wait3A_854 = tpu.memref_slice %arg6[%dma_wait3A_852, %dma_wait3A_853] : memref<800x64xf32, #tpu.memory_space<vmem>> -> memref<50x64xf32, #tpu.memory_space<vmem>>
      tpu.wait_dma2 semaphore(%arg11 : memref<!tpu.dma_semaphore, #tpu.memory_space<semaphore_mem>>) src(%dma_wait3A_854 : memref<50x64xf32, #tpu.memory_space<vmem>>) dst(%dma_wait3A_851 : memref<50x64xf32, #tpu.memory_space<hbm>>)
      %dma_wait3A_855 = arith.constant 250 : i32
      %dma_wait3A_856 = arith.constant 0 : i32
      %dma_wait3A_857 = tpu.memref_slice %arg6[%dma_wait3A_855, %dma_wait3A_856] : memref<800x64xf32, #tpu.memory_space<vmem>> -> memref<50x64xf32, #tpu.memory_space<vmem>>
      %dma_wait3A_858 = arith.constant 0 : i32
      %dma_wait3A_859 = arith.constant 0 : i32
      %dma_wait3A_860 = tpu.memref_slice %arg4[%add3A_283, %dma_wait3A_858, %dma_wait3A_859] : memref<16384x50x64xf32, #tpu.memory_space<hbm>> -> memref<1x50x64xf32, #tpu.memory_space<hbm>>
      %dma_wait3A_861 = tpu.memref_squeeze %dma_wait3A_860 : memref<1x50x64xf32, #tpu.memory_space<hbm>> -> memref<50x64xf32, #tpu.memory_space<hbm>>
      %dma_wait3A_862 = arith.constant 0 : i32
      %dma_wait3A_863 = arith.constant 0 : i32
      %dma_wait3A_864 = tpu.memref_slice %arg4[%add3A_283, %dma_wait3A_862, %dma_wait3A_863] : memref<16384x50x64xf32, #tpu.memory_space<hbm>> -> memref<1x50x64xf32, #tpu.memory_space<hbm>>
      %dma_wait3A_865 = tpu.memref_squeeze %dma_wait3A_864 : memref<1x50x64xf32, #tpu.memory_space<hbm>> -> memref<50x64xf32, #tpu.memory_space<hbm>>
      %dma_wait3A_866 = arith.constant 250 : i32
      %dma_wait3A_867 = arith.constant 0 : i32
      %dma_wait3A_868 = tpu.memref_slice %arg6[%dma_wait3A_866, %dma_wait3A_867] : memref<800x64xf32, #tpu.memory_space<vmem>> -> memref<50x64xf32, #tpu.memory_space<vmem>>
      tpu.wait_dma2 semaphore(%arg11 : memref<!tpu.dma_semaphore, #tpu.memory_space<semaphore_mem>>) src(%dma_wait3A_868 : memref<50x64xf32, #tpu.memory_space<vmem>>) dst(%dma_wait3A_865 : memref<50x64xf32, #tpu.memory_space<hbm>>)
      %dma_wait3A_869 = arith.constant 300 : i32
      %dma_wait3A_870 = arith.constant 0 : i32
      %dma_wait3A_871 = tpu.memref_slice %arg6[%dma_wait3A_869, %dma_wait3A_870] : memref<800x64xf32, #tpu.memory_space<vmem>> -> memref<50x64xf32, #tpu.memory_space<vmem>>
      %dma_wait3A_872 = arith.constant 0 : i32
      %dma_wait3A_873 = arith.constant 0 : i32
      %dma_wait3A_874 = tpu.memref_slice %arg4[%add3A_299, %dma_wait3A_872, %dma_wait3A_873] : memref<16384x50x64xf32, #tpu.memory_space<hbm>> -> memref<1x50x64xf32, #tpu.memory_space<hbm>>
      %dma_wait3A_875 = tpu.memref_squeeze %dma_wait3A_874 : memref<1x50x64xf32, #tpu.memory_space<hbm>> -> memref<50x64xf32, #tpu.memory_space<hbm>>
      %dma_wait3A_876 = arith.constant 0 : i32
      %dma_wait3A_877 = arith.constant 0 : i32
      %dma_wait3A_878 = tpu.memref_slice %arg4[%add3A_299, %dma_wait3A_876, %dma_wait3A_877] : memref<16384x50x64xf32, #tpu.memory_space<hbm>> -> memref<1x50x64xf32, #tpu.memory_space<hbm>>
      %dma_wait3A_879 = tpu.memref_squeeze %dma_wait3A_878 : memref<1x50x64xf32, #tpu.memory_space<hbm>> -> memref<50x64xf32, #tpu.memory_space<hbm>>
      %dma_wait3A_880 = arith.constant 300 : i32
      %dma_wait3A_881 = arith.constant 0 : i32
      %dma_wait3A_882 = tpu.memref_slice %arg6[%dma_wait3A_880, %dma_wait3A_881] : memref<800x64xf32, #tpu.memory_space<vmem>> -> memref<50x64xf32, #tpu.memory_space<vmem>>
      tpu.wait_dma2 semaphore(%arg11 : memref<!tpu.dma_semaphore, #tpu.memory_space<semaphore_mem>>) src(%dma_wait3A_882 : memref<50x64xf32, #tpu.memory_space<vmem>>) dst(%dma_wait3A_879 : memref<50x64xf32, #tpu.memory_space<hbm>>)
      %dma_wait3A_883 = arith.constant 350 : i32
      %dma_wait3A_884 = arith.constant 0 : i32
      %dma_wait3A_885 = tpu.memref_slice %arg6[%dma_wait3A_883, %dma_wait3A_884] : memref<800x64xf32, #tpu.memory_space<vmem>> -> memref<50x64xf32, #tpu.memory_space<vmem>>
      %dma_wait3A_886 = arith.constant 0 : i32
      %dma_wait3A_887 = arith.constant 0 : i32
      %dma_wait3A_888 = tpu.memref_slice %arg4[%add3A_315, %dma_wait3A_886, %dma_wait3A_887] : memref<16384x50x64xf32, #tpu.memory_space<hbm>> -> memref<1x50x64xf32, #tpu.memory_space<hbm>>
      %dma_wait3A_889 = tpu.memref_squeeze %dma_wait3A_888 : memref<1x50x64xf32, #tpu.memory_space<hbm>> -> memref<50x64xf32, #tpu.memory_space<hbm>>
      %dma_wait3A_890 = arith.constant 0 : i32
      %dma_wait3A_891 = arith.constant 0 : i32
      %dma_wait3A_892 = tpu.memref_slice %arg4[%add3A_315, %dma_wait3A_890, %dma_wait3A_891] : memref<16384x50x64xf32, #tpu.memory_space<hbm>> -> memref<1x50x64xf32, #tpu.memory_space<hbm>>
      %dma_wait3A_893 = tpu.memref_squeeze %dma_wait3A_892 : memref<1x50x64xf32, #tpu.memory_space<hbm>> -> memref<50x64xf32, #tpu.memory_space<hbm>>
      %dma_wait3A_894 = arith.constant 350 : i32
      %dma_wait3A_895 = arith.constant 0 : i32
      %dma_wait3A_896 = tpu.memref_slice %arg6[%dma_wait3A_894, %dma_wait3A_895] : memref<800x64xf32, #tpu.memory_space<vmem>> -> memref<50x64xf32, #tpu.memory_space<vmem>>
      tpu.wait_dma2 semaphore(%arg11 : memref<!tpu.dma_semaphore, #tpu.memory_space<semaphore_mem>>) src(%dma_wait3A_896 : memref<50x64xf32, #tpu.memory_space<vmem>>) dst(%dma_wait3A_893 : memref<50x64xf32, #tpu.memory_space<hbm>>)
      %dma_wait3A_897 = arith.constant 400 : i32
      %dma_wait3A_898 = arith.constant 0 : i32
      %dma_wait3A_899 = tpu.memref_slice %arg6[%dma_wait3A_897, %dma_wait3A_898] : memref<800x64xf32, #tpu.memory_space<vmem>> -> memref<50x64xf32, #tpu.memory_space<vmem>>
      %dma_wait3A_900 = arith.constant 0 : i32
      %dma_wait3A_901 = arith.constant 0 : i32
      %dma_wait3A_902 = tpu.memref_slice %arg4[%add3A_331, %dma_wait3A_900, %dma_wait3A_901] : memref<16384x50x64xf32, #tpu.memory_space<hbm>> -> memref<1x50x64xf32, #tpu.memory_space<hbm>>
      %dma_wait3A_903 = tpu.memref_squeeze %dma_wait3A_902 : memref<1x50x64xf32, #tpu.memory_space<hbm>> -> memref<50x64xf32, #tpu.memory_space<hbm>>
      %dma_wait3A_904 = arith.constant 0 : i32
      %dma_wait3A_905 = arith.constant 0 : i32
      %dma_wait3A_906 = tpu.memref_slice %arg4[%add3A_331, %dma_wait3A_904, %dma_wait3A_905] : memref<16384x50x64xf32, #tpu.memory_space<hbm>> -> memref<1x50x64xf32, #tpu.memory_space<hbm>>
      %dma_wait3A_907 = tpu.memref_squeeze %dma_wait3A_906 : memref<1x50x64xf32, #tpu.memory_space<hbm>> -> memref<50x64xf32, #tpu.memory_space<hbm>>
      %dma_wait3A_908 = arith.constant 400 : i32
      %dma_wait3A_909 = arith.constant 0 : i32
      %dma_wait3A_910 = tpu.memref_slice %arg6[%dma_wait3A_908, %dma_wait3A_909] : memref<800x64xf32, #tpu.memory_space<vmem>> -> memref<50x64xf32, #tpu.memory_space<vmem>>
      tpu.wait_dma2 semaphore(%arg11 : memref<!tpu.dma_semaphore, #tpu.memory_space<semaphore_mem>>) src(%dma_wait3A_910 : memref<50x64xf32, #tpu.memory_space<vmem>>) dst(%dma_wait3A_907 : memref<50x64xf32, #tpu.memory_space<hbm>>)
      %dma_wait3A_911 = arith.constant 450 : i32
      %dma_wait3A_912 = arith.constant 0 : i32
      %dma_wait3A_913 = tpu.memref_slice %arg6[%dma_wait3A_911, %dma_wait3A_912] : memref<800x64xf32, #tpu.memory_space<vmem>> -> memref<50x64xf32, #tpu.memory_space<vmem>>
      %dma_wait3A_914 = arith.constant 0 : i32
      %dma_wait3A_915 = arith.constant 0 : i32
      %dma_wait3A_916 = tpu.memref_slice %arg4[%add3A_347, %dma_wait3A_914, %dma_wait3A_915] : memref<16384x50x64xf32, #tpu.memory_space<hbm>> -> memref<1x50x64xf32, #tpu.memory_space<hbm>>
      %dma_wait3A_917 = tpu.memref_squeeze %dma_wait3A_916 : memref<1x50x64xf32, #tpu.memory_space<hbm>> -> memref<50x64xf32, #tpu.memory_space<hbm>>
      %dma_wait3A_918 = arith.constant 0 : i32
      %dma_wait3A_919 = arith.constant 0 : i32
      %dma_wait3A_920 = tpu.memref_slice %arg4[%add3A_347, %dma_wait3A_918, %dma_wait3A_919] : memref<16384x50x64xf32, #tpu.memory_space<hbm>> -> memref<1x50x64xf32, #tpu.memory_space<hbm>>
      %dma_wait3A_921 = tpu.memref_squeeze %dma_wait3A_920 : memref<1x50x64xf32, #tpu.memory_space<hbm>> -> memref<50x64xf32, #tpu.memory_space<hbm>>
      %dma_wait3A_922 = arith.constant 450 : i32
      %dma_wait3A_923 = arith.constant 0 : i32
      %dma_wait3A_924 = tpu.memref_slice %arg6[%dma_wait3A_922, %dma_wait3A_923] : memref<800x64xf32, #tpu.memory_space<vmem>> -> memref<50x64xf32, #tpu.memory_space<vmem>>
      tpu.wait_dma2 semaphore(%arg11 : memref<!tpu.dma_semaphore, #tpu.memory_space<semaphore_mem>>) src(%dma_wait3A_924 : memref<50x64xf32, #tpu.memory_space<vmem>>) dst(%dma_wait3A_921 : memref<50x64xf32, #tpu.memory_space<hbm>>)
      %dma_wait3A_925 = arith.constant 500 : i32
      %dma_wait3A_926 = arith.constant 0 : i32
      %dma_wait3A_927 = tpu.memref_slice %arg6[%dma_wait3A_925, %dma_wait3A_926] : memref<800x64xf32, #tpu.memory_space<vmem>> -> memref<50x64xf32, #tpu.memory_space<vmem>>
      %dma_wait3A_928 = arith.constant 0 : i32
      %dma_wait3A_929 = arith.constant 0 : i32
      %dma_wait3A_930 = tpu.memref_slice %arg4[%add3A_363, %dma_wait3A_928, %dma_wait3A_929] : memref<16384x50x64xf32, #tpu.memory_space<hbm>> -> memref<1x50x64xf32, #tpu.memory_space<hbm>>
      %dma_wait3A_931 = tpu.memref_squeeze %dma_wait3A_930 : memref<1x50x64xf32, #tpu.memory_space<hbm>> -> memref<50x64xf32, #tpu.memory_space<hbm>>
      %dma_wait3A_932 = arith.constant 0 : i32
      %dma_wait3A_933 = arith.constant 0 : i32
      %dma_wait3A_934 = tpu.memref_slice %arg4[%add3A_363, %dma_wait3A_932, %dma_wait3A_933] : memref<16384x50x64xf32, #tpu.memory_space<hbm>> -> memref<1x50x64xf32, #tpu.memory_space<hbm>>
      %dma_wait3A_935 = tpu.memref_squeeze %dma_wait3A_934 : memref<1x50x64xf32, #tpu.memory_space<hbm>> -> memref<50x64xf32, #tpu.memory_space<hbm>>
      %dma_wait3A_936 = arith.constant 500 : i32
      %dma_wait3A_937 = arith.constant 0 : i32
      %dma_wait3A_938 = tpu.memref_slice %arg6[%dma_wait3A_936, %dma_wait3A_937] : memref<800x64xf32, #tpu.memory_space<vmem>> -> memref<50x64xf32, #tpu.memory_space<vmem>>
      tpu.wait_dma2 semaphore(%arg11 : memref<!tpu.dma_semaphore, #tpu.memory_space<semaphore_mem>>) src(%dma_wait3A_938 : memref<50x64xf32, #tpu.memory_space<vmem>>) dst(%dma_wait3A_935 : memref<50x64xf32, #tpu.memory_space<hbm>>)
      %dma_wait3A_939 = arith.constant 550 : i32
      %dma_wait3A_940 = arith.constant 0 : i32
      %dma_wait3A_941 = tpu.memref_slice %arg6[%dma_wait3A_939, %dma_wait3A_940] : memref<800x64xf32, #tpu.memory_space<vmem>> -> memref<50x64xf32, #tpu.memory_space<vmem>>
      %dma_wait3A_942 = arith.constant 0 : i32
      %dma_wait3A_943 = arith.constant 0 : i32
      %dma_wait3A_944 = tpu.memref_slice %arg4[%add3A_379, %dma_wait3A_942, %dma_wait3A_943] : memref<16384x50x64xf32, #tpu.memory_space<hbm>> -> memref<1x50x64xf32, #tpu.memory_space<hbm>>
      %dma_wait3A_945 = tpu.memref_squeeze %dma_wait3A_944 : memref<1x50x64xf32, #tpu.memory_space<hbm>> -> memref<50x64xf32, #tpu.memory_space<hbm>>
      %dma_wait3A_946 = arith.constant 0 : i32
      %dma_wait3A_947 = arith.constant 0 : i32
      %dma_wait3A_948 = tpu.memref_slice %arg4[%add3A_379, %dma_wait3A_946, %dma_wait3A_947] : memref<16384x50x64xf32, #tpu.memory_space<hbm>> -> memref<1x50x64xf32, #tpu.memory_space<hbm>>
      %dma_wait3A_949 = tpu.memref_squeeze %dma_wait3A_948 : memref<1x50x64xf32, #tpu.memory_space<hbm>> -> memref<50x64xf32, #tpu.memory_space<hbm>>
      %dma_wait3A_950 = arith.constant 550 : i32
      %dma_wait3A_951 = arith.constant 0 : i32
      %dma_wait3A_952 = tpu.memref_slice %arg6[%dma_wait3A_950, %dma_wait3A_951] : memref<800x64xf32, #tpu.memory_space<vmem>> -> memref<50x64xf32, #tpu.memory_space<vmem>>
      tpu.wait_dma2 semaphore(%arg11 : memref<!tpu.dma_semaphore, #tpu.memory_space<semaphore_mem>>) src(%dma_wait3A_952 : memref<50x64xf32, #tpu.memory_space<vmem>>) dst(%dma_wait3A_949 : memref<50x64xf32, #tpu.memory_space<hbm>>)
      %dma_wait3A_953 = arith.constant 600 : i32
      %dma_wait3A_954 = arith.constant 0 : i32
      %dma_wait3A_955 = tpu.memref_slice %arg6[%dma_wait3A_953, %dma_wait3A_954] : memref<800x64xf32, #tpu.memory_space<vmem>> -> memref<50x64xf32, #tpu.memory_space<vmem>>
      %dma_wait3A_956 = arith.constant 0 : i32
      %dma_wait3A_957 = arith.constant 0 : i32
      %dma_wait3A_958 = tpu.memref_slice %arg4[%add3A_395, %dma_wait3A_956, %dma_wait3A_957] : memref<16384x50x64xf32, #tpu.memory_space<hbm>> -> memref<1x50x64xf32, #tpu.memory_space<hbm>>
      %dma_wait3A_959 = tpu.memref_squeeze %dma_wait3A_958 : memref<1x50x64xf32, #tpu.memory_space<hbm>> -> memref<50x64xf32, #tpu.memory_space<hbm>>
      %dma_wait3A_960 = arith.constant 0 : i32
      %dma_wait3A_961 = arith.constant 0 : i32
      %dma_wait3A_962 = tpu.memref_slice %arg4[%add3A_395, %dma_wait3A_960, %dma_wait3A_961] : memref<16384x50x64xf32, #tpu.memory_space<hbm>> -> memref<1x50x64xf32, #tpu.memory_space<hbm>>
      %dma_wait3A_963 = tpu.memref_squeeze %dma_wait3A_962 : memref<1x50x64xf32, #tpu.memory_space<hbm>> -> memref<50x64xf32, #tpu.memory_space<hbm>>
      %dma_wait3A_964 = arith.constant 600 : i32
      %dma_wait3A_965 = arith.constant 0 : i32
      %dma_wait3A_966 = tpu.memref_slice %arg6[%dma_wait3A_964, %dma_wait3A_965] : memref<800x64xf32, #tpu.memory_space<vmem>> -> memref<50x64xf32, #tpu.memory_space<vmem>>
      tpu.wait_dma2 semaphore(%arg11 : memref<!tpu.dma_semaphore, #tpu.memory_space<semaphore_mem>>) src(%dma_wait3A_966 : memref<50x64xf32, #tpu.memory_space<vmem>>) dst(%dma_wait3A_963 : memref<50x64xf32, #tpu.memory_space<hbm>>)
      %dma_wait3A_967 = arith.constant 650 : i32
      %dma_wait3A_968 = arith.constant 0 : i32
      %dma_wait3A_969 = tpu.memref_slice %arg6[%dma_wait3A_967, %dma_wait3A_968] : memref<800x64xf32, #tpu.memory_space<vmem>> -> memref<50x64xf32, #tpu.memory_space<vmem>>
      %dma_wait3A_970 = arith.constant 0 : i32
      %dma_wait3A_971 = arith.constant 0 : i32
      %dma_wait3A_972 = tpu.memref_slice %arg4[%add3A_411, %dma_wait3A_970, %dma_wait3A_971] : memref<16384x50x64xf32, #tpu.memory_space<hbm>> -> memref<1x50x64xf32, #tpu.memory_space<hbm>>
      %dma_wait3A_973 = tpu.memref_squeeze %dma_wait3A_972 : memref<1x50x64xf32, #tpu.memory_space<hbm>> -> memref<50x64xf32, #tpu.memory_space<hbm>>
      %dma_wait3A_974 = arith.constant 0 : i32
      %dma_wait3A_975 = arith.constant 0 : i32
      %dma_wait3A_976 = tpu.memref_slice %arg4[%add3A_411, %dma_wait3A_974, %dma_wait3A_975] : memref<16384x50x64xf32, #tpu.memory_space<hbm>> -> memref<1x50x64xf32, #tpu.memory_space<hbm>>
      %dma_wait3A_977 = tpu.memref_squeeze %dma_wait3A_976 : memref<1x50x64xf32, #tpu.memory_space<hbm>> -> memref<50x64xf32, #tpu.memory_space<hbm>>
      %dma_wait3A_978 = arith.constant 650 : i32
      %dma_wait3A_979 = arith.constant 0 : i32
      %dma_wait3A_980 = tpu.memref_slice %arg6[%dma_wait3A_978, %dma_wait3A_979] : memref<800x64xf32, #tpu.memory_space<vmem>> -> memref<50x64xf32, #tpu.memory_space<vmem>>
      tpu.wait_dma2 semaphore(%arg11 : memref<!tpu.dma_semaphore, #tpu.memory_space<semaphore_mem>>) src(%dma_wait3A_980 : memref<50x64xf32, #tpu.memory_space<vmem>>) dst(%dma_wait3A_977 : memref<50x64xf32, #tpu.memory_space<hbm>>)
      %dma_wait3A_981 = arith.constant 700 : i32
      %dma_wait3A_982 = arith.constant 0 : i32
      %dma_wait3A_983 = tpu.memref_slice %arg6[%dma_wait3A_981, %dma_wait3A_982] : memref<800x64xf32, #tpu.memory_space<vmem>> -> memref<50x64xf32, #tpu.memory_space<vmem>>
      %dma_wait3A_984 = arith.constant 0 : i32
      %dma_wait3A_985 = arith.constant 0 : i32
      %dma_wait3A_986 = tpu.memref_slice %arg4[%add3A_427, %dma_wait3A_984, %dma_wait3A_985] : memref<16384x50x64xf32, #tpu.memory_space<hbm>> -> memref<1x50x64xf32, #tpu.memory_space<hbm>>
      %dma_wait3A_987 = tpu.memref_squeeze %dma_wait3A_986 : memref<1x50x64xf32, #tpu.memory_space<hbm>> -> memref<50x64xf32, #tpu.memory_space<hbm>>
      %dma_wait3A_988 = arith.constant 0 : i32
      %dma_wait3A_989 = arith.constant 0 : i32
      %dma_wait3A_990 = tpu.memref_slice %arg4[%add3A_427, %dma_wait3A_988, %dma_wait3A_989] : memref<16384x50x64xf32, #tpu.memory_space<hbm>> -> memref<1x50x64xf32, #tpu.memory_space<hbm>>
      %dma_wait3A_991 = tpu.memref_squeeze %dma_wait3A_990 : memref<1x50x64xf32, #tpu.memory_space<hbm>> -> memref<50x64xf32, #tpu.memory_space<hbm>>
      %dma_wait3A_992 = arith.constant 700 : i32
      %dma_wait3A_993 = arith.constant 0 : i32
      %dma_wait3A_994 = tpu.memref_slice %arg6[%dma_wait3A_992, %dma_wait3A_993] : memref<800x64xf32, #tpu.memory_space<vmem>> -> memref<50x64xf32, #tpu.memory_space<vmem>>
      tpu.wait_dma2 semaphore(%arg11 : memref<!tpu.dma_semaphore, #tpu.memory_space<semaphore_mem>>) src(%dma_wait3A_994 : memref<50x64xf32, #tpu.memory_space<vmem>>) dst(%dma_wait3A_991 : memref<50x64xf32, #tpu.memory_space<hbm>>)
      %dma_wait3A_995 = arith.constant 750 : i32
      %dma_wait3A_996 = arith.constant 0 : i32
      %dma_wait3A_997 = tpu.memref_slice %arg6[%dma_wait3A_995, %dma_wait3A_996] : memref<800x64xf32, #tpu.memory_space<vmem>> -> memref<50x64xf32, #tpu.memory_space<vmem>>
      %dma_wait3A_998 = arith.constant 0 : i32
      %dma_wait3A_999 = arith.constant 0 : i32
      %dma_wait3A_1000 = tpu.memref_slice %arg4[%add3A_443, %dma_wait3A_998, %dma_wait3A_999] : memref<16384x50x64xf32, #tpu.memory_space<hbm>> -> memref<1x50x64xf32, #tpu.memory_space<hbm>>
      %dma_wait3A_1001 = tpu.memref_squeeze %dma_wait3A_1000 : memref<1x50x64xf32, #tpu.memory_space<hbm>> -> memref<50x64xf32, #tpu.memory_space<hbm>>
      %dma_wait3A_1002 = arith.constant 0 : i32
      %dma_wait3A_1003 = arith.constant 0 : i32
      %dma_wait3A_1004 = tpu.memref_slice %arg4[%add3A_443, %dma_wait3A_1002, %dma_wait3A_1003] : memref<16384x50x64xf32, #tpu.memory_space<hbm>> -> memref<1x50x64xf32, #tpu.memory_space<hbm>>
      %dma_wait3A_1005 = tpu.memref_squeeze %dma_wait3A_1004 : memref<1x50x64xf32, #tpu.memory_space<hbm>> -> memref<50x64xf32, #tpu.memory_space<hbm>>
      %dma_wait3A_1006 = arith.constant 750 : i32
      %dma_wait3A_1007 = arith.constant 0 : i32
      %dma_wait3A_1008 = tpu.memref_slice %arg6[%dma_wait3A_1006, %dma_wait3A_1007] : memref<800x64xf32, #tpu.memory_space<vmem>> -> memref<50x64xf32, #tpu.memory_space<vmem>>
      tpu.wait_dma2 semaphore(%arg11 : memref<!tpu.dma_semaphore, #tpu.memory_space<semaphore_mem>>) src(%dma_wait3A_1008 : memref<50x64xf32, #tpu.memory_space<vmem>>) dst(%dma_wait3A_1005 : memref<50x64xf32, #tpu.memory_space<hbm>>)
      %dma_wait3A_1009 = arith.constant 0 : i32
      %dma_wait3A_1010 = arith.constant 0 : i32
      %dma_wait3A_1011 = tpu.memref_slice %arg8[%dma_wait3A_1009, %dma_wait3A_1010] : memref<800x64xf32, #tpu.memory_space<vmem>> -> memref<50x64xf32, #tpu.memory_space<vmem>>
      %dma_wait3A_1012 = arith.constant 0 : i32
      %dma_wait3A_1013 = arith.constant 0 : i32
      %dma_wait3A_1014 = tpu.memref_slice %arg4[%add3A_530, %dma_wait3A_1012, %dma_wait3A_1013] : memref<16384x50x64xf32, #tpu.memory_space<hbm>> -> memref<1x50x64xf32, #tpu.memory_space<hbm>>
      %dma_wait3A_1015 = tpu.memref_squeeze %dma_wait3A_1014 : memref<1x50x64xf32, #tpu.memory_space<hbm>> -> memref<50x64xf32, #tpu.memory_space<hbm>>
      %dma_wait3A_1016 = arith.constant 0 : i32
      %dma_wait3A_1017 = arith.constant 0 : i32
      %dma_wait3A_1018 = tpu.memref_slice %arg4[%add3A_530, %dma_wait3A_1016, %dma_wait3A_1017] : memref<16384x50x64xf32, #tpu.memory_space<hbm>> -> memref<1x50x64xf32, #tpu.memory_space<hbm>>
      %dma_wait3A_1019 = tpu.memref_squeeze %dma_wait3A_1018 : memref<1x50x64xf32, #tpu.memory_space<hbm>> -> memref<50x64xf32, #tpu.memory_space<hbm>>
      %dma_wait3A_1020 = arith.constant 0 : i32
      %dma_wait3A_1021 = arith.constant 0 : i32
      %dma_wait3A_1022 = tpu.memref_slice %arg8[%dma_wait3A_1020, %dma_wait3A_1021] : memref<800x64xf32, #tpu.memory_space<vmem>> -> memref<50x64xf32, #tpu.memory_space<vmem>>
      tpu.wait_dma2 semaphore(%arg11 : memref<!tpu.dma_semaphore, #tpu.memory_space<semaphore_mem>>) src(%dma_wait3A_1022 : memref<50x64xf32, #tpu.memory_space<vmem>>) dst(%dma_wait3A_1019 : memref<50x64xf32, #tpu.memory_space<hbm>>)
      %dma_wait3A_1023 = arith.constant 50 : i32
      %dma_wait3A_1024 = arith.constant 0 : i32
      %dma_wait3A_1025 = tpu.memref_slice %arg8[%dma_wait3A_1023, %dma_wait3A_1024] : memref<800x64xf32, #tpu.memory_space<vmem>> -> memref<50x64xf32, #tpu.memory_space<vmem>>
      %dma_wait3A_1026 = arith.constant 0 : i32
      %dma_wait3A_1027 = arith.constant 0 : i32
      %dma_wait3A_1028 = tpu.memref_slice %arg4[%add3A_546, %dma_wait3A_1026, %dma_wait3A_1027] : memref<16384x50x64xf32, #tpu.memory_space<hbm>> -> memref<1x50x64xf32, #tpu.memory_space<hbm>>
      %dma_wait3A_1029 = tpu.memref_squeeze %dma_wait3A_1028 : memref<1x50x64xf32, #tpu.memory_space<hbm>> -> memref<50x64xf32, #tpu.memory_space<hbm>>
      %dma_wait3A_1030 = arith.constant 0 : i32
      %dma_wait3A_1031 = arith.constant 0 : i32
      %dma_wait3A_1032 = tpu.memref_slice %arg4[%add3A_546, %dma_wait3A_1030, %dma_wait3A_1031] : memref<16384x50x64xf32, #tpu.memory_space<hbm>> -> memref<1x50x64xf32, #tpu.memory_space<hbm>>
      %dma_wait3A_1033 = tpu.memref_squeeze %dma_wait3A_1032 : memref<1x50x64xf32, #tpu.memory_space<hbm>> -> memref<50x64xf32, #tpu.memory_space<hbm>>
      %dma_wait3A_1034 = arith.constant 50 : i32
      %dma_wait3A_1035 = arith.constant 0 : i32
      %dma_wait3A_1036 = tpu.memref_slice %arg8[%dma_wait3A_1034, %dma_wait3A_1035] : memref<800x64xf32, #tpu.memory_space<vmem>> -> memref<50x64xf32, #tpu.memory_space<vmem>>
      tpu.wait_dma2 semaphore(%arg11 : memref<!tpu.dma_semaphore, #tpu.memory_space<semaphore_mem>>) src(%dma_wait3A_1036 : memref<50x64xf32, #tpu.memory_space<vmem>>) dst(%dma_wait3A_1033 : memref<50x64xf32, #tpu.memory_space<hbm>>)
      %dma_wait3A_1037 = arith.constant 100 : i32
      %dma_wait3A_1038 = arith.constant 0 : i32
      %dma_wait3A_1039 = tpu.memref_slice %arg8[%dma_wait3A_1037, %dma_wait3A_1038] : memref<800x64xf32, #tpu.memory_space<vmem>> -> memref<50x64xf32, #tpu.memory_space<vmem>>
      %dma_wait3A_1040 = arith.constant 0 : i32
      %dma_wait3A_1041 = arith.constant 0 : i32
      %dma_wait3A_1042 = tpu.memref_slice %arg4[%add3A_562, %dma_wait3A_1040, %dma_wait3A_1041] : memref<16384x50x64xf32, #tpu.memory_space<hbm>> -> memref<1x50x64xf32, #tpu.memory_space<hbm>>
      %dma_wait3A_1043 = tpu.memref_squeeze %dma_wait3A_1042 : memref<1x50x64xf32, #tpu.memory_space<hbm>> -> memref<50x64xf32, #tpu.memory_space<hbm>>
      %dma_wait3A_1044 = arith.constant 0 : i32
      %dma_wait3A_1045 = arith.constant 0 : i32
      %dma_wait3A_1046 = tpu.memref_slice %arg4[%add3A_562, %dma_wait3A_1044, %dma_wait3A_1045] : memref<16384x50x64xf32, #tpu.memory_space<hbm>> -> memref<1x50x64xf32, #tpu.memory_space<hbm>>
      %dma_wait3A_1047 = tpu.memref_squeeze %dma_wait3A_1046 : memref<1x50x64xf32, #tpu.memory_space<hbm>> -> memref<50x64xf32, #tpu.memory_space<hbm>>
      %dma_wait3A_1048 = arith.constant 100 : i32
      %dma_wait3A_1049 = arith.constant 0 : i32
      %dma_wait3A_1050 = tpu.memref_slice %arg8[%dma_wait3A_1048, %dma_wait3A_1049] : memref<800x64xf32, #tpu.memory_space<vmem>> -> memref<50x64xf32, #tpu.memory_space<vmem>>
      tpu.wait_dma2 semaphore(%arg11 : memref<!tpu.dma_semaphore, #tpu.memory_space<semaphore_mem>>) src(%dma_wait3A_1050 : memref<50x64xf32, #tpu.memory_space<vmem>>) dst(%dma_wait3A_1047 : memref<50x64xf32, #tpu.memory_space<hbm>>)
      %dma_wait3A_1051 = arith.constant 150 : i32
      %dma_wait3A_1052 = arith.constant 0 : i32
      %dma_wait3A_1053 = tpu.memref_slice %arg8[%dma_wait3A_1051, %dma_wait3A_1052] : memref<800x64xf32, #tpu.memory_space<vmem>> -> memref<50x64xf32, #tpu.memory_space<vmem>>
      %dma_wait3A_1054 = arith.constant 0 : i32
      %dma_wait3A_1055 = arith.constant 0 : i32
      %dma_wait3A_1056 = tpu.memref_slice %arg4[%add3A_578, %dma_wait3A_1054, %dma_wait3A_1055] : memref<16384x50x64xf32, #tpu.memory_space<hbm>> -> memref<1x50x64xf32, #tpu.memory_space<hbm>>
      %dma_wait3A_1057 = tpu.memref_squeeze %dma_wait3A_1056 : memref<1x50x64xf32, #tpu.memory_space<hbm>> -> memref<50x64xf32, #tpu.memory_space<hbm>>
      %dma_wait3A_1058 = arith.constant 0 : i32
      %dma_wait3A_1059 = arith.constant 0 : i32
      %dma_wait3A_1060 = tpu.memref_slice %arg4[%add3A_578, %dma_wait3A_1058, %dma_wait3A_1059] : memref<16384x50x64xf32, #tpu.memory_space<hbm>> -> memref<1x50x64xf32, #tpu.memory_space<hbm>>
      %dma_wait3A_1061 = tpu.memref_squeeze %dma_wait3A_1060 : memref<1x50x64xf32, #tpu.memory_space<hbm>> -> memref<50x64xf32, #tpu.memory_space<hbm>>
      %dma_wait3A_1062 = arith.constant 150 : i32
      %dma_wait3A_1063 = arith.constant 0 : i32
      %dma_wait3A_1064 = tpu.memref_slice %arg8[%dma_wait3A_1062, %dma_wait3A_1063] : memref<800x64xf32, #tpu.memory_space<vmem>> -> memref<50x64xf32, #tpu.memory_space<vmem>>
      tpu.wait_dma2 semaphore(%arg11 : memref<!tpu.dma_semaphore, #tpu.memory_space<semaphore_mem>>) src(%dma_wait3A_1064 : memref<50x64xf32, #tpu.memory_space<vmem>>) dst(%dma_wait3A_1061 : memref<50x64xf32, #tpu.memory_space<hbm>>)
      %dma_wait3A_1065 = arith.constant 200 : i32
      %dma_wait3A_1066 = arith.constant 0 : i32
      %dma_wait3A_1067 = tpu.memref_slice %arg8[%dma_wait3A_1065, %dma_wait3A_1066] : memref<800x64xf32, #tpu.memory_space<vmem>> -> memref<50x64xf32, #tpu.memory_space<vmem>>
      %dma_wait3A_1068 = arith.constant 0 : i32
      %dma_wait3A_1069 = arith.constant 0 : i32
      %dma_wait3A_1070 = tpu.memref_slice %arg4[%add3A_594, %dma_wait3A_1068, %dma_wait3A_1069] : memref<16384x50x64xf32, #tpu.memory_space<hbm>> -> memref<1x50x64xf32, #tpu.memory_space<hbm>>
      %dma_wait3A_1071 = tpu.memref_squeeze %dma_wait3A_1070 : memref<1x50x64xf32, #tpu.memory_space<hbm>> -> memref<50x64xf32, #tpu.memory_space<hbm>>
      %dma_wait3A_1072 = arith.constant 0 : i32
      %dma_wait3A_1073 = arith.constant 0 : i32
      %dma_wait3A_1074 = tpu.memref_slice %arg4[%add3A_594, %dma_wait3A_1072, %dma_wait3A_1073] : memref<16384x50x64xf32, #tpu.memory_space<hbm>> -> memref<1x50x64xf32, #tpu.memory_space<hbm>>
      %dma_wait3A_1075 = tpu.memref_squeeze %dma_wait3A_1074 : memref<1x50x64xf32, #tpu.memory_space<hbm>> -> memref<50x64xf32, #tpu.memory_space<hbm>>
      %dma_wait3A_1076 = arith.constant 200 : i32
      %dma_wait3A_1077 = arith.constant 0 : i32
      %dma_wait3A_1078 = tpu.memref_slice %arg8[%dma_wait3A_1076, %dma_wait3A_1077] : memref<800x64xf32, #tpu.memory_space<vmem>> -> memref<50x64xf32, #tpu.memory_space<vmem>>
      tpu.wait_dma2 semaphore(%arg11 : memref<!tpu.dma_semaphore, #tpu.memory_space<semaphore_mem>>) src(%dma_wait3A_1078 : memref<50x64xf32, #tpu.memory_space<vmem>>) dst(%dma_wait3A_1075 : memref<50x64xf32, #tpu.memory_space<hbm>>)
      %dma_wait3A_1079 = arith.constant 250 : i32
      %dma_wait3A_1080 = arith.constant 0 : i32
      %dma_wait3A_1081 = tpu.memref_slice %arg8[%dma_wait3A_1079, %dma_wait3A_1080] : memref<800x64xf32, #tpu.memory_space<vmem>> -> memref<50x64xf32, #tpu.memory_space<vmem>>
      %dma_wait3A_1082 = arith.constant 0 : i32
      %dma_wait3A_1083 = arith.constant 0 : i32
      %dma_wait3A_1084 = tpu.memref_slice %arg4[%add3A_610, %dma_wait3A_1082, %dma_wait3A_1083] : memref<16384x50x64xf32, #tpu.memory_space<hbm>> -> memref<1x50x64xf32, #tpu.memory_space<hbm>>
      %dma_wait3A_1085 = tpu.memref_squeeze %dma_wait3A_1084 : memref<1x50x64xf32, #tpu.memory_space<hbm>> -> memref<50x64xf32, #tpu.memory_space<hbm>>
      %dma_wait3A_1086 = arith.constant 0 : i32
      %dma_wait3A_1087 = arith.constant 0 : i32
      %dma_wait3A_1088 = tpu.memref_slice %arg4[%add3A_610, %dma_wait3A_1086, %dma_wait3A_1087] : memref<16384x50x64xf32, #tpu.memory_space<hbm>> -> memref<1x50x64xf32, #tpu.memory_space<hbm>>
      %dma_wait3A_1089 = tpu.memref_squeeze %dma_wait3A_1088 : memref<1x50x64xf32, #tpu.memory_space<hbm>> -> memref<50x64xf32, #tpu.memory_space<hbm>>
      %dma_wait3A_1090 = arith.constant 250 : i32
      %dma_wait3A_1091 = arith.constant 0 : i32
      %dma_wait3A_1092 = tpu.memref_slice %arg8[%dma_wait3A_1090, %dma_wait3A_1091] : memref<800x64xf32, #tpu.memory_space<vmem>> -> memref<50x64xf32, #tpu.memory_space<vmem>>
      tpu.wait_dma2 semaphore(%arg11 : memref<!tpu.dma_semaphore, #tpu.memory_space<semaphore_mem>>) src(%dma_wait3A_1092 : memref<50x64xf32, #tpu.memory_space<vmem>>) dst(%dma_wait3A_1089 : memref<50x64xf32, #tpu.memory_space<hbm>>)
      %dma_wait3A_1093 = arith.constant 300 : i32
      %dma_wait3A_1094 = arith.constant 0 : i32
      %dma_wait3A_1095 = tpu.memref_slice %arg8[%dma_wait3A_1093, %dma_wait3A_1094] : memref<800x64xf32, #tpu.memory_space<vmem>> -> memref<50x64xf32, #tpu.memory_space<vmem>>
      %dma_wait3A_1096 = arith.constant 0 : i32
      %dma_wait3A_1097 = arith.constant 0 : i32
      %dma_wait3A_1098 = tpu.memref_slice %arg4[%add3A_626, %dma_wait3A_1096, %dma_wait3A_1097] : memref<16384x50x64xf32, #tpu.memory_space<hbm>> -> memref<1x50x64xf32, #tpu.memory_space<hbm>>
      %dma_wait3A_1099 = tpu.memref_squeeze %dma_wait3A_1098 : memref<1x50x64xf32, #tpu.memory_space<hbm>> -> memref<50x64xf32, #tpu.memory_space<hbm>>
      %dma_wait3A_1100 = arith.constant 0 : i32
      %dma_wait3A_1101 = arith.constant 0 : i32
      %dma_wait3A_1102 = tpu.memref_slice %arg4[%add3A_626, %dma_wait3A_1100, %dma_wait3A_1101] : memref<16384x50x64xf32, #tpu.memory_space<hbm>> -> memref<1x50x64xf32, #tpu.memory_space<hbm>>
      %dma_wait3A_1103 = tpu.memref_squeeze %dma_wait3A_1102 : memref<1x50x64xf32, #tpu.memory_space<hbm>> -> memref<50x64xf32, #tpu.memory_space<hbm>>
      %dma_wait3A_1104 = arith.constant 300 : i32
      %dma_wait3A_1105 = arith.constant 0 : i32
      %dma_wait3A_1106 = tpu.memref_slice %arg8[%dma_wait3A_1104, %dma_wait3A_1105] : memref<800x64xf32, #tpu.memory_space<vmem>> -> memref<50x64xf32, #tpu.memory_space<vmem>>
      tpu.wait_dma2 semaphore(%arg11 : memref<!tpu.dma_semaphore, #tpu.memory_space<semaphore_mem>>) src(%dma_wait3A_1106 : memref<50x64xf32, #tpu.memory_space<vmem>>) dst(%dma_wait3A_1103 : memref<50x64xf32, #tpu.memory_space<hbm>>)
      %dma_wait3A_1107 = arith.constant 350 : i32
      %dma_wait3A_1108 = arith.constant 0 : i32
      %dma_wait3A_1109 = tpu.memref_slice %arg8[%dma_wait3A_1107, %dma_wait3A_1108] : memref<800x64xf32, #tpu.memory_space<vmem>> -> memref<50x64xf32, #tpu.memory_space<vmem>>
      %dma_wait3A_1110 = arith.constant 0 : i32
      %dma_wait3A_1111 = arith.constant 0 : i32
      %dma_wait3A_1112 = tpu.memref_slice %arg4[%add3A_642, %dma_wait3A_1110, %dma_wait3A_1111] : memref<16384x50x64xf32, #tpu.memory_space<hbm>> -> memref<1x50x64xf32, #tpu.memory_space<hbm>>
      %dma_wait3A_1113 = tpu.memref_squeeze %dma_wait3A_1112 : memref<1x50x64xf32, #tpu.memory_space<hbm>> -> memref<50x64xf32, #tpu.memory_space<hbm>>
      %dma_wait3A_1114 = arith.constant 0 : i32
      %dma_wait3A_1115 = arith.constant 0 : i32
      %dma_wait3A_1116 = tpu.memref_slice %arg4[%add3A_642, %dma_wait3A_1114, %dma_wait3A_1115] : memref<16384x50x64xf32, #tpu.memory_space<hbm>> -> memref<1x50x64xf32, #tpu.memory_space<hbm>>
      %dma_wait3A_1117 = tpu.memref_squeeze %dma_wait3A_1116 : memref<1x50x64xf32, #tpu.memory_space<hbm>> -> memref<50x64xf32, #tpu.memory_space<hbm>>
      %dma_wait3A_1118 = arith.constant 350 : i32
      %dma_wait3A_1119 = arith.constant 0 : i32
      %dma_wait3A_1120 = tpu.memref_slice %arg8[%dma_wait3A_1118, %dma_wait3A_1119] : memref<800x64xf32, #tpu.memory_space<vmem>> -> memref<50x64xf32, #tpu.memory_space<vmem>>
      tpu.wait_dma2 semaphore(%arg11 : memref<!tpu.dma_semaphore, #tpu.memory_space<semaphore_mem>>) src(%dma_wait3A_1120 : memref<50x64xf32, #tpu.memory_space<vmem>>) dst(%dma_wait3A_1117 : memref<50x64xf32, #tpu.memory_space<hbm>>)
      %dma_wait3A_1121 = arith.constant 400 : i32
      %dma_wait3A_1122 = arith.constant 0 : i32
      %dma_wait3A_1123 = tpu.memref_slice %arg8[%dma_wait3A_1121, %dma_wait3A_1122] : memref<800x64xf32, #tpu.memory_space<vmem>> -> memref<50x64xf32, #tpu.memory_space<vmem>>
      %dma_wait3A_1124 = arith.constant 0 : i32
      %dma_wait3A_1125 = arith.constant 0 : i32
      %dma_wait3A_1126 = tpu.memref_slice %arg4[%add3A_658, %dma_wait3A_1124, %dma_wait3A_1125] : memref<16384x50x64xf32, #tpu.memory_space<hbm>> -> memref<1x50x64xf32, #tpu.memory_space<hbm>>
      %dma_wait3A_1127 = tpu.memref_squeeze %dma_wait3A_1126 : memref<1x50x64xf32, #tpu.memory_space<hbm>> -> memref<50x64xf32, #tpu.memory_space<hbm>>
      %dma_wait3A_1128 = arith.constant 0 : i32
      %dma_wait3A_1129 = arith.constant 0 : i32
      %dma_wait3A_1130 = tpu.memref_slice %arg4[%add3A_658, %dma_wait3A_1128, %dma_wait3A_1129] : memref<16384x50x64xf32, #tpu.memory_space<hbm>> -> memref<1x50x64xf32, #tpu.memory_space<hbm>>
      %dma_wait3A_1131 = tpu.memref_squeeze %dma_wait3A_1130 : memref<1x50x64xf32, #tpu.memory_space<hbm>> -> memref<50x64xf32, #tpu.memory_space<hbm>>
      %dma_wait3A_1132 = arith.constant 400 : i32
      %dma_wait3A_1133 = arith.constant 0 : i32
      %dma_wait3A_1134 = tpu.memref_slice %arg8[%dma_wait3A_1132, %dma_wait3A_1133] : memref<800x64xf32, #tpu.memory_space<vmem>> -> memref<50x64xf32, #tpu.memory_space<vmem>>
      tpu.wait_dma2 semaphore(%arg11 : memref<!tpu.dma_semaphore, #tpu.memory_space<semaphore_mem>>) src(%dma_wait3A_1134 : memref<50x64xf32, #tpu.memory_space<vmem>>) dst(%dma_wait3A_1131 : memref<50x64xf32, #tpu.memory_space<hbm>>)
      %dma_wait3A_1135 = arith.constant 450 : i32
      %dma_wait3A_1136 = arith.constant 0 : i32
      %dma_wait3A_1137 = tpu.memref_slice %arg8[%dma_wait3A_1135, %dma_wait3A_1136] : memref<800x64xf32, #tpu.memory_space<vmem>> -> memref<50x64xf32, #tpu.memory_space<vmem>>
      %dma_wait3A_1138 = arith.constant 0 : i32
      %dma_wait3A_1139 = arith.constant 0 : i32
      %dma_wait3A_1140 = tpu.memref_slice %arg4[%add3A_674, %dma_wait3A_1138, %dma_wait3A_1139] : memref<16384x50x64xf32, #tpu.memory_space<hbm>> -> memref<1x50x64xf32, #tpu.memory_space<hbm>>
      %dma_wait3A_1141 = tpu.memref_squeeze %dma_wait3A_1140 : memref<1x50x64xf32, #tpu.memory_space<hbm>> -> memref<50x64xf32, #tpu.memory_space<hbm>>
      %dma_wait3A_1142 = arith.constant 0 : i32
      %dma_wait3A_1143 = arith.constant 0 : i32
      %dma_wait3A_1144 = tpu.memref_slice %arg4[%add3A_674, %dma_wait3A_1142, %dma_wait3A_1143] : memref<16384x50x64xf32, #tpu.memory_space<hbm>> -> memref<1x50x64xf32, #tpu.memory_space<hbm>>
      %dma_wait3A_1145 = tpu.memref_squeeze %dma_wait3A_1144 : memref<1x50x64xf32, #tpu.memory_space<hbm>> -> memref<50x64xf32, #tpu.memory_space<hbm>>
      %dma_wait3A_1146 = arith.constant 450 : i32
      %dma_wait3A_1147 = arith.constant 0 : i32
      %dma_wait3A_1148 = tpu.memref_slice %arg8[%dma_wait3A_1146, %dma_wait3A_1147] : memref<800x64xf32, #tpu.memory_space<vmem>> -> memref<50x64xf32, #tpu.memory_space<vmem>>
      tpu.wait_dma2 semaphore(%arg11 : memref<!tpu.dma_semaphore, #tpu.memory_space<semaphore_mem>>) src(%dma_wait3A_1148 : memref<50x64xf32, #tpu.memory_space<vmem>>) dst(%dma_wait3A_1145 : memref<50x64xf32, #tpu.memory_space<hbm>>)
      %dma_wait3A_1149 = arith.constant 500 : i32
      %dma_wait3A_1150 = arith.constant 0 : i32
      %dma_wait3A_1151 = tpu.memref_slice %arg8[%dma_wait3A_1149, %dma_wait3A_1150] : memref<800x64xf32, #tpu.memory_space<vmem>> -> memref<50x64xf32, #tpu.memory_space<vmem>>
      %dma_wait3A_1152 = arith.constant 0 : i32
      %dma_wait3A_1153 = arith.constant 0 : i32
      %dma_wait3A_1154 = tpu.memref_slice %arg4[%add3A_690, %dma_wait3A_1152, %dma_wait3A_1153] : memref<16384x50x64xf32, #tpu.memory_space<hbm>> -> memref<1x50x64xf32, #tpu.memory_space<hbm>>
      %dma_wait3A_1155 = tpu.memref_squeeze %dma_wait3A_1154 : memref<1x50x64xf32, #tpu.memory_space<hbm>> -> memref<50x64xf32, #tpu.memory_space<hbm>>
      %dma_wait3A_1156 = arith.constant 0 : i32
      %dma_wait3A_1157 = arith.constant 0 : i32
      %dma_wait3A_1158 = tpu.memref_slice %arg4[%add3A_690, %dma_wait3A_1156, %dma_wait3A_1157] : memref<16384x50x64xf32, #tpu.memory_space<hbm>> -> memref<1x50x64xf32, #tpu.memory_space<hbm>>
      %dma_wait3A_1159 = tpu.memref_squeeze %dma_wait3A_1158 : memref<1x50x64xf32, #tpu.memory_space<hbm>> -> memref<50x64xf32, #tpu.memory_space<hbm>>
      %dma_wait3A_1160 = arith.constant 500 : i32
      %dma_wait3A_1161 = arith.constant 0 : i32
      %dma_wait3A_1162 = tpu.memref_slice %arg8[%dma_wait3A_1160, %dma_wait3A_1161] : memref<800x64xf32, #tpu.memory_space<vmem>> -> memref<50x64xf32, #tpu.memory_space<vmem>>
      tpu.wait_dma2 semaphore(%arg11 : memref<!tpu.dma_semaphore, #tpu.memory_space<semaphore_mem>>) src(%dma_wait3A_1162 : memref<50x64xf32, #tpu.memory_space<vmem>>) dst(%dma_wait3A_1159 : memref<50x64xf32, #tpu.memory_space<hbm>>)
      %dma_wait3A_1163 = arith.constant 550 : i32
      %dma_wait3A_1164 = arith.constant 0 : i32
      %dma_wait3A_1165 = tpu.memref_slice %arg8[%dma_wait3A_1163, %dma_wait3A_1164] : memref<800x64xf32, #tpu.memory_space<vmem>> -> memref<50x64xf32, #tpu.memory_space<vmem>>
      %dma_wait3A_1166 = arith.constant 0 : i32
      %dma_wait3A_1167 = arith.constant 0 : i32
      %dma_wait3A_1168 = tpu.memref_slice %arg4[%add3A_706, %dma_wait3A_1166, %dma_wait3A_1167] : memref<16384x50x64xf32, #tpu.memory_space<hbm>> -> memref<1x50x64xf32, #tpu.memory_space<hbm>>
      %dma_wait3A_1169 = tpu.memref_squeeze %dma_wait3A_1168 : memref<1x50x64xf32, #tpu.memory_space<hbm>> -> memref<50x64xf32, #tpu.memory_space<hbm>>
      %dma_wait3A_1170 = arith.constant 0 : i32
      %dma_wait3A_1171 = arith.constant 0 : i32
      %dma_wait3A_1172 = tpu.memref_slice %arg4[%add3A_706, %dma_wait3A_1170, %dma_wait3A_1171] : memref<16384x50x64xf32, #tpu.memory_space<hbm>> -> memref<1x50x64xf32, #tpu.memory_space<hbm>>
      %dma_wait3A_1173 = tpu.memref_squeeze %dma_wait3A_1172 : memref<1x50x64xf32, #tpu.memory_space<hbm>> -> memref<50x64xf32, #tpu.memory_space<hbm>>
      %dma_wait3A_1174 = arith.constant 550 : i32
      %dma_wait3A_1175 = arith.constant 0 : i32
      %dma_wait3A_1176 = tpu.memref_slice %arg8[%dma_wait3A_1174, %dma_wait3A_1175] : memref<800x64xf32, #tpu.memory_space<vmem>> -> memref<50x64xf32, #tpu.memory_space<vmem>>
      tpu.wait_dma2 semaphore(%arg11 : memref<!tpu.dma_semaphore, #tpu.memory_space<semaphore_mem>>) src(%dma_wait3A_1176 : memref<50x64xf32, #tpu.memory_space<vmem>>) dst(%dma_wait3A_1173 : memref<50x64xf32, #tpu.memory_space<hbm>>)
      %dma_wait3A_1177 = arith.constant 600 : i32
      %dma_wait3A_1178 = arith.constant 0 : i32
      %dma_wait3A_1179 = tpu.memref_slice %arg8[%dma_wait3A_1177, %dma_wait3A_1178] : memref<800x64xf32, #tpu.memory_space<vmem>> -> memref<50x64xf32, #tpu.memory_space<vmem>>
      %dma_wait3A_1180 = arith.constant 0 : i32
      %dma_wait3A_1181 = arith.constant 0 : i32
      %dma_wait3A_1182 = tpu.memref_slice %arg4[%add3A_722, %dma_wait3A_1180, %dma_wait3A_1181] : memref<16384x50x64xf32, #tpu.memory_space<hbm>> -> memref<1x50x64xf32, #tpu.memory_space<hbm>>
      %dma_wait3A_1183 = tpu.memref_squeeze %dma_wait3A_1182 : memref<1x50x64xf32, #tpu.memory_space<hbm>> -> memref<50x64xf32, #tpu.memory_space<hbm>>
      %dma_wait3A_1184 = arith.constant 0 : i32
      %dma_wait3A_1185 = arith.constant 0 : i32
      %dma_wait3A_1186 = tpu.memref_slice %arg4[%add3A_722, %dma_wait3A_1184, %dma_wait3A_1185] : memref<16384x50x64xf32, #tpu.memory_space<hbm>> -> memref<1x50x64xf32, #tpu.memory_space<hbm>>
      %dma_wait3A_1187 = tpu.memref_squeeze %dma_wait3A_1186 : memref<1x50x64xf32, #tpu.memory_space<hbm>> -> memref<50x64xf32, #tpu.memory_space<hbm>>
      %dma_wait3A_1188 = arith.constant 600 : i32
      %dma_wait3A_1189 = arith.constant 0 : i32
      %dma_wait3A_1190 = tpu.memref_slice %arg8[%dma_wait3A_1188, %dma_wait3A_1189] : memref<800x64xf32, #tpu.memory_space<vmem>> -> memref<50x64xf32, #tpu.memory_space<vmem>>
      tpu.wait_dma2 semaphore(%arg11 : memref<!tpu.dma_semaphore, #tpu.memory_space<semaphore_mem>>) src(%dma_wait3A_1190 : memref<50x64xf32, #tpu.memory_space<vmem>>) dst(%dma_wait3A_1187 : memref<50x64xf32, #tpu.memory_space<hbm>>)
      %dma_wait3A_1191 = arith.constant 650 : i32
      %dma_wait3A_1192 = arith.constant 0 : i32
      %dma_wait3A_1193 = tpu.memref_slice %arg8[%dma_wait3A_1191, %dma_wait3A_1192] : memref<800x64xf32, #tpu.memory_space<vmem>> -> memref<50x64xf32, #tpu.memory_space<vmem>>
      %dma_wait3A_1194 = arith.constant 0 : i32
      %dma_wait3A_1195 = arith.constant 0 : i32
      %dma_wait3A_1196 = tpu.memref_slice %arg4[%add3A_738, %dma_wait3A_1194, %dma_wait3A_1195] : memref<16384x50x64xf32, #tpu.memory_space<hbm>> -> memref<1x50x64xf32, #tpu.memory_space<hbm>>
      %dma_wait3A_1197 = tpu.memref_squeeze %dma_wait3A_1196 : memref<1x50x64xf32, #tpu.memory_space<hbm>> -> memref<50x64xf32, #tpu.memory_space<hbm>>
      %dma_wait3A_1198 = arith.constant 0 : i32
      %dma_wait3A_1199 = arith.constant 0 : i32
      %dma_wait3A_1200 = tpu.memref_slice %arg4[%add3A_738, %dma_wait3A_1198, %dma_wait3A_1199] : memref<16384x50x64xf32, #tpu.memory_space<hbm>> -> memref<1x50x64xf32, #tpu.memory_space<hbm>>
      %dma_wait3A_1201 = tpu.memref_squeeze %dma_wait3A_1200 : memref<1x50x64xf32, #tpu.memory_space<hbm>> -> memref<50x64xf32, #tpu.memory_space<hbm>>
      %dma_wait3A_1202 = arith.constant 650 : i32
      %dma_wait3A_1203 = arith.constant 0 : i32
      %dma_wait3A_1204 = tpu.memref_slice %arg8[%dma_wait3A_1202, %dma_wait3A_1203] : memref<800x64xf32, #tpu.memory_space<vmem>> -> memref<50x64xf32, #tpu.memory_space<vmem>>
      tpu.wait_dma2 semaphore(%arg11 : memref<!tpu.dma_semaphore, #tpu.memory_space<semaphore_mem>>) src(%dma_wait3A_1204 : memref<50x64xf32, #tpu.memory_space<vmem>>) dst(%dma_wait3A_1201 : memref<50x64xf32, #tpu.memory_space<hbm>>)
      %dma_wait3A_1205 = arith.constant 700 : i32
      %dma_wait3A_1206 = arith.constant 0 : i32
      %dma_wait3A_1207 = tpu.memref_slice %arg8[%dma_wait3A_1205, %dma_wait3A_1206] : memref<800x64xf32, #tpu.memory_space<vmem>> -> memref<50x64xf32, #tpu.memory_space<vmem>>
      %dma_wait3A_1208 = arith.constant 0 : i32
      %dma_wait3A_1209 = arith.constant 0 : i32
      %dma_wait3A_1210 = tpu.memref_slice %arg4[%add3A_754, %dma_wait3A_1208, %dma_wait3A_1209] : memref<16384x50x64xf32, #tpu.memory_space<hbm>> -> memref<1x50x64xf32, #tpu.memory_space<hbm>>
      %dma_wait3A_1211 = tpu.memref_squeeze %dma_wait3A_1210 : memref<1x50x64xf32, #tpu.memory_space<hbm>> -> memref<50x64xf32, #tpu.memory_space<hbm>>
      %dma_wait3A_1212 = arith.constant 0 : i32
      %dma_wait3A_1213 = arith.constant 0 : i32
      %dma_wait3A_1214 = tpu.memref_slice %arg4[%add3A_754, %dma_wait3A_1212, %dma_wait3A_1213] : memref<16384x50x64xf32, #tpu.memory_space<hbm>> -> memref<1x50x64xf32, #tpu.memory_space<hbm>>
      %dma_wait3A_1215 = tpu.memref_squeeze %dma_wait3A_1214 : memref<1x50x64xf32, #tpu.memory_space<hbm>> -> memref<50x64xf32, #tpu.memory_space<hbm>>
      %dma_wait3A_1216 = arith.constant 700 : i32
      %dma_wait3A_1217 = arith.constant 0 : i32
      %dma_wait3A_1218 = tpu.memref_slice %arg8[%dma_wait3A_1216, %dma_wait3A_1217] : memref<800x64xf32, #tpu.memory_space<vmem>> -> memref<50x64xf32, #tpu.memory_space<vmem>>
      tpu.wait_dma2 semaphore(%arg11 : memref<!tpu.dma_semaphore, #tpu.memory_space<semaphore_mem>>) src(%dma_wait3A_1218 : memref<50x64xf32, #tpu.memory_space<vmem>>) dst(%dma_wait3A_1215 : memref<50x64xf32, #tpu.memory_space<hbm>>)
      %dma_wait3A_1219 = arith.constant 750 : i32
      %dma_wait3A_1220 = arith.constant 0 : i32
      %dma_wait3A_1221 = tpu.memref_slice %arg8[%dma_wait3A_1219, %dma_wait3A_1220] : memref<800x64xf32, #tpu.memory_space<vmem>> -> memref<50x64xf32, #tpu.memory_space<vmem>>
      %dma_wait3A_1222 = arith.constant 0 : i32
      %dma_wait3A_1223 = arith.constant 0 : i32
      %dma_wait3A_1224 = tpu.memref_slice %arg4[%add3A_770, %dma_wait3A_1222, %dma_wait3A_1223] : memref<16384x50x64xf32, #tpu.memory_space<hbm>> -> memref<1x50x64xf32, #tpu.memory_space<hbm>>
      %dma_wait3A_1225 = tpu.memref_squeeze %dma_wait3A_1224 : memref<1x50x64xf32, #tpu.memory_space<hbm>> -> memref<50x64xf32, #tpu.memory_space<hbm>>
      %dma_wait3A_1226 = arith.constant 0 : i32
      %dma_wait3A_1227 = arith.constant 0 : i32
      %dma_wait3A_1228 = tpu.memref_slice %arg4[%add3A_770, %dma_wait3A_1226, %dma_wait3A_1227] : memref<16384x50x64xf32, #tpu.memory_space<hbm>> -> memref<1x50x64xf32, #tpu.memory_space<hbm>>
      %dma_wait3A_1229 = tpu.memref_squeeze %dma_wait3A_1228 : memref<1x50x64xf32, #tpu.memory_space<hbm>> -> memref<50x64xf32, #tpu.memory_space<hbm>>
      %dma_wait3A_1230 = arith.constant 750 : i32
      %dma_wait3A_1231 = arith.constant 0 : i32
      %dma_wait3A_1232 = tpu.memref_slice %arg8[%dma_wait3A_1230, %dma_wait3A_1231] : memref<800x64xf32, #tpu.memory_space<vmem>> -> memref<50x64xf32, #tpu.memory_space<vmem>>
      tpu.wait_dma2 semaphore(%arg11 : memref<!tpu.dma_semaphore, #tpu.memory_space<semaphore_mem>>) src(%dma_wait3A_1232 : memref<50x64xf32, #tpu.memory_space<vmem>>) dst(%dma_wait3A_1229 : memref<50x64xf32, #tpu.memory_space<hbm>>)
    }
    %scan3A_5 = arith.constant 16 : i32
    return
  }
}

</mosaic_0001>

<sc_bundles>
// kernel: kernel.3.cloned.1.call-start
scs
__scs_entry_jumppad:
0x0: {  	(pc) =	sbr.rel $0x88, $3  }
0x1: {  	(tag) =	ssettag $0x0;
	lr =	simm.s32 $0x1  }
0x2: {  	[smem:$0x3F9F] =	sst lr;
	_ =	strace $0xD0000000  }
0x3: {  	_ = 	snop  }
0x4: {  	_ = 	snop  }
0x5: {  	_ = 	snop  }
0x6: {  	_ = 	snop  }
0x7: {  	_ = 	snop  }
__scs_overlays_trampoline_lowered:
0x8: {  	[smem:$0x3FAE] =	sst s0  }
0x9: {  	[smem:$0x3FAF] =	sst s1  }
0xa: {  	[smem:$0x3FB0] =	sst s2  }
0xb: {  	[smem:$0x3FB1] =	sst s3  }
0xc: {  	[smem:$0x3FB2] =	sst s4  }
0xd: {  	[smem:$0x3FB3] =	sst s5  }
0xe: {  	[smem:$0x3FB4] =	sst s6  }
0xf: {  	[smem:$0x3FB5] =	sst s7  }
0x10: {  	[smem:$0x3FB6] =	sst s8  }
0x11: {  	[smem:$0x3FB7] =	sst s9;
	s0 =	simm.s32 @!p0 $0x0  }
0x12: {  	s1 =	sld [smem:$0x3F9D];
	s0 =	simm.s32 @p0 $0x1  }
0x13: {  	[smem:$0x3FB8] =	sst s0;
	s0 =	simm.s32 @!p1 $0x0  }
0x14: {  	s2 =	sld [smem:$0x3F9C];
	s0 =	simm.s32 @p1 $0x1  }
0x15: {  	[smem:$0x3FB9] =	sst s0;
	s0 =	simm.s32 @!p2 $0x0  }
0x16: {  	s3 =	sld [smem:$0x3FDB];
	s0 =	simm.s32 @p2 $0x1  }
0x17: {  	s4 =	simm.s32 $0x1BF5;
	[smem:$0x3FBB] =	sst s0  }
0x18: {  	s0 =	sld [smem:$0x3F9E];
	_ =	swait.ge [sflag:s4], $0x0  }
0x19: {  	s7 =	sld [smem:$0x3F9F]  }
0x1a: {  	s8 =	sadd.s32 $0xFFFFE003, lr  }
0x1b: {  	s9 =	sadd.s32 $0xFFFFFEF7, lr;
	s5 =	simm.s32 $0xFFFFFFFF;
	p2 =	slt.u32 s8, $0xFFFFF086  }
0x1c: {  	p1 =	slt.u32 s9, $0xF7A;
	s5 =	simm.s32 @!p2 $0x0  }
0x1d: {  	s5 =	simm.s32 @p1 $0x1;
	p0 =	seq.s32 s7, s2  }
0x1e: {  	s7 =	smul.u32 @!p0 $0xF7A, s2;
	p2 =	seq.s32 @!p0 s5, $0x0  }
0x1f: {  	s9 =	smul.u32 $0xF7A, s1;
	s8 =	simm.s32 @!p0 $0x1BF5;
	p2 =	por !p2, p0  }
0x20: {  	[sflag:s8] =	ssyncset.s32 @!p0 $0xFFFFF086;
	s6 =	sadd.s32 @!p0 s3, s7;
	s7 =	simm.s32 @!p0 $0x108  }
0x21: {  	s3 =	sadd.s32 s3, s9;
	s6 =	sadd.s32 @!p0 $0x88, s6;
	s7 =	simm.s32 @p2 $0x1082  }
0x22: {  	[simem:s7], [sflag:s8] =	dma.local @!p0 [hbm:s6], $0xF7A  }
0x23: {  	s9 =	sor.u32 $0xD0000000, s2;
	s6 =	simm.s32 $0x108;
	_ =	swait.ge @!p0 [sflag:s8], $0x0  }
0x24: {  	s3 =	sadd.s32 $0x88, s3;
	s6 =	simm.s32 @!p1 $0x1082;
	[sflag:s4] =	ssyncset.s32 $0xFFFFF086  }
0x25: {  	[simem:s6], [sflag:s4] =	dma.local [hbm:s3], $0xF7A  }
0x26: {  	[smem:$0x3F9F] =	sst s1;
	(tag) =	ssettag s2;
	_ =	strace s9  }
0x27: {  	s1 =	sld [smem:$0x3FAF]  }
0x28: {  	s2 =	sld [smem:$0x3FB0]  }
0x29: {  	s4 =	sld [smem:$0x3FB2]  }
0x2a: {  	p0 =	seq.s32 s5, $0x0;
	s5 =	sld [smem:$0x3FB3]  }
0x2b: {  	s6 =	sld [smem:$0x3FB4]  }
0x2c: {  	s7 =	sld [smem:$0x3FB5]  }
0x2d: {  	s3 =	simm.s32 $0x108;
	s8 =	sld [smem:$0x3FB6]  }
0x2e: {  	s3 =	simm.s32 @!p0 $0x1082;
	s9 =	sld [smem:$0x3FB7]  }
0x2f: {  	lr =	sadd.s32 s0, s3;
	s0 =	sld [smem:$0x3FAE]  }
0x30: {  	s3 =	sld [smem:$0x3FB1]  }
0x31: {  	[smem:$0x3FBA] =	sst s10  }
0x32: {  	s10 =	sld [smem:$0x3FB8];
	_ =	sdelay $0x3  }
0x33: {  	p0 =	seq.s32 s10, $0x1;
	s10 =	sld [smem:$0x3FBA];
	_ =	sdelay $0x3  }
0x34: {  	[smem:$0x3FBA] =	sst s10  }
0x35: {  	s10 =	sld [smem:$0x3FB9];
	_ =	sdelay $0x3  }
0x36: {  	p1 =	seq.s32 s10, $0x1;
	s10 =	sld [smem:$0x3FBA];
	_ =	sdelay $0x3  }
0x37: {  	[smem:$0x3FBA] =	sst s10  }
0x38: {  	s10 =	sld [smem:$0x3FBB]  }
0x39: {  	_ = 	snop;
	(pc) =	sbr.ind lr, $3  }
0x3a: {  	_ = 	snop  }
0x3b: {  	_ = 	snop  }
0x3c: {  	p2 =	seq.s32 s10, $0x1;
	s10 =	sld [smem:$0x3FBA]  }
0x3d: {  	_ =	shalt  }
0x3e: {  	_ =	shalt  }
0x3f: {  	_ =	shalt  }
0x40: {  	_ =	shalt  }
0x41: {  	_ =	shalt  }
0x42: {  	_ =	shalt  }
0x43: {  	_ =	shalt  }
0x44: {  	_ =	shalt  }
0x45: {  	_ =	shalt  }
0x46: {  	_ =	shalt  }
0x47: {  	_ =	shalt  }
0x48: {  	_ =	shalt  }
0x49: {  	_ =	shalt  }
0x4a: {  	_ =	shalt  }
0x4b: {  	_ =	shalt  }
0x4c: {  	_ =	shalt  }
0x4d: {  	_ =	shalt  }
0x4e: {  	_ =	shalt  }
0x4f: {  	_ =	shalt  }
0x50: {  	_ =	shalt  }
0x51: {  	_ =	shalt  }
0x52: {  	_ =	shalt  }
0x53: {  	_ =	shalt  }
0x54: {  	_ =	shalt  }
0x55: {  	_ =	shalt  }
0x56: {  	_ =	shalt  }
0x57: {  	_ =	shalt  }
0x58: {  	_ =	shalt  }
0x59: {  	_ =	shalt  }
0x5a: {  	_ =	shalt  }
0x5b: {  	_ =	shalt  }
0x5c: {  	_ =	shalt  }
0x5d: {  	_ =	shalt  }
0x5e: {  	_ =	shalt  }
0x5f: {  	_ =	shalt  }
0x60: {  	_ =	shalt  }
0x61: {  	_ =	shalt  }
0x62: {  	_ =	shalt  }
0x63: {  	_ =	shalt  }
0x64: {  	_ =	shalt  }
0x65: {  	_ =	shalt  }
0x66: {  	_ =	shalt  }
0x67: {  	_ =	shalt  }
0x68: {  	_ =	shalt  }
0x69: {  	_ =	shalt  }
0x6a: {  	_ =	shalt  }
0x6b: {  	_ =	shalt  }
0x6c: {  	_ =	shalt  }
0x6d: {  	_ =	shalt  }
0x6e: {  	_ =	shalt  }
0x6f: {  	_ =	shalt  }
0x70: {  	_ =	shalt  }
0x71: {  	_ =	shalt  }
0x72: {  	_ =	shalt  }
0x73: {  	_ =	shalt  }
0x74: {  	_ =	shalt  }
0x75: {  	_ =	shalt  }
0x76: {  	_ =	shalt  }
0x77: {  	_ =	shalt  }
0x78: {  	_ =	shalt  }
0x79: {  	_ =	shalt  }
0x7a: {  	_ =	shalt  }
0x7b: {  	_ =	shalt  }
0x7c: {  	_ =	shalt  }
0x7d: {  	_ =	shalt  }
0x7e: {  	_ =	shalt  }
0x7f: {  	_ =	shalt  }
0x80: {  	_ =	shalt  }
0x81: {  	_ =	shalt  }
0x82: {  	_ =	shalt  }
0x83: {  	_ =	shalt  }
0x84: {  	_ =	shalt  }
0x85: {  	_ =	shalt  }
0x86: {  	_ =	shalt  }
0x87: {  	_ =	shalt  }
.Lfunc_end0:
.L_simem_size_0:
called_computation.1_lowered:
.L_overlay_start_0:
0x88: {  	s2 =	sld [smem:$0x3FD9]  }
0x89: {  	s3 =	sld [smem:$0x3FFE];
	_ =	sdelay $0x1  }
0x8a: {  	s1 =	srdreg.scid  }
0x8b: {  	s0 =	sand.u32 $0x1, s1  }
0x8c: {  	s17 =	sshll.u32 s0, $0xA;
	s2 =	sadd.s32 s3, s2  }
0x8d: {  	s2 =	sadd.s32 s2, s17  }
0x8e: {  	[smem:$0x3FC6] =	sst s2  }
0x8f: {  	_ = 	snop  }
0x90: {  	s2 =	sld [smem:$0x3FD0];
	(tm) =	ssettm $0x1  }
0x91: {  	s18 =	sld [smem:$0x3FFB];
	_ =	sdelay $0x3  }
0x92: {  	_ =	strace s18  }
0x93: {  	s3 =	sld [smem:$0x3FFC];
	_ =	sdelay $0x3  }
0x94: {  	_ =	strace s3  }
0x95: {  	s3 =	sld [smem:$0x3FFD];
	_ =	sdelay $0x3  }
0x96: {  	_ =	strace s3  }
0x97: {  	_ =	strace $0x8FFFFFFF  }
0x98: {  	s19 =	sld [smem:$0x3FDB];
	_ =	sdelay $0x1  }
0x99: {  	s4 =	simm.s32 $_scs_section_size  }
0x9a: {  	s5 =	simm.s32 $_size__tile_overlayer_lowered;
	s6 =	simm.s32 $_tile_overlayer_lowered  }
0x9b: {  	s22 =	simm.s32 $0x1BFF;
	s21 =	sshll.u32 s6, $0x1;
	s3 =	sadd.s32 s4, s19  }
0x9c: {  	s7 =	simm.s32 $0x0;
	s20 =	sshll.u32 s5, $0x1;
	s5 =	sadd.s32 s21, s3  }
0x9d: {  	[timem:s7], [sflag:s22] =	dma.local [hbm:s5], s20  }
0x9e: {  	_ =	swait.ge [sflag:s22], s20  }
0x9f: {  	s4 =	ssub.s32 $0x0, s20;
	[sflag:s22] =	ssyncset.done $0x0  }
0xa0: {  	[sflag:s22] =	ssyncadd.s32 s4;
	_ =	sdelay $0x1  }
0xa1: {  	s23 =	simm.s32 $0x1B8B  }
0xa2: {  	_ =	swait.ge [sflag:s23], $0x1  }
0xa3: {  	[sflag:s23] =	ssyncset.done $0x0  }
0xa4: {  	s25 =	simm.s32 $0x1B8E;
	s24 =	sld [smem:$0x3FFE];
	[sflag:s23] =	ssyncadd.s32 $0xFFFFFFFF  }
0xa5: {  	s26 =	simm.s32 $execute0_lowered;
	[smem:$0x3FD2] =	sst s25  }
0xa6: {  	s5 =	sshll.u32 s26, $0x1;
	_ =	strace $0x80000046;
	[dreg:$0x1] =	wrdreg $0xFFFFFFFF  }
0xa7: {  	s28 =	simm.s32 $_size_execute0_lowered;
	s3 =	sadd.s32 s3, s5;
	[dreg:$0x0] =	wrdreg $0x0  }
0xa8: {  	s5 =	sshll.u32 s28, $0x1;
	[dreg:$0x2] =	wrdreg s3  }
0xa9: {  	[dreg:$0x3] =	wrdreg s5  }
0xaa: {  	[dreg:$0x4] =	wrdreg $0xC0  }
0xab: {  	_ =	task [dreg:s7], $0x5FFFF  }
0xac: {  	[dreg:$0x1] =	wrdreg $0xFFFFFFFF  }
0xad: {  	[dreg:$0x0] =	wrdreg $0x60  }
0xae: {  	[dreg:$0x2] =	wrdreg s24  }
0xaf: {  	[dreg:$0x3] =	wrdreg s2  }
0xb0: {  	[dreg:$0x4] =	wrdreg $0x9  }
0xb1: {  	_ =	task.clear_ibuf [dreg:s7], $0x5FFFF;
	_ =	strace $0x90000046  }
0xb2: {  	s29 =	simm.s32 $0x9;
	_ =	strace $0x80000048  }
0xb3: {  	_ =	swait.ge [sflag:s29], $0x1  }
0xb4: {  	[sflag:s29] =	ssyncadd.s32 $0xFFFFFFFF  }
0xb5: {  	_ =	strace $0x90000048  }
0xb6: {  	_ =	sfence  }
0xb7: {  	s30 =	sld [smem:$0x0];
	_ =	sdelay $0x2  }
0xb8: {  	s31 =	sshll.u32 s1, $0xD;
	s1 =	sshrl.u32 s1, $0x2  }
0xb9: {  	s3 =	sand.u32 $0x4000, s31;
	s1 =	sadd.s32 s1, s30  }
0xba: {  	s0 =	sor.u32 s3, s0;
	s1 =	sshll.u32 s1, $0x11  }
0xbb: {  	s0 =	sor.u32 s1, s0  }
0xbc: {  	s0 =	sadd.s32 $0x8F2B, s0  }
0xbd: {  	[sflag:s0] =	ssyncadd.remote.s32 $0x1  }
0xbe: {  	_ =	sfence.sel $0xFFFF  }
0xbf: {  	[dreg:$0x0] =	wrdreg $0xFFFFFFFF;
	(pc) =	sbr.abs _section_cstart, $3  }
0xc0: {  	[dreg:$0x1] =	wrdreg $0xFFFFFFFF  }
0xc1: {  	_ =	task.clear_ibuf [dreg:s7], $0x2FFFF;
	_ =	strace $0x9FFFFFFF  }
0xc2: {  	(tm) =	ssettm $0x7FFFFFFF  }
0xc3: {  	_ =	shalt  }
tec
execute0_lowered:
.L_overlay_start_1:
0x0: {  	(tag) =	ssettag $0x1  }
0x1: {  	s0 =	rddreg [dreg:$0x0]  }
0x2: {  	s1 =	rddreg [dreg:$0x1];
	s3 =	simm.s32 $0x0  }
0x3: {  	s2 =	srdreg.scid;
	s4 =	stileid.u32;
	s10 =	simm.s32 $0x4  }
0x4: {  	s11 =	simm.s32 $0x80;
	s12 =	simm.s32 $0x320;
	s22 =	simm.s32 $0x20  }
0x5: {  	s25 =	simm.s32 $0xCB20;
	s18 =	simm.s32 $0x1;
	s16 =	simm.s32 $0x2  }
0x6: {  	s28 =	simm.s32 $0x125C0;
	s29 =	simm.s32 $0x13240;
	s30 =	simm.s32 $0x13EC0  }
0x7: {  	s31 =	simm.s32 $0x14B40;
	s9 =	simm.s32 $0x170C0;
	s13 =	simm.s32 $0x17D40  }
0x8: {  	s14 =	simm.s32 $0x189C0;
	s15 =	simm.s32 $0x3;
	s19 =	simm.s32 $0x0  }
0x9: {  	[smem:$0x7FF] =	sst s3;
	s2 =	sand.u32 $0x1, s2;
	s5 =	sshll.u32 s4, $0x1  }
0xa: {  	s4 =	sadd.s32 $0xA00, s0;
	s8 =	sadd.s32 $0x190, s1;
	s6 =	ssub.s32 $0x2, s2  }
0xb: {  	_ =	strace $0x80000047;
	s2 =	sor.u32 s2, s5;
	s7 =	sshrl.u32 s6, $0x1  }
0xc: {  	s5 =	sadd.s32 $0xF42E00, s0;
	s26 =	ssub.s32 s6, s7;
	s6 =	smul.u32 $0x6400, s2  }
0xd: {  	s7 =	sshll.u32 s2, $0x9;
	s2 =	simm.s32 $0x16440;
	s0 =	smax.u32 s26, $0x1  }
0xe: {  	s26 =	simm.s32 $0xCE40;
	[dreg:$0x3] =	wrdreg s0;
	s0 =	simm.s32 $0x157C0  }
.LBB2_1:
0xf: {  	[dreg:$0x4] =	wrdreg s19;
	s17 =	simm.s32 $0x0  }
.LBB2_2:
0x10: {  	s19 =	smul.u32 $0x640, s17;
	_ =	sdelay $0x1  }
0x11: {  	s19 =	sadd.s32 s6, s19  }
0x12: {  	s19 =	sshrl.u32 s19, $0x3  }
0x13: {  	s20 =	simm.s32 $0x0;
	s19 =	sadd.s32 s4, s19  }
0x14: {  	[tilespmem:s20], [sflag:$0x4] =	stream.linear.gather [hbm4b:s19+s20], $0x320, $0x38;
	[tilespmem:$0x19640] =	vst v63  }
0x15: {  	_ =	swait.ge [sflag:s10], $0x320  }
0x16: {  	[sflag:s10] =	ssyncset.done $0x0  }
0x17: {  	[sflag:s10] =	ssyncadd.s32 $0xFFFFFCE0  }
0x18: {  	[tilespmem:s12], [sflag:$0x1] =	stream.indirect.gather [hbm4b:s5+s11], $0x40, s20, s11, $0xb8;
	[tilespmem:$0x19640] =	vst v63  }
0x19: {  	s23 =	simm.s32 $0x2320  }
0x1a: {  	[tilespmem:s23], [sflag:$0x1] =	stream.indirect.gather [hbm4b:s5+s11], $0x40, s11, s11, $0xb8;
	[tilespmem:$0x19640] =	vst v63  }
0x1b: {  	s24 =	simm.s32 $0x100;
	s21 =	simm.s32 $0x4320  }
0x1c: {  	[tilespmem:s21], [sflag:$0x1] =	stream.indirect.gather [hbm4b:s5+s11], $0x40, s24, s11, $0xb8;
	[tilespmem:$0x19640] =	vst v63  }
0x1d: {  	s19 =	sshllo.u32 s17, $0x1;
	s23 =	simm.s32 $0x180;
	s24 =	simm.s32 $0x6320  }
0x1e: {  	[tilespmem:s24], [sflag:$0x1] =	stream.indirect.gather [hbm4b:s5+s11], $0x40, s23, s11, $0xb8;
	[tilespmem:$0x19640] =	vst v63  }
0x1f: {  	s21 =	smul.u32 $0x320, s19;
	s23 =	simm.s32 $0x200;
	s24 =	simm.s32 $0x8320  }
0x20: {  	[tilespmem:s24], [sflag:$0x1] =	stream.indirect.gather [hbm4b:s5+s11], $0x40, s23, s11, $0xb8;
	[tilespmem:$0x19640] =	vst v63  }
0x21: {  	s21 =	sadd.s32 s6, s21;
	s23 =	simm.s32 $0x280;
	s24 =	simm.s32 $0xA320  }
0x22: {  	[tilespmem:s24], [sflag:$0x1] =	stream.indirect.gather [hbm4b:s5+s11], $0x40, s23, s11, $0xb8;
	[tilespmem:$0x19640] =	vst v63  }
0x23: {  	s21 =	sshrl.u32 s21, $0x3;
	s23 =	simm.s32 $0x300;
	s24 =	simm.s32 $0xC320  }
0x24: {  	[tilespmem:s24], [sflag:$0x1] =	stream.indirect.gather [hbm4b:s5+s22], $0x40, s23, s22, $0xb8;
	[tilespmem:$0x19640] =	vst v63  }
0x25: {  	s21 =	sadd.s32 s4, s21  }
0x26: {  	[tilespmem:s25], [sflag:$0x4] =	stream.linear.gather [hbm4b:s21+s20], $0x320, $0x38;
	[tilespmem:$0x19640] =	vst v63  }
0x27: {  	_ =	swait.ge [sflag:s10], $0x320  }
0x28: {  	[sflag:s10] =	ssyncset.done $0x0  }
0x29: {  	[sflag:s10] =	ssyncadd.s32 $0xFFFFFCE0  }
0x2a: {  	[tilespmem:s26], [sflag:$0x2] =	stream.indirect.gather [hbm4b:s5+s11], $0x40, s25, s11, $0xb8;
	[tilespmem:$0x19640] =	vst v63  }
0x2b: {  	s23 =	simm.s32 $0xCBA0;
	s24 =	simm.s32 $0xEE40  }
0x2c: {  	[tilespmem:s24], [sflag:$0x2] =	stream.indirect.gather [hbm4b:s5+s11], $0x40, s23, s11, $0xb8;
	[tilespmem:$0x19640] =	vst v63  }
0x2d: {  	s23 =	simm.s32 $0xCC20;
	s24 =	simm.s32 $0x10E40  }
0x2e: {  	[tilespmem:s24], [sflag:$0x2] =	stream.indirect.gather [hbm4b:s5+s11], $0x40, s23, s11, $0xb8;
	[tilespmem:$0x19640] =	vst v63  }
0x2f: {  	s23 =	simm.s32 $0xCCA0;
	s24 =	simm.s32 $0x12E40  }
0x30: {  	[tilespmem:s24], [sflag:$0x2] =	stream.indirect.gather [hbm4b:s5+s11], $0x40, s23, s11, $0xb8;
	[tilespmem:$0x19640] =	vst v63  }
0x31: {  	s23 =	simm.s32 $0xCD20;
	s24 =	simm.s32 $0x14E40  }
0x32: {  	[tilespmem:s24], [sflag:$0x2] =	stream.indirect.gather [hbm4b:s5+s11], $0x40, s23, s11, $0xb8;
	[tilespmem:$0x19640] =	vst v63  }
0x33: {  	s23 =	simm.s32 $0xCDA0;
	s24 =	simm.s32 $0x16E40  }
0x34: {  	[tilespmem:s24], [sflag:$0x2] =	stream.indirect.gather [hbm4b:s5+s11], $0x40, s23, s11, $0xb8;
	[tilespmem:$0x19640] =	vst v63  }
0x35: {  	s23 =	simm.s32 $0xCE20;
	s24 =	simm.s32 $0x18E40  }
0x36: {  	[tilespmem:s24], [sflag:$0x2] =	stream.indirect.gather [hbm4b:s5+s22], $0x40, s23, s22, $0xb8;
	[tilespmem:$0x19640] =	vst v63  }
0x37: {  	_ =	swait.ge [sflag:s18], $0x2000  }
0x38: {  	[sflag:s18] =	ssyncset.done $0x0  }
0x39: {  	[sflag:s18] =	ssyncadd.s32 $0xFFFFE000  }
0x3a: {  	_ =	swait.ge [sflag:s18], $0x2000  }
0x3b: {  	[sflag:s18] =	ssyncset.done $0x0  }
0x3c: {  	[sflag:s18] =	ssyncadd.s32 $0xFFFFE000  }
0x3d: {  	_ =	swait.ge [sflag:s18], $0x2000  }
0x3e: {  	[sflag:s18] =	ssyncset.done $0x0  }
0x3f: {  	[sflag:s18] =	ssyncadd.s32 $0xFFFFE000  }
0x40: {  	_ =	swait.ge [sflag:s18], $0x2000  }
0x41: {  	[sflag:s18] =	ssyncset.done $0x0  }
0x42: {  	[sflag:s18] =	ssyncadd.s32 $0xFFFFE000  }
0x43: {  	_ =	swait.ge [sflag:s18], $0x2000  }
0x44: {  	[sflag:s18] =	ssyncset.done $0x0  }
0x45: {  	[sflag:s18] =	ssyncadd.s32 $0xFFFFE000  }
0x46: {  	_ =	swait.ge [sflag:s18], $0x2000  }
0x47: {  	[sflag:s18] =	ssyncset.done $0x0  }
0x48: {  	[sflag:s18] =	ssyncadd.s32 $0xFFFFE000  }
0x49: {  	_ =	swait.ge [sflag:s18], $0x800  }
0x4a: {  	[sflag:s18] =	ssyncset.done $0x0  }
0x4b: {  	s20 =	simm.s32 $0x0;
	[sflag:s18] =	ssyncadd.s32 $0xFFFFF800  }
0x4c: {  	v0 =	vld [tilespmem:s20+$0x320]  }
0x4d: {  	v1 =	vld [tilespmem:s20+$0x330]  }
0x4e: {  	v2 =	vld [tilespmem:s20+$0x340]  }
0x4f: {  	v3 =	vld [tilespmem:s20+$0x350]  }
0x50: {  	v4 =	vld [tilespmem:s20+$0x360]  }
0x51: {  	v5 =	vld [tilespmem:s20+$0x370];
	v0 =	vmul.f32 $8.000000000e+00, v0  }
0x52: {  	v6 =	vld [tilespmem:s20+$0x380];
	v1 =	vmul.f32 $8.000000000e+00, v1  }
0x53: {  	v7 =	vld [tilespmem:s20+$0x390];
	[tilespmem:s20+$0x320] =	vst v0;
	v0 =	vmul.f32 $8.000000000e+00, v2  }
0x54: {  	v8 =	vld [tilespmem:s20+$0x3A0];
	[tilespmem:s20+$0x330] =	vst v1;
	v1 =	vmul.f32 $8.000000000e+00, v3  }
0x55: {  	v9 =	vld [tilespmem:s20+$0x3B0];
	[tilespmem:s20+$0x340] =	vst v0;
	v0 =	vmul.f32 $8.000000000e+00, v4  }
0x56: {  	v2 =	vmul.f32 $8.000000000e+00, v5;
	[tilespmem:s20+$0x350] =	vst v1;
	v1 =	vld [tilespmem:s20+$0x3C0]  }
0x57: {  	v3 =	vmul.f32 $8.000000000e+00, v6;
	[tilespmem:s20+$0x360] =	vst v0;
	v0 =	vld [tilespmem:s20+$0x3D0]  }
0x58: {  	[tilespmem:s20+$0x370] =	vst v2;
	v2 =	vld [tilespmem:s20+$0x3E0];
	v4 =	vmul.f32 $8.000000000e+00, v7  }
0x59: {  	v6 =	vmul.f32 $8.000000000e+00, v8;
	[tilespmem:s20+$0x380] =	vst v3;
	v3 =	vld [tilespmem:s20+$0x3F0]  }
0x5a: {  	s21 =	simm.s32 $0x400;
	v5 =	vmul.f32 $8.000000000e+00, v9;
	[tilespmem:s20+$0x390] =	vst v4;
	v4 =	vld [tilespmem:s20+$0x400]  }
.LBB2_3:
0x5b: {  	s23 =	sshra.s32 s21, $0x2;
	p0 =	sne.s32 s21, $0x31C00;
	[tilespmem:s20+$0x3A0] =	vst v6;
	v1 =	vmul.f32 $8.000000000e+00, v1;
	v6 =	vld [tilespmem:s20+$0x410]  }
0x5c: {  	v7 =	vld [tilespmem:s23+$0x320];
	[tilespmem:s20+$0x3B0] =	vst v5;
	v0 =	vmul.f32 $8.000000000e+00, v0  }
0x5d: {  	v5 =	vld [tilespmem:s23+$0x330];
	[tilespmem:s20+$0x3C0] =	vst v1;
	v1 =	vmul.f32 $8.000000000e+00, v2  }
0x5e: {  	v2 =	vld [tilespmem:s23+$0x340];
	[tilespmem:s20+$0x3D0] =	vst v0;
	v0 =	vmul.f32 $8.000000000e+00, v3  }
0x5f: {  	v3 =	vld [tilespmem:s23+$0x350];
	[tilespmem:s20+$0x3E0] =	vst v1;
	v1 =	vmul.f32 $8.000000000e+00, v4  }
0x60: {  	v4 =	vld [tilespmem:s23+$0x360];
	[tilespmem:s20+$0x3F0] =	vst v0;
	v0 =	vmul.f32 $8.000000000e+00, v6  }
0x61: {  	v6 =	vmul.f32 $8.000000000e+00, v7;
	v7 =	vld [tilespmem:s23+$0x370];
	[tilespmem:s20+$0x400] =	vst v1  }
0x62: {  	v1 =	vmul.f32 $8.000000000e+00, v5;
	v5 =	vld [tilespmem:s23+$0x380];
	[tilespmem:s20+$0x410] =	vst v0;
	s20 =	smov.u32 s23  }
0x63: {  	[tilespmem:s20+$0x320] =	vst v6;
	v0 =	vmul.f32 $8.000000000e+00, v2;
	v2 =	vld [tilespmem:s20+$0x390]  }
0x64: {  	[tilespmem:s20+$0x330] =	vst v1;
	v1 =	vmul.f32 $8.000000000e+00, v3;
	v3 =	vld [tilespmem:s20+$0x3A0]  }
0x65: {  	[tilespmem:s20+$0x340] =	vst v0;
	v0 =	vmul.f32 $8.000000000e+00, v4;
	v4 =	vld [tilespmem:s20+$0x3B0]  }
.Ltmp0:
0x66: {  	[tilespmem:s20+$0x350] =	vst v1;
	v6 =	vmul.f32 $8.000000000e+00, v7;
	v1 =	vld [tilespmem:s20+$0x3C0];
	(pc) =	sbr.rel @p0 .LBB2_3-.Ltmp0, $4  }
0x67: {  	[tilespmem:s20+$0x360] =	vst v0;
	v5 =	vmul.f32 $8.000000000e+00, v5;
	v0 =	vld [tilespmem:s20+$0x3D0]  }
0x68: {  	[tilespmem:s20+$0x370] =	vst v6;
	v7 =	vmul.f32 $8.000000000e+00, v2;
	v2 =	vld [tilespmem:s20+$0x3E0]  }
0x69: {  	[tilespmem:s20+$0x380] =	vst v5;
	v6 =	vmul.f32 $8.000000000e+00, v3;
	v3 =	vld [tilespmem:s20+$0x3F0]  }
0x6a: {  	s21 =	sadd.s32 $0x400, s21;
	[tilespmem:s20+$0x390] =	vst v7;
	v5 =	vmul.f32 $8.000000000e+00, v4;
	v4 =	vld [tilespmem:s20+$0x400]  }
0x6b: {  	[tilespmem:s20+$0x3A0] =	vst v6;
	v1 =	vmul.f32 $8.000000000e+00, v1;
	v6 =	vld [tilespmem:s20+$0x410]  }
0x6c: {  	[tilespmem:s20+$0x3B0] =	vst v5;
	v0 =	vmul.f32 $8.000000000e+00, v0  }
0x6d: {  	[tilespmem:s20+$0x3C0] =	vst v1;
	v1 =	vmul.f32 $8.000000000e+00, v2  }
0x6e: {  	s21 =	sshll.u32 s17, $0x5;
	[tilespmem:s20+$0x3D0] =	vst v0;
	v0 =	vmul.f32 $8.000000000e+00, v3  }
0x6f: {  	s21 =	sadd.s32 s7, s21;
	[tilespmem:s20+$0x3E0] =	vst v1;
	v1 =	vmul.f32 $8.000000000e+00, v4  }
0x70: {  	s23 =	smul.u32 $0x190, s21;
	[tilespmem:s20+$0x3F0] =	vst v0;
	v0 =	vmul.f32 $8.000000000e+00, v6  }
0x71: {  	[tilespmem:s20+$0x400] =	vst v1  }
0x72: {  	s24 =	simm.s32 $0x0;
	s21 =	smul.u32 $0xC80, s21;
	[tilespmem:s20+$0x410] =	vst v0;
	s20 =	sadd.s32 s1, s23  }
0x73: {  	[hbm4b:s20+s24] =	stream.linear.scatter [tilespmem:s12], [sflag:$0x3], $0xC80, $0x38;
	[tilespmem:$0x19640] =	vst v63  }
0x74: {  	s21 =	sshrl.u32 s21, $0x3;
	s20 =	sadd.s32 s23, s8;
	s23 =	simm.s32 $0xFA0  }
0x75: {  	[hbm4b:s20+s24] =	stream.linear.scatter [tilespmem:s23], [sflag:$0x3], $0xC80, $0x38;
	[tilespmem:$0x19640] =	vst v63  }
0x76: {  	s20 =	sadd.s32 s1, s21  }
0x77: {  	s23 =	simm.s32 $0x1C20;
	s21 =	sadd.s32 $0x320, s20  }
0x78: {  	[hbm4b:s21+s24] =	stream.linear.scatter [tilespmem:s23], [sflag:$0x3], $0xC80, $0x38;
	[tilespmem:$0x19640] =	vst v63  }
0x79: {  	s21 =	sadd.s32 $0x4B0, s20;
	s23 =	simm.s32 $0x28A0  }
0x7a: {  	[hbm4b:s21+s24] =	stream.linear.scatter [tilespmem:s23], [sflag:$0x3], $0xC80, $0x38;
	[tilespmem:$0x19640] =	vst v63  }
0x7b: {  	s21 =	sadd.s32 $0x640, s20;
	s23 =	simm.s32 $0x3520  }
0x7c: {  	[hbm4b:s21+s24] =	stream.linear.scatter [tilespmem:s23], [sflag:$0x3], $0xC80, $0x38;
	[tilespmem:$0x19640] =	vst v63  }
0x7d: {  	s21 =	sadd.s32 $0x7D0, s20;
	s23 =	simm.s32 $0x41A0  }
0x7e: {  	[hbm4b:s21+s24] =	stream.linear.scatter [tilespmem:s23], [sflag:$0x3], $0xC80, $0x38;
	[tilespmem:$0x19640] =	vst v63  }
0x7f: {  	s21 =	sadd.s32 $0x960, s20;
	s23 =	simm.s32 $0x4E20  }
0x80: {  	[hbm4b:s21+s24] =	stream.linear.scatter [tilespmem:s23], [sflag:$0x3], $0xC80, $0x38;
	[tilespmem:$0x19640] =	vst v63  }
0x81: {  	s21 =	sadd.s32 $0xAF0, s20;
	s23 =	simm.s32 $0x5AA0  }
0x82: {  	[hbm4b:s21+s24] =	stream.linear.scatter [tilespmem:s23], [sflag:$0x3], $0xC80, $0x38;
	[tilespmem:$0x19640] =	vst v63  }
0x83: {  	s21 =	sadd.s32 $0xC80, s20;
	s23 =	simm.s32 $0x6720  }
0x84: {  	[hbm4b:s21+s24] =	stream.linear.scatter [tilespmem:s23], [sflag:$0x3], $0xC80, $0x38;
	[tilespmem:$0x19640] =	vst v63  }
0x85: {  	s21 =	sadd.s32 $0xE10, s20;
	s23 =	simm.s32 $0x73A0  }
0x86: {  	[hbm4b:s21+s24] =	stream.linear.scatter [tilespmem:s23], [sflag:$0x3], $0xC80, $0x38;
	[tilespmem:$0x19640] =	vst v63  }
0x87: {  	s21 =	sadd.s32 $0xFA0, s20;
	s23 =	simm.s32 $0x8020  }
0x88: {  	[hbm4b:s21+s24] =	stream.linear.scatter [tilespmem:s23], [sflag:$0x3], $0xC80, $0x38;
	[tilespmem:$0x19640] =	vst v63  }
0x89: {  	s21 =	sadd.s32 $0x1130, s20;
	s23 =	simm.s32 $0x8CA0  }
0x8a: {  	[hbm4b:s21+s24] =	stream.linear.scatter [tilespmem:s23], [sflag:$0x3], $0xC80, $0x38;
	[tilespmem:$0x19640] =	vst v63  }
0x8b: {  	s21 =	sadd.s32 $0x12C0, s20;
	s23 =	simm.s32 $0x9920  }
0x8c: {  	[hbm4b:s21+s24] =	stream.linear.scatter [tilespmem:s23], [sflag:$0x3], $0xC80, $0x38;
	[tilespmem:$0x19640] =	vst v63  }
0x8d: {  	s21 =	sadd.s32 $0x1450, s20;
	s23 =	simm.s32 $0xA5A0  }
0x8e: {  	[hbm4b:s21+s24] =	stream.linear.scatter [tilespmem:s23], [sflag:$0x3], $0xC80, $0x38;
	[tilespmem:$0x19640] =	vst v63  }
0x8f: {  	s21 =	sadd.s32 $0x15E0, s20;
	s23 =	simm.s32 $0xB220  }
0x90: {  	[hbm4b:s21+s24] =	stream.linear.scatter [tilespmem:s23], [sflag:$0x3], $0xC80, $0x38;
	[tilespmem:$0x19640] =	vst v63  }
0x91: {  	s20 =	sadd.s32 $0x1770, s20;
	s23 =	simm.s32 $0xBEA0  }
0x92: {  	[hbm4b:s20+s24] =	stream.linear.scatter [tilespmem:s23], [sflag:$0x3], $0xC80, $0x38;
	[tilespmem:$0x19640] =	vst v63  }
0x93: {  	_ =	swait.ge [sflag:s16], $0x2000  }
0x94: {  	[sflag:s16] =	ssyncset.done $0x0  }
0x95: {  	[sflag:s16] =	ssyncadd.s32 $0xFFFFE000  }
0x96: {  	_ =	swait.ge [sflag:s16], $0x2000  }
0x97: {  	[sflag:s16] =	ssyncset.done $0x0  }
0x98: {  	[sflag:s16] =	ssyncadd.s32 $0xFFFFE000  }
0x99: {  	_ =	swait.ge [sflag:s16], $0x2000  }
0x9a: {  	[sflag:s16] =	ssyncset.done $0x0  }
0x9b: {  	[sflag:s16] =	ssyncadd.s32 $0xFFFFE000  }
0x9c: {  	_ =	swait.ge [sflag:s16], $0x2000  }
0x9d: {  	[sflag:s16] =	ssyncset.done $0x0  }
0x9e: {  	[sflag:s16] =	ssyncadd.s32 $0xFFFFE000  }
0x9f: {  	_ =	swait.ge [sflag:s16], $0x2000  }
0xa0: {  	[sflag:s16] =	ssyncset.done $0x0  }
0xa1: {  	[sflag:s16] =	ssyncadd.s32 $0xFFFFE000  }
0xa2: {  	_ =	swait.ge [sflag:s16], $0x2000  }
0xa3: {  	[sflag:s16] =	ssyncset.done $0x0  }
0xa4: {  	[sflag:s16] =	ssyncadd.s32 $0xFFFFE000  }
0xa5: {  	_ =	swait.ge [sflag:s16], $0x800  }
0xa6: {  	[sflag:s16] =	ssyncset.done $0x0  }
0xa7: {  	s20 =	simm.s32 $0x0;
	[sflag:s16] =	ssyncadd.s32 $0xFFFFF800  }
0xa8: {  	v0 =	vld [tilespmem:s20+$0xCE40]  }
0xa9: {  	v1 =	vld [tilespmem:s20+$0xCE50]  }
0xaa: {  	v2 =	vld [tilespmem:s20+$0xCE60]  }
0xab: {  	v3 =	vld [tilespmem:s20+$0xCE70]  }
0xac: {  	v4 =	vld [tilespmem:s20+$0xCE80]  }
0xad: {  	v5 =	vld [tilespmem:s20+$0xCE90];
	v0 =	vmul.f32 $8.000000000e+00, v0  }
0xae: {  	v6 =	vld [tilespmem:s20+$0xCEA0];
	v1 =	vmul.f32 $8.000000000e+00, v1  }
0xaf: {  	v7 =	vld [tilespmem:s20+$0xCEB0];
	[tilespmem:s20+$0xCE40] =	vst v0;
	v0 =	vmul.f32 $8.000000000e+00, v2  }
0xb0: {  	v8 =	vld [tilespmem:s20+$0xCEC0];
	[tilespmem:s20+$0xCE50] =	vst v1;
	v1 =	vmul.f32 $8.000000000e+00, v3  }
0xb1: {  	v9 =	vld [tilespmem:s20+$0xCED0];
	[tilespmem:s20+$0xCE60] =	vst v0;
	v0 =	vmul.f32 $8.000000000e+00, v4  }
0xb2: {  	v2 =	vmul.f32 $8.000000000e+00, v5;
	[tilespmem:s20+$0xCE70] =	vst v1;
	v1 =	vld [tilespmem:s20+$0xCEE0]  }
0xb3: {  	v3 =	vmul.f32 $8.000000000e+00, v6;
	[tilespmem:s20+$0xCE80] =	vst v0;
	v0 =	vld [tilespmem:s20+$0xCEF0]  }
0xb4: {  	[tilespmem:s20+$0xCE90] =	vst v2;
	v2 =	vld [tilespmem:s20+$0xCF00];
	v4 =	vmul.f32 $8.000000000e+00, v7  }
0xb5: {  	v6 =	vmul.f32 $8.000000000e+00, v8;
	[tilespmem:s20+$0xCEA0] =	vst v3;
	v3 =	vld [tilespmem:s20+$0xCF10]  }
0xb6: {  	s21 =	simm.s32 $0x400;
	v5 =	vmul.f32 $8.000000000e+00, v9;
	[tilespmem:s20+$0xCEB0] =	vst v4;
	v4 =	vld [tilespmem:s20+$0xCF20]  }
.LBB2_5:
0xb7: {  	s23 =	sshra.s32 s21, $0x2;
	p0 =	sne.s32 s21, $0x31C00;
	[tilespmem:s20+$0xCEC0] =	vst v6;
	v1 =	vmul.f32 $8.000000000e+00, v1;
	v6 =	vld [tilespmem:s20+$0xCF30]  }
0xb8: {  	v7 =	vld [tilespmem:s23+$0xCE40];
	[tilespmem:s20+$0xCED0] =	vst v5;
	v0 =	vmul.f32 $8.000000000e+00, v0  }
0xb9: {  	v5 =	vld [tilespmem:s23+$0xCE50];
	[tilespmem:s20+$0xCEE0] =	vst v1;
	v1 =	vmul.f32 $8.000000000e+00, v2  }
0xba: {  	v2 =	vld [tilespmem:s23+$0xCE60];
	[tilespmem:s20+$0xCEF0] =	vst v0;
	v0 =	vmul.f32 $8.000000000e+00, v3  }
0xbb: {  	v3 =	vld [tilespmem:s23+$0xCE70];
	[tilespmem:s20+$0xCF00] =	vst v1;
	v1 =	vmul.f32 $8.000000000e+00, v4  }
0xbc: {  	v4 =	vld [tilespmem:s23+$0xCE80];
	[tilespmem:s20+$0xCF10] =	vst v0;
	v0 =	vmul.f32 $8.000000000e+00, v6  }
0xbd: {  	v6 =	vmul.f32 $8.000000000e+00, v7;
	v7 =	vld [tilespmem:s23+$0xCE90];
	[tilespmem:s20+$0xCF20] =	vst v1  }
0xbe: {  	v1 =	vmul.f32 $8.000000000e+00, v5;
	v5 =	vld [tilespmem:s23+$0xCEA0];
	[tilespmem:s20+$0xCF30] =	vst v0;
	s20 =	smov.u32 s23  }
0xbf: {  	[tilespmem:s20+$0xCE40] =	vst v6;
	v0 =	vmul.f32 $8.000000000e+00, v2;
	v2 =	vld [tilespmem:s20+$0xCEB0]  }
0xc0: {  	[tilespmem:s20+$0xCE50] =	vst v1;
	v1 =	vmul.f32 $8.000000000e+00, v3;
	v3 =	vld [tilespmem:s20+$0xCEC0]  }
0xc1: {  	[tilespmem:s20+$0xCE60] =	vst v0;
	v0 =	vmul.f32 $8.000000000e+00, v4;
	v4 =	vld [tilespmem:s20+$0xCED0]  }
.Ltmp1:
0xc2: {  	[tilespmem:s20+$0xCE70] =	vst v1;
	v6 =	vmul.f32 $8.000000000e+00, v7;
	v1 =	vld [tilespmem:s20+$0xCEE0];
	(pc) =	sbr.rel @p0 .LBB2_5-.Ltmp1, $4  }
0xc3: {  	[tilespmem:s20+$0xCE80] =	vst v0;
	v5 =	vmul.f32 $8.000000000e+00, v5;
	v0 =	vld [tilespmem:s20+$0xCEF0]  }
0xc4: {  	[tilespmem:s20+$0xCE90] =	vst v6;
	v7 =	vmul.f32 $8.000000000e+00, v2;
	v2 =	vld [tilespmem:s20+$0xCF00]  }
0xc5: {  	[tilespmem:s20+$0xCEA0] =	vst v5;
	v6 =	vmul.f32 $8.000000000e+00, v3;
	v3 =	vld [tilespmem:s20+$0xCF10]  }
0xc6: {  	s21 =	sadd.s32 $0x400, s21;
	[tilespmem:s20+$0xCEB0] =	vst v7;
	v5 =	vmul.f32 $8.000000000e+00, v4;
	v4 =	vld [tilespmem:s20+$0xCF20]  }
0xc7: {  	[tilespmem:s20+$0xCEC0] =	vst v6;
	v1 =	vmul.f32 $8.000000000e+00, v1;
	v59 =	vld [tilespmem:s20+$0xCF30]  }
0xc8: {  	s19 =	sshll.u32 s19, $0x4;
	[tilespmem:s20+$0xCED0] =	vst v5;
	v0 =	vmul.f32 $8.000000000e+00, v0  }
0xc9: {  	s19 =	sadd.s32 s7, s19;
	[tilespmem:s20+$0xCEE0] =	vst v1;
	v60 =	vmul.f32 $8.000000000e+00, v2  }
0xca: {  	s21 =	smul.u32 $0x190, s19;
	[tilespmem:s20+$0xCEF0] =	vst v0;
	v61 =	vmul.f32 $8.000000000e+00, v3  }
0xcb: {  	s19 =	smul.u32 $0xC80, s19;
	[tilespmem:s20+$0xCF00] =	vst v60;
	v62 =	vmul.f32 $8.000000000e+00, v4  }
0xcc: {  	[tilespmem:s20+$0xCF10] =	vst v61;
	v63 =	vmul.f32 $8.000000000e+00, v59  }
0xcd: {  	s19 =	sshrl.u32 s19, $0x3;
	[tilespmem:s20+$0xCF20] =	vst v62  }
0xce: {  	s21 =	sadd.s32 s1, s21;
	s19 =	sadd.s32 s1, s19;
	[tilespmem:s20+$0xCF30] =	vst v63  }
0xcf: {  	[hbm4b:s21+s3] =	stream.linear.scatter [tilespmem:s26], [sflag:$0x3], $0xC80, $0x38;
	[tilespmem:$0x19640] =	vst v63  }
0xd0: {  	s24 =	simm.s32 $0xDAC0;
	s23 =	sadd.s32 $0x190, s19  }
0xd1: {  	[hbm4b:s23+s3] =	stream.linear.scatter [tilespmem:s24], [sflag:$0x3], $0xC80, $0x38;
	[tilespmem:$0x19640] =	vst v63  }
0xd2: {  	s23 =	sadd.s32 $0x320, s19;
	s24 =	simm.s32 $0xE740  }
0xd3: {  	[hbm4b:s23+s3] =	stream.linear.scatter [tilespmem:s24], [sflag:$0x3], $0xC80, $0x38;
	[tilespmem:$0x19640] =	vst v63  }
0xd4: {  	s23 =	sadd.s32 $0x4B0, s19;
	s24 =	simm.s32 $0xF3C0  }
0xd5: {  	[hbm4b:s23+s3] =	stream.linear.scatter [tilespmem:s24], [sflag:$0x3], $0xC80, $0x38;
	[tilespmem:$0x19640] =	vst v63  }
0xd6: {  	s23 =	sadd.s32 $0x640, s19;
	s24 =	simm.s32 $0x10040  }
0xd7: {  	[hbm4b:s23+s3] =	stream.linear.scatter [tilespmem:s24], [sflag:$0x3], $0xC80, $0x38;
	[tilespmem:$0x19640] =	vst v63  }
0xd8: {  	s23 =	sadd.s32 $0x7D0, s19;
	s24 =	simm.s32 $0x10CC0  }
0xd9: {  	[hbm4b:s23+s3] =	stream.linear.scatter [tilespmem:s24], [sflag:$0x3], $0xC80, $0x38;
	[tilespmem:$0x19640] =	vst v63  }
0xda: {  	s23 =	sadd.s32 $0x960, s19;
	s24 =	simm.s32 $0x11940  }
0xdb: {  	[hbm4b:s23+s3] =	stream.linear.scatter [tilespmem:s24], [sflag:$0x3], $0xC80, $0x38;
	[tilespmem:$0x19640] =	vst v63  }
0xdc: {  	s23 =	sadd.s32 $0xAF0, s19  }
0xdd: {  	[hbm4b:s23+s3] =	stream.linear.scatter [tilespmem:s28], [sflag:$0x3], $0xC80, $0x38;
	[tilespmem:$0x19640] =	vst v63  }
0xde: {  	s24 =	sadd.s32 $0xC80, s19  }
0xdf: {  	[hbm4b:s24+s3] =	stream.linear.scatter [tilespmem:s29], [sflag:$0x3], $0xC80, $0x38;
	[tilespmem:$0x19640] =	vst v63  }
0xe0: {  	s21 =	sadd.s32 $0xE10, s19  }
0xe1: {  	[hbm4b:s21+s3] =	stream.linear.scatter [tilespmem:s30], [sflag:$0x3], $0xC80, $0x38;
	[tilespmem:$0x19640] =	vst v63  }
0xe2: {  	s23 =	sadd.s32 $0xFA0, s19  }
0xe3: {  	[hbm4b:s23+s3] =	stream.linear.scatter [tilespmem:s31], [sflag:$0x3], $0xC80, $0x38;
	[tilespmem:$0x19640] =	vst v63  }
0xe4: {  	s24 =	sadd.s32 $0x1130, s19  }
0xe5: {  	[hbm4b:s24+s3] =	stream.linear.scatter [tilespmem:s0], [sflag:$0x3], $0xC80, $0x38;
	[tilespmem:$0x19640] =	vst v63  }
0xe6: {  	s21 =	sadd.s32 $0x12C0, s19  }
0xe7: {  	[hbm4b:s21+s3] =	stream.linear.scatter [tilespmem:s2], [sflag:$0x3], $0xC80, $0x38;
	[tilespmem:$0x19640] =	vst v63  }
0xe8: {  	s23 =	sadd.s32 $0x1450, s19  }
0xe9: {  	[hbm4b:s23+s3] =	stream.linear.scatter [tilespmem:s9], [sflag:$0x3], $0xC80, $0x38;
	[tilespmem:$0x19640] =	vst v63  }
0xea: {  	s24 =	sadd.s32 $0x15E0, s19  }
0xeb: {  	[hbm4b:s24+s3] =	stream.linear.scatter [tilespmem:s13], [sflag:$0x3], $0xC80, $0x38;
	[tilespmem:$0x19640] =	vst v63  }
0xec: {  	s19 =	sadd.s32 $0x1770, s19  }
0xed: {  	[hbm4b:s19+s3] =	stream.linear.scatter [tilespmem:s14], [sflag:$0x3], $0xC80, $0x38;
	[tilespmem:$0x19640] =	vst v63  }
0xee: {  	_ =	swait.ge [sflag:s15], $0xC80  }
0xef: {  	[sflag:s15] =	ssyncset.done $0x0  }
0xf0: {  	[sflag:s15] =	ssyncadd.s32 $0xFFFFF380  }
0xf1: {  	_ =	swait.ge [sflag:s15], $0xC80  }
0xf2: {  	[sflag:s15] =	ssyncset.done $0x0  }
0xf3: {  	[sflag:s15] =	ssyncadd.s32 $0xFFFFF380  }
0xf4: {  	_ =	swait.ge [sflag:s15], $0xC80  }
0xf5: {  	[sflag:s15] =	ssyncset.done $0x0  }
0xf6: {  	[sflag:s15] =	ssyncadd.s32 $0xFFFFF380  }
0xf7: {  	_ =	swait.ge [sflag:s15], $0xC80  }
0xf8: {  	[sflag:s15] =	ssyncset.done $0x0  }
0xf9: {  	[sflag:s15] =	ssyncadd.s32 $0xFFFFF380  }
0xfa: {  	_ =	swait.ge [sflag:s15], $0xC80  }
0xfb: {  	[sflag:s15] =	ssyncset.done $0x0  }
0xfc: {  	[sflag:s15] =	ssyncadd.s32 $0xFFFFF380  }
0xfd: {  	_ =	swait.ge [sflag:s15], $0xC80  }
0xfe: {  	[sflag:s15] =	ssyncset.done $0x0  }
0xff: {  	[sflag:s15] =	ssyncadd.s32 $0xFFFFF380  }
0x100: {  	_ =	swait.ge [sflag:s15], $0xC80  }
0x101: {  	[sflag:s15] =	ssyncset.done $0x0  }
0x102: {  	[sflag:s15] =	ssyncadd.s32 $0xFFFFF380  }
0x103: {  	_ =	swait.ge [sflag:s15], $0xC80  }
0x104: {  	[sflag:s15] =	ssyncset.done $0x0  }
0x105: {  	[sflag:s15] =	ssyncadd.s32 $0xFFFFF380  }
0x106: {  	_ =	swait.ge [sflag:s15], $0xC80  }
0x107: {  	[sflag:s15] =	ssyncset.done $0x0  }
0x108: {  	[sflag:s15] =	ssyncadd.s32 $0xFFFFF380  }
0x109: {  	_ =	swait.ge [sflag:s15], $0xC80  }
0x10a: {  	[sflag:s15] =	ssyncset.done $0x0  }
0x10b: {  	[sflag:s15] =	ssyncadd.s32 $0xFFFFF380  }
0x10c: {  	_ =	swait.ge [sflag:s15], $0xC80  }
0x10d: {  	[sflag:s15] =	ssyncset.done $0x0  }
0x10e: {  	[sflag:s15] =	ssyncadd.s32 $0xFFFFF380  }
0x10f: {  	_ =	swait.ge [sflag:s15], $0xC80  }
0x110: {  	[sflag:s15] =	ssyncset.done $0x0  }
0x111: {  	[sflag:s15] =	ssyncadd.s32 $0xFFFFF380  }
0x112: {  	_ =	swait.ge [sflag:s15], $0xC80  }
0x113: {  	[sflag:s15] =	ssyncset.done $0x0  }
0x114: {  	[sflag:s15] =	ssyncadd.s32 $0xFFFFF380  }
0x115: {  	_ =	swait.ge [sflag:s15], $0xC80  }
0x116: {  	[sflag:s15] =	ssyncset.done $0x0  }
0x117: {  	[sflag:s15] =	ssyncadd.s32 $0xFFFFF380  }
0x118: {  	_ =	swait.ge [sflag:s15], $0xC80  }
0x119: {  	[sflag:s15] =	ssyncset.done $0x0  }
0x11a: {  	[sflag:s15] =	ssyncadd.s32 $0xFFFFF380  }
0x11b: {  	_ =	swait.ge [sflag:s15], $0xC80  }
0x11c: {  	[sflag:s15] =	ssyncset.done $0x0  }
0x11d: {  	[sflag:s15] =	ssyncadd.s32 $0xFFFFF380  }
0x11e: {  	_ =	swait.ge [sflag:s15], $0xC80  }
0x11f: {  	[sflag:s15] =	ssyncset.done $0x0  }
0x120: {  	[sflag:s15] =	ssyncadd.s32 $0xFFFFF380  }
0x121: {  	_ =	swait.ge [sflag:s15], $0xC80  }
0x122: {  	[sflag:s15] =	ssyncset.done $0x0  }
0x123: {  	[sflag:s15] =	ssyncadd.s32 $0xFFFFF380  }
0x124: {  	_ =	swait.ge [sflag:s15], $0xC80  }
0x125: {  	[sflag:s15] =	ssyncset.done $0x0  }
0x126: {  	[sflag:s15] =	ssyncadd.s32 $0xFFFFF380  }
0x127: {  	_ =	swait.ge [sflag:s15], $0xC80  }
0x128: {  	[sflag:s15] =	ssyncset.done $0x0  }
0x129: {  	[sflag:s15] =	ssyncadd.s32 $0xFFFFF380  }
0x12a: {  	_ =	swait.ge [sflag:s15], $0xC80  }
0x12b: {  	[sflag:s15] =	ssyncset.done $0x0  }
0x12c: {  	[sflag:s15] =	ssyncadd.s32 $0xFFFFF380  }
0x12d: {  	_ =	swait.ge [sflag:s15], $0xC80  }
0x12e: {  	[sflag:s15] =	ssyncset.done $0x0  }
0x12f: {  	[sflag:s15] =	ssyncadd.s32 $0xFFFFF380  }
0x130: {  	_ =	swait.ge [sflag:s15], $0xC80  }
0x131: {  	[sflag:s15] =	ssyncset.done $0x0  }
0x132: {  	[sflag:s15] =	ssyncadd.s32 $0xFFFFF380  }
0x133: {  	_ =	swait.ge [sflag:s15], $0xC80  }
0x134: {  	[sflag:s15] =	ssyncset.done $0x0  }
0x135: {  	[sflag:s15] =	ssyncadd.s32 $0xFFFFF380  }
0x136: {  	_ =	swait.ge [sflag:s15], $0xC80  }
0x137: {  	[sflag:s15] =	ssyncset.done $0x0  }
0x138: {  	[sflag:s15] =	ssyncadd.s32 $0xFFFFF380  }
0x139: {  	_ =	swait.ge [sflag:s15], $0xC80  }
0x13a: {  	[sflag:s15] =	ssyncset.done $0x0  }
0x13b: {  	[sflag:s15] =	ssyncadd.s32 $0xFFFFF380  }
0x13c: {  	_ =	swait.ge [sflag:s15], $0xC80  }
0x13d: {  	[sflag:s15] =	ssyncset.done $0x0  }
0x13e: {  	[sflag:s15] =	ssyncadd.s32 $0xFFFFF380  }
0x13f: {  	_ =	swait.ge [sflag:s15], $0xC80  }
0x140: {  	[sflag:s15] =	ssyncset.done $0x0  }
0x141: {  	[sflag:s15] =	ssyncadd.s32 $0xFFFFF380  }
0x142: {  	_ =	swait.ge [sflag:s15], $0xC80  }
0x143: {  	[sflag:s15] =	ssyncset.done $0x0  }
0x144: {  	[sflag:s15] =	ssyncadd.s32 $0xFFFFF380  }
0x145: {  	_ =	swait.ge [sflag:s15], $0xC80  }
0x146: {  	[sflag:s15] =	ssyncset.done $0x0  }
0x147: {  	s17 =	sadd.s32 $0x1, s17;
	[sflag:s15] =	ssyncadd.s32 $0xFFFFF380  }
0x148: {  	p0 =	sne.s32 s17, $0x10;
	_ =	swait.ge [sflag:s15], $0xC80  }
.Ltmp2:
0x149: {  	[sflag:s15] =	ssyncset.done $0x0;
	(pc) =	sbr.rel @p0 .LBB2_2-.Ltmp2, $4  }
0x14a: {  	[sflag:s15] =	ssyncadd.s32 $0xFFFFF380  }
0x14b: {  	_ =	swait.ge [sflag:s15], $0xC80  }
0x14c: {  	[sflag:s15] =	ssyncset.done $0x0  }
0x14d: {  	[sflag:s15] =	ssyncadd.s32 $0xFFFFF380  }
0x14e: {  	s19 =	rddreg [dreg:$0x4]  }
0x14f: {  	s17 =	rddreg [dreg:$0x3];
	s19 =	sadd.s32 $0x1, s19  }
0x150: {  	p0 =	sne.s32 s19, s17  }
.Ltmp3:
0x151: {  	_ = 	snop;
	(pc) =	sbr.rel @p0 .LBB2_1-.Ltmp3, $1  }
0x152: {  	_ =	sdelay $0x3  }
0x153: {  	_ =	sfence.sel $0x180000  }
0x154: {  	[bflag:$0x0] =	sbarrier.arrive $0xFFFF  }
0x155: {  	_ =	strace $0x90000047  }
0x156: {  	s0 =	stileid.u32;
	[bflag:$0x2] =	sbarrier.arrive $0xFFFF  }
0x157: {  	p0 =	sne.s32 s0, $0x0;
	s0 =	rddreg [dreg:$0x2]  }
0x158: {  	s0 =	sadd.s32 @!p0 $0x100000, s0  }
0x159: {  	[sflag:s0] =	ssyncadd.tile.s32 @!p0 $0x1;
	_ =	shalt  }
.Lfunc_end2:
_tile_overlayer_lowered:
.L_overlay_start_2:
0x15a: {  	(tag) =	ssettag $0x2  }
0x15b: {  	s0 =	rddreg [dreg:$0x0];
	s2 =	stileid.u32  }
0x15c: {  	s1 =	rddreg [dreg:$0x1];
	p0 =	sne.s32 s2, $0x0  }
0x15d: {  	s3 =	rddreg [dreg:$0x2];
	[bflag:$0x3] =	sbarrier.arrive $0xFFFF;
	s2 =	simm.s32 @!p0 $0x1C04  }
0x15e: {  	[timem:s3], [sflag:s2] =	dma.local @!p0 [hbm:s0], s1  }
0x15f: {  	s0 =	simm.s32 @!p0 $0x4  }
0x160: {  	_ =	swait.ge @!p0 [sflag:s0], s1  }
0x161: {  	s1 =	ssub.s32 @!p0 $0x0, s1;
	[sflag:s0] =	ssyncset.done @!p0 $0x0  }
0x162: {  	[sflag:s0] =	ssyncadd.s32 @!p0 s1  }
0x163: {  	[bflag:$0x3] =	sbarrier.arrive $0xFFFF  }
0x164: {  	_ =	shalt  }

// kernel: sparse-core-data-format-call.cloned.1.call-start
scs
called_computation_lowered:
.L_overlay_start_0:
0x0: {  	s2 =	sld [smem:$0x3FD9]  }
0x1: {  	s3 =	sld [smem:$0x3FFE];
	_ =	sdelay $0x1  }
0x2: {  	s1 =	srdreg.scid  }
0x3: {  	s0 =	sand.u32 $0x1, s1  }
0x4: {  	s18 =	sshll.u32 s0, $0xA;
	s2 =	sadd.s32 s3, s2  }
0x5: {  	s2 =	sadd.s32 s2, s18  }
0x6: {  	[smem:$0x3FC6] =	sst s2  }
0x7: {  	_ = 	snop  }
0x8: {  	s2 =	sld [smem:$0x3FD0];
	(tm) =	ssettm $0x1  }
0x9: {  	s19 =	sld [smem:$0x3FFB];
	_ =	sdelay $0x3  }
0xa: {  	_ =	strace s19  }
0xb: {  	s3 =	sld [smem:$0x3FFC];
	_ =	sdelay $0x3  }
0xc: {  	_ =	strace s3  }
0xd: {  	s3 =	sld [smem:$0x3FFD];
	_ =	sdelay $0x3  }
0xe: {  	_ =	strace s3  }
0xf: {  	_ =	strace $0x8FFFFFFF  }
0x10: {  	s20 =	sld [smem:$0x3FDB];
	_ =	sdelay $0x1  }
0x11: {  	s4 =	simm.s32 $_scs_section_size  }
0x12: {  	s5 =	simm.s32 $_size__tile_overlayer_lowered;
	s6 =	simm.s32 $_tile_overlayer_lowered  }
0x13: {  	s23 =	simm.s32 $0x1BFF;
	s22 =	sshll.u32 s6, $0x1;
	s3 =	sadd.s32 s4, s20  }
0x14: {  	s7 =	simm.s32 $0x0;
	s21 =	sshll.u32 s5, $0x1;
	s5 =	sadd.s32 s22, s3  }
0x15: {  	[timem:s7], [sflag:s23] =	dma.local [hbm:s5], s21  }
0x16: {  	_ =	swait.ge [sflag:s23], s21  }
0x17: {  	s4 =	ssub.s32 $0x0, s21;
	[sflag:s23] =	ssyncset.done $0x0  }
0x18: {  	[sflag:s23] =	ssyncadd.s32 s4;
	_ =	sdelay $0x1  }
0x19: {  	s24 =	simm.s32 $0x1B8B  }
0x1a: {  	_ =	swait.ge [sflag:s24], $0x1  }
0x1b: {  	[sflag:s24] =	ssyncset.done $0x0  }
0x1c: {  	s26 =	simm.s32 $0x1B8E;
	s25 =	sld [smem:$0x3FFE];
	[sflag:s24] =	ssyncadd.s32 $0xFFFFFFFF  }
0x1d: {  	s27 =	simm.s32 $execute0_lowered;
	[smem:$0x3FD2] =	sst s26  }
0x1e: {  	s5 =	sshll.u32 s27, $0x1;
	_ =	strace $0x80000049;
	[dreg:$0x1] =	wrdreg $0xFFFFFFFF  }
0x1f: {  	s28 =	simm.s32 $_size_execute0_lowered;
	s3 =	sadd.s32 s3, s5;
	[dreg:$0x0] =	wrdreg $0x0  }
0x20: {  	s5 =	sshll.u32 s28, $0x1;
	[dreg:$0x2] =	wrdreg s3  }
0x21: {  	[dreg:$0x3] =	wrdreg s5  }
0x22: {  	[dreg:$0x4] =	wrdreg $0xC0  }
0x23: {  	_ =	task [dreg:s7], $0x5FFFF  }
0x24: {  	[dreg:$0x1] =	wrdreg $0xFFFFFFFF  }
0x25: {  	[dreg:$0x0] =	wrdreg $0x60  }
0x26: {  	[dreg:$0x2] =	wrdreg s25  }
0x27: {  	[dreg:$0x3] =	wrdreg s2  }
0x28: {  	[dreg:$0x4] =	wrdreg $0x9  }
0x29: {  	_ =	task.clear_ibuf [dreg:s7], $0x5FFFF;
	_ =	strace $0x90000049  }
0x2a: {  	s29 =	simm.s32 $0x9;
	_ =	strace $0x8000004B  }
0x2b: {  	_ =	swait.ge [sflag:s29], $0x1  }
0x2c: {  	[sflag:s29] =	ssyncadd.s32 $0xFFFFFFFF  }
0x2d: {  	_ =	strace $0x9000004B  }
0x2e: {  	_ =	sfence  }
0x2f: {  	s30 =	sld [smem:$0x0];
	_ =	sdelay $0x2  }
0x30: {  	s31 =	sshll.u32 s1, $0xD;
	s1 =	sshrl.u32 s1, $0x2  }
0x31: {  	s3 =	sand.u32 $0x4000, s31;
	s1 =	sadd.s32 s1, s30  }
0x32: {  	s0 =	sor.u32 s3, s0;
	s1 =	sshll.u32 s1, $0x11  }
0x33: {  	s0 =	sor.u32 s1, s0  }
0x34: {  	s0 =	sadd.s32 $0x8F2B, s0  }
0x35: {  	[sflag:s0] =	ssyncadd.remote.s32 $0x1  }
0x36: {  	_ =	sfence.sel $0xFFFF  }
0x37: {  	[dreg:$0x0] =	wrdreg $0xFFFFFFFF;
	(pc) =	sbr.abs _section_cstart, $3  }
0x38: {  	[dreg:$0x1] =	wrdreg $0xFFFFFFFF  }
0x39: {  	_ =	task.clear_ibuf [dreg:s7], $0x2FFFF;
	_ =	strace $0x9FFFFFFF  }
0x3a: {  	(tm) =	ssettm $0x7FFFFFFF  }
0x3b: {  	_ =	shalt  }
tec
execute0_lowered:
.L_overlay_start_1:
0x0: {  	(tag) =	ssettag $0x1  }
0x1: {  	s0 =	srdreg.scid  }
0x2: {  	s1 =	sshll.u32 s0, $0x4  }
0x3: {  	s0 =	stileid.u32;
	s1 =	sand.u32 $0x10, s1  }
0x4: {  	s1 =	sor.u32 s0, s1  }
0x5: {  	s6 =	rddreg [dreg:$0x0];
	s4 =	simm.s32 $0x1;
	s2 =	sshll.u32 s1, $0x7  }
0x6: {  	s7 =	simm.s32 $0x2;
	s12 =	simm.s32 $0x0;
	s1 =	ssub.s32 $0x4000, s2  }
0x7: {  	s8 =	simm.s32 $0x20000;
	s13 =	simm.s32 $0x0;
	s3 =	sand.u32 $0xF80, s1  }
0x8: {  	s9 =	simm.s32 $0x0;
	s5 =	sshrl.u32 s1, $0xC;
	p0 =	sne.s32 s3, $0x0  }
.Ltmp0:
0x9: {  	s1 =	rddreg [dreg:$0x2];
	s4 =	simm.s32 @!p0 $0x0;
	(pc) =	sbr.rel .LBB1_1-.Ltmp0, $4  }
0xa: {  	s11 =	simm.s32 $0x0;
	s3 =	rddreg [dreg:$0x1];
	s5 =	sadd.s32 s4, s5  }
0xb: {  	_ =	strace $0x8000004A;
	s4 =	simm.s32 $0x1;
	s5 =	smul.u32 $0x32, s5  }
0xc: {  	s6 =	sadd.s32 $0xA00, s6;
	s10 =	smov.u32 s2;
	[sflag:s4] =	ssyncpa.u1 $0x0  }
0xd: {  	p0 =	por $0x0, $0x0;
	[sflag:s7] =	ssyncpa.u1 $0x0;
	s7 =	sor.u32 $0x1, s5  }
.LBB1_4:
0xe: {  	s16 =	sshll.u32 s13, $0x3;
	s17 =	sand.u32 $0x78, s13  }
0xf: {  	s30 =	sand.u32 $0x1F800, s13;
	s12 =	sshll.u32 s12, $0x11;
	s16 =	sand.u32 $0x3C00, s16  }
0x10: {  	[tilespmem:s15+$0x810 ss:$0x81] =	vst.msk $0xffff, v2;
	s31 =	sand.u32 $0x7, s13;
	s16 =	sor.u32 s17, s16;
	s17 =	sadd.s32 s3, s30  }
0x11: {  	[tilespmem:s15+$0x1020 ss:$0x81] =	vst.msk $0xffff, v0;
	s13 =	sshll.u32 s31, $0x12;
	s12 =	sadd.s32 s12, s17;
	s16 =	sshrl.u32 s16, $0x3  }
0x12: {  	[tilespmem:s15+$0x0 ss:$0x81] =	vst.msk $0xffff, v1;
	s13 =	sor.u32 $0x400, s13;
	s12 =	sadd.s32 s16, s12  }
0x13: {  	[hbm4b:s12+s13] =	stream.strided.scatter [tilespmem:s14], [sflag:$0x2], $0x2000, s8, s13, $0x20;
	[tilespmem:$0x8080] =	vst v63  }
.LBB1_5:
0x14: {  	s14 =	sadd.s32 $0x1, s9  }
0x15: {  	s12 =	sadd.s32 $0x1000, s10;
	s16 =	smov.u32 s10;
	p2 =	sgt.s32 s14, $0x31  }
0x16: {  	s16 =	smov.u32 @p2 s12  }
0x17: {  	s14 =	simm.s32 @p2 $0x0;
	p2 =	sgt.s32 s16, $0x3FFF  }
0x18: {  	s16 =	smov.u32 @p2 s2;
	p2 =	sne.s32 s11, s7  }
.Ltmp1:
0x19: {  	p1 =	slt.u32 s11, $0x2;
	(pc) =	sbr.rel @!p2 .LBB1_6-.Ltmp1, $4  }
0x1a: {  	s15 =	simm.s32 @!p1 $0x2  }
0x1b: {  	s13 =	smov.u32 s10;
	p0 =	por !p0, !p0;
	_ =	swait.ge @!p1 [sflag:s15], $0x2000  }
0x1c: {  	s12 =	smov.u32 s9;
	[sflag:s15] =	ssyncset.done @!p1 $0x0;
	s9 =	smov.u32 s14  }
0x1d: {  	s11 =	sadd.s32 $0x1, s11;
	[sflag:s15] =	ssyncadd.s32 @!p1 $0xFFFFE000;
	s10 =	smov.u32 s16  }
.LBB1_1:
0x1e: {  	p1 =	sge.u32 s11, s5  }
0x1f: {  	s14 =	sand.u32 @!p1 $0x1FFFFFF, s9  }
0x20: {  	s15 =	smulhi.u32 @!p1 $0x4924925, s14;
	_ =	sdelay $0x1  }
0x21: {  	s15 =	smul.u32 @!p1 $0x38, s15  }
0x22: {  	s16 =	sxor.u32 @!p1 $0xFFFFFFFF, s11;
	s17 =	smul.u32 @!p1 $0x380, s10  }
0x23: {  	s31 =	sadd.s32 $0xFFFFFFFF, s11;
	s16 =	sshll.u32 @!p1 s16, $0xD;
	s14 =	ssub.s32 @!p1 s14, s15  }
0x24: {  	s15 =	sand.u32 @!p1 $0x2000, s16;
	s16 =	sadd.s32 @!p1 s6, s17;
	s14 =	sshll.u32 @!p1 s14, $0x4  }
0x25: {  	s17 =	simm.s32 @!p1 $0x1C00;
	s14 =	sadd.s32 @!p1 s14, s16;
	s16 =	simm.s32 @!p1 $0x40  }
0x26: {  	[tilespmem:s15], [sflag:$0x1] =	stream.strided.gather @!p1 [hbm4b:s14+s16], $0x2000, s17, s16, $0x38;
	[tilespmem:$0x8080] =	vst v63  }
0x27: {  	p1 =	sge.u32 s31, s5  }
.Ltmp2:
0x28: {  	_ = 	snop;
	(pc) =	sbr.rel @p1 .LBB1_5-.Ltmp2, $1  }
0x29: {  	_ =	sdelay $0x3  }
0x2a: {  	s14 =	simm.s32 $0x1  }
0x2b: {  	_ =	swait.ge [sflag:s4], $0x2000;
	s14 =	simm.s32 @!p0 $0x0  }
0x2c: {  	[sflag:s4] =	ssyncset.done $0x0;
	s15 =	sshll.u32 s14, $0xD  }
0x2d: {  	[sflag:s4] =	ssyncadd.s32 $0xFFFFE000;
	s18 =	sor.u32 $0x20, s15  }
0x2e: {  	s14 =	smul.u32 $0x8100, s14;
	v3 =	vld [tilespmem:s18+$0x10]  }
0x2f: {  	s30 =	sand.u32 $0x1, s11;
	v2 =	vld [tilespmem:s18+$0xFFFFFFF0]  }
0x30: {  	s15 =	smul.u32 $0x8100, s30;
	s14 =	sshrl.u32 s14, $0x2;
	v0 =	vld [tilespmem:s18+$0x0]  }
0x31: {  	v1 =	vld [tilespmem:s18+$0xFFFFFFE0];
	s16 =	sor.u32 $0x4000, s14  }
0x32: {  	s31 =	sshrl.u32 s15, $0x2;
	s15 =	sadd.s32 $0x0, s16  }
0x33: {  	s17 =	simm.s32 $0x4;
	s18 =	sadd.s32 $0x40, s18;
	s14 =	sor.u32 $0x4000, s31;
	[tilespmem:s15+$0x1830 ss:$0x81] =	vst.msk $0xffff, v3  }
.LBB1_3:
0x34: {  	v3 =	vld [tilespmem:s18+$0x10];
	p1 =	sne.s32 s17, $0x1FC;
	[tilespmem:s15+$0x810 ss:$0x81] =	vst.msk $0xffff, v2;
	s19 =	smov.u32 s17;
	s17 =	sadd.s32 $0x4, s17  }
.Ltmp3:
0x35: {  	v2 =	vld [tilespmem:s18+$0xFFFFFFF0];
	[tilespmem:s15+$0x1020 ss:$0x81] =	vst.msk $0xffff, v0;
	(pc) =	sbr.rel @p1 .LBB1_3-.Ltmp3, $4  }
0x36: {  	v0 =	vld [tilespmem:s18+$0x0];
	[tilespmem:s15+$0x0 ss:$0x81] =	vst.msk $0xffff, v1  }
0x37: {  	s15 =	sshra.s32 s19, $0x2;
	v1 =	vld [tilespmem:s18+$0xFFFFFFE0]  }
0x38: {  	s15 =	sadd.s32 s15, s16  }
0x39: {  	s18 =	sadd.s32 $0x40, s18;
	[tilespmem:s15+$0x1830 ss:$0x81] =	vst.msk $0xffff, v3  }
.Ltmp4:
0x3a: {  	_ = 	snop;
	(pc) =	sbr.rel .LBB1_4-.Ltmp4, $1  }
0x3b: {  	_ =	sdelay $0x3  }
.LBB1_6:
0x3c: {  	_ =	sfence.sel $0x180000  }
0x3d: {  	s2 =	simm.s32 $0x1;
	[bflag:$0x0] =	sbarrier.arrive $0xFFFF  }
0x3e: {  	s31 =	simm.s32 $0x2;
	[sflag:s2] =	ssyncpa.u1 $0x1  }
0x3f: {  	[sflag:s31] =	ssyncpa.u1 $0x1  }
0x40: {  	p0 =	sne.s32 s0, $0x0;
	_ =	strace $0x9000004A  }
0x41: {  	s0 =	sadd.s32 @!p0 $0x100000, s1;
	[bflag:$0x2] =	sbarrier.arrive $0xFFFF  }
0x42: {  	[sflag:s0] =	ssyncadd.tile.s32 @!p0 $0x1;
	_ =	shalt  }
.Lfunc_end1:
_tile_overlayer_lowered:
.L_overlay_start_2:
0x43: {  	(tag) =	ssettag $0x2  }
0x44: {  	s0 =	rddreg [dreg:$0x0];
	s2 =	stileid.u32  }
0x45: {  	s1 =	rddreg [dreg:$0x1];
	p0 =	sne.s32 s2, $0x0  }
0x46: {  	s3 =	rddreg [dreg:$0x2];
	[bflag:$0x3] =	sbarrier.arrive $0xFFFF;
	s2 =	simm.s32 @!p0 $0x1C01  }
0x47: {  	[timem:s3], [sflag:s2] =	dma.local @!p0 [hbm:s0], s1  }
0x48: {  	s0 =	simm.s32 @!p0 $0x1  }
0x49: {  	_ =	swait.ge @!p0 [sflag:s0], s1  }
0x4a: {  	s1 =	ssub.s32 @!p0 $0x0, s1;
	[sflag:s0] =	ssyncset.done @!p0 $0x0  }
0x4b: {  	[sflag:s0] =	ssyncadd.s32 @!p0 s1  }
0x4c: {  	[bflag:$0x3] =	sbarrier.arrive $0xFFFF  }
0x4d: {  	_ =	shalt  }

</sc_bundles>
